<compile_context>
chip_gen: v7x
topology: tpu7x:2x2x1
jax: 0.10.2.dev20260603
libtpu: 0.0.44.dev20260713+nightly
codegen_flags: <defaults>
</compile_context>

<pallas_src>
import functools

import jax
import jax.numpy as jnp
from jax import lax
from jax.experimental import pallas as pl
from jax.experimental.pallas import tpu as pltpu
from jax.experimental.pallas import tpu_sc as plsc


def _vq_idx_body(z_ref, cb_ref, idx_ref, cbn_ref):
    @pl.when(jnp.logical_and(pl.program_id(0) == 0, pl.program_id(1) == 0))
    def _():
        cb0 = cb_ref[...]
        cbn_ref[...] = 0.5 * jnp.sum(cb0 * cb0, axis=1, keepdims=True)

    zb = z_ref[0]
    cb = cb_ref[...]
    scores = jax.lax.dot_general(
        cb, zb, (((1,), (0,)), ((), ())),
        preferred_element_type=jnp.float32)
    rank = scores - cbn_ref[...]
    idx = jnp.argmax(rank, axis=0).astype(jnp.int32)
    idx_ref[0, 0, 0] = idx


def _tc_indices(z3, codebook, T):
    B, D, HW = z3.shape
    K = codebook.shape[0]
    NT = HW // T
    idx = pl.pallas_call(
        _vq_idx_body,
        grid=(B, NT),
        in_specs=[
            pl.BlockSpec((1, D, T), lambda b, t: (b, 0, t)),
            pl.BlockSpec((K, D), lambda b, t: (0, 0)),
        ],
        out_specs=pl.BlockSpec((1, 1, 1, T), lambda b, t: (b, t, 0, 0)),
        out_shape=jax.ShapeDtypeStruct((B, NT, 1, T), jnp.int32),
        scratch_shapes=[pltpu.VMEM((K, 1), jnp.float32)],
    )(z3, codebook)
    return idx.reshape(B, HW)


def _make_sc_gather(N, D, C, NB=3):
    info = plsc.get_sparse_core_info()
    NC, NS = info.num_cores, info.num_subcores
    NW = NC * NS
    n_per_w = N // NW
    nch = n_per_w // C
    mesh = plsc.VectorSubcoreMesh(core_axis_name="c", subcore_axis_name="s")

    @functools.partial(
        pl.kernel, mesh=mesh,
        out_type=jax.ShapeDtypeStruct((N, D), jnp.float32),
        scratch_types=[
            pltpu.VMEM((n_per_w,), jnp.int32),
        ] + [pltpu.VMEM((C, D), jnp.float32) for _ in range(NB)]
          + [pltpu.SemaphoreType.DMA((NB,)), pltpu.SemaphoreType.DMA((NB,))],
    )
    def gather(table_hbm, idx_hbm, out_hbm, idx_all, *bufs_and_sems):
        bufs = list(bufs_and_sems[:NB])
        gsem, ssem = bufs_and_sems[NB], bufs_and_sems[NB + 1]
        wid = lax.axis_index("s") * NC + lax.axis_index("c")
        base = wid * n_per_w
        pltpu.sync_copy(idx_hbm.at[pl.ds(base, n_per_w)], idx_all)

        def start_gather(i):
            b = i % NB
            return pltpu.async_copy(
                table_hbm.at[idx_all.at[pl.ds(i * C, C)]], bufs[b],
                gsem.at[b])

        def start_store(i):
            b = i % NB
            return pltpu.async_copy(
                bufs[b], out_hbm.at[pl.ds(base + i * C, C)], ssem.at[b])

        LAG = max(NB // 2, 1)
        ghandles = [None] * nch
        shandles = [None] * nch
        for i in range(nch + LAG):
            if i < nch:
                if i >= NB:
                    shandles[i - NB].wait()
                ghandles[i] = start_gather(i)
            k = i - LAG
            if 0 <= k < nch:
                ghandles[k].wait()
                shandles[k] = start_store(k)
        for k in range(max(nch - NB, 0), nch):
            shandles[k].wait()

    return gather


def kernel(z, codebook):
    B, D, H, W = z.shape
    HW = H * W
    z3 = z.reshape(B, D, HW)
    T = min(4096, HW)
    idx = _tc_indices(z3, codebook, T)
    N = B * HW
    x = _make_sc_gather(N, D, 64, NB=7)(codebook, idx.reshape(N))
    return x.reshape(B, HW, D), idx

# --- scband reference (transcript-rebuilt; emitter-appended) ---
"""Pipeline reference for scband-quantizer-80942953660682 (READ-ONLY COPY).

The authoritative reference and input builder live on the scoring server;
editing this copy changes nothing except your own understanding.
"""

import jax, jax.numpy as jnp
import numpy as np

EMBED_DIM = 256
CODEBOOK_SIZE = 512


def setup_inputs(seed: int = 0) -> dict:
    key = jax.random.key(seed)
    k1, k2 = jax.random.split(key)
    z = jax.random.normal(k1, (16, 256, 64, 64), dtype=jnp.float32)
    # nn.Embedding default init: N(0, 1)
    codebook = jax.random.normal(k2, (CODEBOOK_SIZE, EMBED_DIM), dtype=jnp.float32)
    return {"z": z, "codebook": codebook}


def reference(z, codebook):
    B = z.shape[0]
    # z.view(B, embedding_dim, -1).permute(0, 2, 1)
    z2 = jnp.transpose(jnp.reshape(z, (B, EMBED_DIM, -1)), (0, 2, 1))  # [B, HW, D]
    distances = (
        jnp.sum(z2 ** 2, axis=-1, keepdims=True)
        + jnp.sum(codebook ** 2, axis=1)
        - 2.0 * jnp.matmul(z2, codebook.T)
    )  # [B, HW, K]
    indices = jnp.argmin(distances, axis=-1)  # [B, HW]
    x = jnp.take(codebook, indices, axis=0)  # [B, HW, D]
    return (x, indices)

if __name__ == "__main__":
    import jax
    _d = setup_inputs()
    print(jax.jit(kernel)(*tuple(_d.values())))

</pallas_src>

<mosaic_0001>
#map = affine_map<(d0, d1) -> (0, 0)>
#map1 = affine_map<(d0, d1) -> (0)>
module attributes {stable_mosaic.version = 14 : i64} {
  func.func @gather(%arg0: i32, %arg1: i32, %arg2: memref<512x256xf32, #tpu.memory_space<hbm>>, %arg3: memref<65536xi32, #tpu.memory_space<hbm>>, %arg4: memref<65536x256xf32, #tpu.memory_space<hbm>>, %arg5: memref<2048xi32, #tpu.memory_space<vmem>>, %arg6: memref<64x256xf32, #tpu.memory_space<vmem>>, %arg7: memref<64x256xf32, #tpu.memory_space<vmem>>, %arg8: memref<64x256xf32, #tpu.memory_space<vmem>>, %arg9: memref<64x256xf32, #tpu.memory_space<vmem>>, %arg10: memref<64x256xf32, #tpu.memory_space<vmem>>, %arg11: memref<64x256xf32, #tpu.memory_space<vmem>>, %arg12: memref<64x256xf32, #tpu.memory_space<vmem>>, %arg13: memref<7x!tpu.dma_semaphore, #tpu.memory_space<semaphore_mem>>, %arg14: memref<7x!tpu.dma_semaphore, #tpu.memory_space<semaphore_mem>>) attributes {dimension_semantics = [#tpu.dimension_semantics<core_parallel>, #tpu.dimension_semantics<subcore_parallel>], iteration_bounds = array<i64: 2, 16>, scalar_prefetch = 0 : i64, scratch_operands = 10 : i64, tpu.core_type = #tpu.core_type<sc_vector_subcore>, window_params = [{transform_indices = #map}, {transform_indices = #map1}, {transform_indices = #map}]} {
    %mul3A = arith.constant 2 : i32
    %mul3A_0 = arith.muli %arg1, %mul3A : i32
    %add3A = arith.addi %mul3A_0, %arg0 : i32
    %mul3A_1 = arith.constant 2048 : i32
    %mul3A_2 = arith.muli %add3A, %mul3A_1 : i32
    "tpu.region"() ({
      %run_scoped3A = tpu.sem_alloc : memref<!tpu.dma_semaphore, #tpu.memory_space<semaphore_mem>>
      %dma_start3A_1025 = tpu.memref_slice %arg3[%mul3A_2] : memref<65536xi32, #tpu.memory_space<hbm>> -> memref<2048xi32, #tpu.memory_space<hbm>>
      %dma_start3A_1026 = tpu.memref_slice %arg3[%mul3A_2] : memref<65536xi32, #tpu.memory_space<hbm>> -> memref<2048xi32, #tpu.memory_space<hbm>>
      tpu.enqueue_dma source(%dma_start3A_1026 : memref<2048xi32, #tpu.memory_space<hbm>>) target(%arg5 : memref<2048xi32, #tpu.memory_space<vmem>>) target_semaphore(%run_scoped3A : memref<!tpu.dma_semaphore, #tpu.memory_space<semaphore_mem>>)
      %dma_wait3A_1027 = tpu.memref_slice %arg3[%mul3A_2] : memref<65536xi32, #tpu.memory_space<hbm>> -> memref<2048xi32, #tpu.memory_space<hbm>>
      %dma_wait3A_1028 = tpu.memref_slice %arg3[%mul3A_2] : memref<65536xi32, #tpu.memory_space<hbm>> -> memref<2048xi32, #tpu.memory_space<hbm>>
      tpu.wait_dma2 semaphore(%run_scoped3A : memref<!tpu.dma_semaphore, #tpu.memory_space<semaphore_mem>>) src(%dma_wait3A_1028 : memref<2048xi32, #tpu.memory_space<hbm>>) dst(%arg5 : memref<2048xi32, #tpu.memory_space<vmem>>)
      tpu.yield
    }) : () -> ()
    %dma_start3A = arith.constant 0 : i32
    %dma_start3A_3 = arith.constant 0 : i32
    %dma_start3A_4 = tpu.memref_slice %arg5[%dma_start3A_3] : memref<2048xi32, #tpu.memory_space<vmem>> -> memref<64xi32, #tpu.memory_space<vmem>>
    %dma_start3A_5 = arith.constant 0 : i32
    %dma_start3A_6 = arith.constant 0 : i32
    %dma_start3A_7 = tpu.memref_slice %arg2[%dma_start3A_5, %dma_start3A_6] : memref<512x256xf32, #tpu.memory_space<hbm>> -> memref<512x256xf32, #tpu.memory_space<hbm>>
    %dma_start3A_8 = tpu.memref_slice %arg13[%dma_start3A] : memref<7x!tpu.dma_semaphore, #tpu.memory_space<semaphore_mem>> -> memref<1x!tpu.dma_semaphore, #tpu.memory_space<semaphore_mem>>
    %dma_start3A_9 = tpu.memref_squeeze %dma_start3A_8 : memref<1x!tpu.dma_semaphore, #tpu.memory_space<semaphore_mem>> -> memref<!tpu.dma_semaphore, #tpu.memory_space<semaphore_mem>>
    tpu.enqueue_indirect_dma source(%dma_start3A_7 : memref<512x256xf32, #tpu.memory_space<hbm>>) target(%arg6 : memref<64x256xf32, #tpu.memory_space<vmem>>) offsets(%dma_start3A_4 : memref<64xi32, #tpu.memory_space<vmem>>) semaphore(%dma_start3A_9 : memref<!tpu.dma_semaphore, #tpu.memory_space<semaphore_mem>>)
    %dma_start3A_10 = arith.constant 1 : i32
    %dma_start3A_11 = arith.constant 64 : i32
    %dma_start3A_12 = tpu.memref_slice %arg5[%dma_start3A_11] : memref<2048xi32, #tpu.memory_space<vmem>> -> memref<64xi32, #tpu.memory_space<vmem>>
    %dma_start3A_13 = arith.constant 0 : i32
    %dma_start3A_14 = arith.constant 0 : i32
    %dma_start3A_15 = tpu.memref_slice %arg2[%dma_start3A_13, %dma_start3A_14] : memref<512x256xf32, #tpu.memory_space<hbm>> -> memref<512x256xf32, #tpu.memory_space<hbm>>
    %dma_start3A_16 = tpu.memref_slice %arg13[%dma_start3A_10] : memref<7x!tpu.dma_semaphore, #tpu.memory_space<semaphore_mem>> -> memref<1x!tpu.dma_semaphore, #tpu.memory_space<semaphore_mem>>
    %dma_start3A_17 = tpu.memref_squeeze %dma_start3A_16 : memref<1x!tpu.dma_semaphore, #tpu.memory_space<semaphore_mem>> -> memref<!tpu.dma_semaphore, #tpu.memory_space<semaphore_mem>>
    tpu.enqueue_indirect_dma source(%dma_start3A_15 : memref<512x256xf32, #tpu.memory_space<hbm>>) target(%arg7 : memref<64x256xf32, #tpu.memory_space<vmem>>) offsets(%dma_start3A_12 : memref<64xi32, #tpu.memory_space<vmem>>) semaphore(%dma_start3A_17 : memref<!tpu.dma_semaphore, #tpu.memory_space<semaphore_mem>>)
    %dma_start3A_18 = arith.constant 2 : i32
    %dma_start3A_19 = arith.constant 128 : i32
    %dma_start3A_20 = tpu.memref_slice %arg5[%dma_start3A_19] : memref<2048xi32, #tpu.memory_space<vmem>> -> memref<64xi32, #tpu.memory_space<vmem>>
    %dma_start3A_21 = arith.constant 0 : i32
    %dma_start3A_22 = arith.constant 0 : i32
    %dma_start3A_23 = tpu.memref_slice %arg2[%dma_start3A_21, %dma_start3A_22] : memref<512x256xf32, #tpu.memory_space<hbm>> -> memref<512x256xf32, #tpu.memory_space<hbm>>
    %dma_start3A_24 = tpu.memref_slice %arg13[%dma_start3A_18] : memref<7x!tpu.dma_semaphore, #tpu.memory_space<semaphore_mem>> -> memref<1x!tpu.dma_semaphore, #tpu.memory_space<semaphore_mem>>
    %dma_start3A_25 = tpu.memref_squeeze %dma_start3A_24 : memref<1x!tpu.dma_semaphore, #tpu.memory_space<semaphore_mem>> -> memref<!tpu.dma_semaphore, #tpu.memory_space<semaphore_mem>>
    tpu.enqueue_indirect_dma source(%dma_start3A_23 : memref<512x256xf32, #tpu.memory_space<hbm>>) target(%arg8 : memref<64x256xf32, #tpu.memory_space<vmem>>) offsets(%dma_start3A_20 : memref<64xi32, #tpu.memory_space<vmem>>) semaphore(%dma_start3A_25 : memref<!tpu.dma_semaphore, #tpu.memory_space<semaphore_mem>>)
    %dma_start3A_26 = arith.constant 3 : i32
    %dma_start3A_27 = arith.constant 192 : i32
    %dma_start3A_28 = tpu.memref_slice %arg5[%dma_start3A_27] : memref<2048xi32, #tpu.memory_space<vmem>> -> memref<64xi32, #tpu.memory_space<vmem>>
    %dma_start3A_29 = arith.constant 0 : i32
    %dma_start3A_30 = arith.constant 0 : i32
    %dma_start3A_31 = tpu.memref_slice %arg2[%dma_start3A_29, %dma_start3A_30] : memref<512x256xf32, #tpu.memory_space<hbm>> -> memref<512x256xf32, #tpu.memory_space<hbm>>
    %dma_start3A_32 = tpu.memref_slice %arg13[%dma_start3A_26] : memref<7x!tpu.dma_semaphore, #tpu.memory_space<semaphore_mem>> -> memref<1x!tpu.dma_semaphore, #tpu.memory_space<semaphore_mem>>
    %dma_start3A_33 = tpu.memref_squeeze %dma_start3A_32 : memref<1x!tpu.dma_semaphore, #tpu.memory_space<semaphore_mem>> -> memref<!tpu.dma_semaphore, #tpu.memory_space<semaphore_mem>>
    tpu.enqueue_indirect_dma source(%dma_start3A_31 : memref<512x256xf32, #tpu.memory_space<hbm>>) target(%arg9 : memref<64x256xf32, #tpu.memory_space<vmem>>) offsets(%dma_start3A_28 : memref<64xi32, #tpu.memory_space<vmem>>) semaphore(%dma_start3A_33 : memref<!tpu.dma_semaphore, #tpu.memory_space<semaphore_mem>>)
    %dma_wait3A = arith.constant 0 : i32
    %dma_wait3A_34 = arith.constant 0 : i32
    %dma_wait3A_35 = tpu.memref_slice %arg5[%dma_wait3A_34] : memref<2048xi32, #tpu.memory_space<vmem>> -> memref<64xi32, #tpu.memory_space<vmem>>
    %dma_wait3A_36 = arith.constant 0 : i32
    %dma_wait3A_37 = arith.constant 0 : i32
    %dma_wait3A_38 = tpu.memref_slice %arg2[%dma_wait3A_36, %dma_wait3A_37] : memref<512x256xf32, #tpu.memory_space<hbm>> -> memref<512x256xf32, #tpu.memory_space<hbm>>
    %dma_wait3A_39 = tpu.memref_slice %arg13[%dma_wait3A] : memref<7x!tpu.dma_semaphore, #tpu.memory_space<semaphore_mem>> -> memref<1x!tpu.dma_semaphore, #tpu.memory_space<semaphore_mem>>
    %dma_wait3A_40 = tpu.memref_squeeze %dma_wait3A_39 : memref<1x!tpu.dma_semaphore, #tpu.memory_space<semaphore_mem>> -> memref<!tpu.dma_semaphore, #tpu.memory_space<semaphore_mem>>
    tpu.wait_indirect_dma semaphore(%dma_wait3A_40 : memref<!tpu.dma_semaphore, #tpu.memory_space<semaphore_mem>>) src(%dma_wait3A_38 : memref<512x256xf32, #tpu.memory_space<hbm>>) dst(%arg6 : memref<64x256xf32, #tpu.memory_space<vmem>>)
    %add3A_41 = arith.constant 0 : i32
    %add3A_42 = arith.addi %mul3A_2, %add3A_41 : i32
    %dma_start3A_43 = arith.constant 0 : i32
    %dma_start3A_44 = arith.constant 0 : i32
    %dma_start3A_45 = tpu.memref_slice %arg4[%add3A_42, %dma_start3A_44] : memref<65536x256xf32, #tpu.memory_space<hbm>> -> memref<64x256xf32, #tpu.memory_space<hbm>>
    %dma_start3A_46 = tpu.memref_slice %arg14[%dma_start3A_43] : memref<7x!tpu.dma_semaphore, #tpu.memory_space<semaphore_mem>> -> memref<1x!tpu.dma_semaphore, #tpu.memory_space<semaphore_mem>>
    %dma_start3A_47 = tpu.memref_squeeze %dma_start3A_46 : memref<1x!tpu.dma_semaphore, #tpu.memory_space<semaphore_mem>> -> memref<!tpu.dma_semaphore, #tpu.memory_space<semaphore_mem>>
    %dma_start3A_48 = arith.constant 0 : i32
    %dma_start3A_49 = tpu.memref_slice %arg4[%add3A_42, %dma_start3A_48] : memref<65536x256xf32, #tpu.memory_space<hbm>> -> memref<64x256xf32, #tpu.memory_space<hbm>>
    tpu.enqueue_dma source(%arg6 : memref<64x256xf32, #tpu.memory_space<vmem>>) target(%dma_start3A_49 : memref<64x256xf32, #tpu.memory_space<hbm>>) target_semaphore(%dma_start3A_47 : memref<!tpu.dma_semaphore, #tpu.memory_space<semaphore_mem>>)
    %dma_start3A_50 = arith.constant 4 : i32
    %dma_start3A_51 = arith.constant 256 : i32
    %dma_start3A_52 = tpu.memref_slice %arg5[%dma_start3A_51] : memref<2048xi32, #tpu.memory_space<vmem>> -> memref<64xi32, #tpu.memory_space<vmem>>
    %dma_start3A_53 = arith.constant 0 : i32
    %dma_start3A_54 = arith.constant 0 : i32
    %dma_start3A_55 = tpu.memref_slice %arg2[%dma_start3A_53, %dma_start3A_54] : memref<512x256xf32, #tpu.memory_space<hbm>> -> memref<512x256xf32, #tpu.memory_space<hbm>>
    %dma_start3A_56 = tpu.memref_slice %arg13[%dma_start3A_50] : memref<7x!tpu.dma_semaphore, #tpu.memory_space<semaphore_mem>> -> memref<1x!tpu.dma_semaphore, #tpu.memory_space<semaphore_mem>>
    %dma_start3A_57 = tpu.memref_squeeze %dma_start3A_56 : memref<1x!tpu.dma_semaphore, #tpu.memory_space<semaphore_mem>> -> memref<!tpu.dma_semaphore, #tpu.memory_space<semaphore_mem>>
    tpu.enqueue_indirect_dma source(%dma_start3A_55 : memref<512x256xf32, #tpu.memory_space<hbm>>) target(%arg10 : memref<64x256xf32, #tpu.memory_space<vmem>>) offsets(%dma_start3A_52 : memref<64xi32, #tpu.memory_space<vmem>>) semaphore(%dma_start3A_57 : memref<!tpu.dma_semaphore, #tpu.memory_space<semaphore_mem>>)
    %dma_wait3A_58 = arith.constant 1 : i32
    %dma_wait3A_59 = arith.constant 64 : i32
    %dma_wait3A_60 = tpu.memref_slice %arg5[%dma_wait3A_59] : memref<2048xi32, #tpu.memory_space<vmem>> -> memref<64xi32, #tpu.memory_space<vmem>>
    %dma_wait3A_61 = arith.constant 0 : i32
    %dma_wait3A_62 = arith.constant 0 : i32
    %dma_wait3A_63 = tpu.memref_slice %arg2[%dma_wait3A_61, %dma_wait3A_62] : memref<512x256xf32, #tpu.memory_space<hbm>> -> memref<512x256xf32, #tpu.memory_space<hbm>>
    %dma_wait3A_64 = tpu.memref_slice %arg13[%dma_wait3A_58] : memref<7x!tpu.dma_semaphore, #tpu.memory_space<semaphore_mem>> -> memref<1x!tpu.dma_semaphore, #tpu.memory_space<semaphore_mem>>
    %dma_wait3A_65 = tpu.memref_squeeze %dma_wait3A_64 : memref<1x!tpu.dma_semaphore, #tpu.memory_space<semaphore_mem>> -> memref<!tpu.dma_semaphore, #tpu.memory_space<semaphore_mem>>
    tpu.wait_indirect_dma semaphore(%dma_wait3A_65 : memref<!tpu.dma_semaphore, #tpu.memory_space<semaphore_mem>>) src(%dma_wait3A_63 : memref<512x256xf32, #tpu.memory_space<hbm>>) dst(%arg7 : memref<64x256xf32, #tpu.memory_space<vmem>>)
    %add3A_66 = arith.constant 64 : i32
    %add3A_67 = arith.addi %mul3A_2, %add3A_66 : i32
    %dma_start3A_68 = arith.constant 1 : i32
    %dma_start3A_69 = arith.constant 0 : i32
    %dma_start3A_70 = tpu.memref_slice %arg4[%add3A_67, %dma_start3A_69] : memref<65536x256xf32, #tpu.memory_space<hbm>> -> memref<64x256xf32, #tpu.memory_space<hbm>>
    %dma_start3A_71 = tpu.memref_slice %arg14[%dma_start3A_68] : memref<7x!tpu.dma_semaphore, #tpu.memory_space<semaphore_mem>> -> memref<1x!tpu.dma_semaphore, #tpu.memory_space<semaphore_mem>>
    %dma_start3A_72 = tpu.memref_squeeze %dma_start3A_71 : memref<1x!tpu.dma_semaphore, #tpu.memory_space<semaphore_mem>> -> memref<!tpu.dma_semaphore, #tpu.memory_space<semaphore_mem>>
    %dma_start3A_73 = arith.constant 0 : i32
    %dma_start3A_74 = tpu.memref_slice %arg4[%add3A_67, %dma_start3A_73] : memref<65536x256xf32, #tpu.memory_space<hbm>> -> memref<64x256xf32, #tpu.memory_space<hbm>>
    tpu.enqueue_dma source(%arg7 : memref<64x256xf32, #tpu.memory_space<vmem>>) target(%dma_start3A_74 : memref<64x256xf32, #tpu.memory_space<hbm>>) target_semaphore(%dma_start3A_72 : memref<!tpu.dma_semaphore, #tpu.memory_space<semaphore_mem>>)
    %dma_start3A_75 = arith.constant 5 : i32
    %dma_start3A_76 = arith.constant 320 : i32
    %dma_start3A_77 = tpu.memref_slice %arg5[%dma_start3A_76] : memref<2048xi32, #tpu.memory_space<vmem>> -> memref<64xi32, #tpu.memory_space<vmem>>
    %dma_start3A_78 = arith.constant 0 : i32
    %dma_start3A_79 = arith.constant 0 : i32
    %dma_start3A_80 = tpu.memref_slice %arg2[%dma_start3A_78, %dma_start3A_79] : memref<512x256xf32, #tpu.memory_space<hbm>> -> memref<512x256xf32, #tpu.memory_space<hbm>>
    %dma_start3A_81 = tpu.memref_slice %arg13[%dma_start3A_75] : memref<7x!tpu.dma_semaphore, #tpu.memory_space<semaphore_mem>> -> memref<1x!tpu.dma_semaphore, #tpu.memory_space<semaphore_mem>>
    %dma_start3A_82 = tpu.memref_squeeze %dma_start3A_81 : memref<1x!tpu.dma_semaphore, #tpu.memory_space<semaphore_mem>> -> memref<!tpu.dma_semaphore, #tpu.memory_space<semaphore_mem>>
    tpu.enqueue_indirect_dma source(%dma_start3A_80 : memref<512x256xf32, #tpu.memory_space<hbm>>) target(%arg11 : memref<64x256xf32, #tpu.memory_space<vmem>>) offsets(%dma_start3A_77 : memref<64xi32, #tpu.memory_space<vmem>>) semaphore(%dma_start3A_82 : memref<!tpu.dma_semaphore, #tpu.memory_space<semaphore_mem>>)
    %dma_wait3A_83 = arith.constant 2 : i32
    %dma_wait3A_84 = arith.constant 128 : i32
    %dma_wait3A_85 = tpu.memref_slice %arg5[%dma_wait3A_84] : memref<2048xi32, #tpu.memory_space<vmem>> -> memref<64xi32, #tpu.memory_space<vmem>>
    %dma_wait3A_86 = arith.constant 0 : i32
    %dma_wait3A_87 = arith.constant 0 : i32
    %dma_wait3A_88 = tpu.memref_slice %arg2[%dma_wait3A_86, %dma_wait3A_87] : memref<512x256xf32, #tpu.memory_space<hbm>> -> memref<512x256xf32, #tpu.memory_space<hbm>>
    %dma_wait3A_89 = tpu.memref_slice %arg13[%dma_wait3A_83] : memref<7x!tpu.dma_semaphore, #tpu.memory_space<semaphore_mem>> -> memref<1x!tpu.dma_semaphore, #tpu.memory_space<semaphore_mem>>
    %dma_wait3A_90 = tpu.memref_squeeze %dma_wait3A_89 : memref<1x!tpu.dma_semaphore, #tpu.memory_space<semaphore_mem>> -> memref<!tpu.dma_semaphore, #tpu.memory_space<semaphore_mem>>
    tpu.wait_indirect_dma semaphore(%dma_wait3A_90 : memref<!tpu.dma_semaphore, #tpu.memory_space<semaphore_mem>>) src(%dma_wait3A_88 : memref<512x256xf32, #tpu.memory_space<hbm>>) dst(%arg8 : memref<64x256xf32, #tpu.memory_space<vmem>>)
    %add3A_91 = arith.constant 128 : i32
    %add3A_92 = arith.addi %mul3A_2, %add3A_91 : i32
    %dma_start3A_93 = arith.constant 2 : i32
    %dma_start3A_94 = arith.constant 0 : i32
    %dma_start3A_95 = tpu.memref_slice %arg4[%add3A_92, %dma_start3A_94] : memref<65536x256xf32, #tpu.memory_space<hbm>> -> memref<64x256xf32, #tpu.memory_space<hbm>>
    %dma_start3A_96 = tpu.memref_slice %arg14[%dma_start3A_93] : memref<7x!tpu.dma_semaphore, #tpu.memory_space<semaphore_mem>> -> memref<1x!tpu.dma_semaphore, #tpu.memory_space<semaphore_mem>>
    %dma_start3A_97 = tpu.memref_squeeze %dma_start3A_96 : memref<1x!tpu.dma_semaphore, #tpu.memory_space<semaphore_mem>> -> memref<!tpu.dma_semaphore, #tpu.memory_space<semaphore_mem>>
    %dma_start3A_98 = arith.constant 0 : i32
    %dma_start3A_99 = tpu.memref_slice %arg4[%add3A_92, %dma_start3A_98] : memref<65536x256xf32, #tpu.memory_space<hbm>> -> memref<64x256xf32, #tpu.memory_space<hbm>>
    tpu.enqueue_dma source(%arg8 : memref<64x256xf32, #tpu.memory_space<vmem>>) target(%dma_start3A_99 : memref<64x256xf32, #tpu.memory_space<hbm>>) target_semaphore(%dma_start3A_97 : memref<!tpu.dma_semaphore, #tpu.memory_space<semaphore_mem>>)
    %dma_start3A_100 = arith.constant 6 : i32
    %dma_start3A_101 = arith.constant 384 : i32
    %dma_start3A_102 = tpu.memref_slice %arg5[%dma_start3A_101] : memref<2048xi32, #tpu.memory_space<vmem>> -> memref<64xi32, #tpu.memory_space<vmem>>
    %dma_start3A_103 = arith.constant 0 : i32
    %dma_start3A_104 = arith.constant 0 : i32
    %dma_start3A_105 = tpu.memref_slice %arg2[%dma_start3A_103, %dma_start3A_104] : memref<512x256xf32, #tpu.memory_space<hbm>> -> memref<512x256xf32, #tpu.memory_space<hbm>>
    %dma_start3A_106 = tpu.memref_slice %arg13[%dma_start3A_100] : memref<7x!tpu.dma_semaphore, #tpu.memory_space<semaphore_mem>> -> memref<1x!tpu.dma_semaphore, #tpu.memory_space<semaphore_mem>>
    %dma_start3A_107 = tpu.memref_squeeze %dma_start3A_106 : memref<1x!tpu.dma_semaphore, #tpu.memory_space<semaphore_mem>> -> memref<!tpu.dma_semaphore, #tpu.memory_space<semaphore_mem>>
    tpu.enqueue_indirect_dma source(%dma_start3A_105 : memref<512x256xf32, #tpu.memory_space<hbm>>) target(%arg12 : memref<64x256xf32, #tpu.memory_space<vmem>>) offsets(%dma_start3A_102 : memref<64xi32, #tpu.memory_space<vmem>>) semaphore(%dma_start3A_107 : memref<!tpu.dma_semaphore, #tpu.memory_space<semaphore_mem>>)
    %dma_wait3A_108 = arith.constant 3 : i32
    %dma_wait3A_109 = arith.constant 192 : i32
    %dma_wait3A_110 = tpu.memref_slice %arg5[%dma_wait3A_109] : memref<2048xi32, #tpu.memory_space<vmem>> -> memref<64xi32, #tpu.memory_space<vmem>>
    %dma_wait3A_111 = arith.constant 0 : i32
    %dma_wait3A_112 = arith.constant 0 : i32
    %dma_wait3A_113 = tpu.memref_slice %arg2[%dma_wait3A_111, %dma_wait3A_112] : memref<512x256xf32, #tpu.memory_space<hbm>> -> memref<512x256xf32, #tpu.memory_space<hbm>>
    %dma_wait3A_114 = tpu.memref_slice %arg13[%dma_wait3A_108] : memref<7x!tpu.dma_semaphore, #tpu.memory_space<semaphore_mem>> -> memref<1x!tpu.dma_semaphore, #tpu.memory_space<semaphore_mem>>
    %dma_wait3A_115 = tpu.memref_squeeze %dma_wait3A_114 : memref<1x!tpu.dma_semaphore, #tpu.memory_space<semaphore_mem>> -> memref<!tpu.dma_semaphore, #tpu.memory_space<semaphore_mem>>
    tpu.wait_indirect_dma semaphore(%dma_wait3A_115 : memref<!tpu.dma_semaphore, #tpu.memory_space<semaphore_mem>>) src(%dma_wait3A_113 : memref<512x256xf32, #tpu.memory_space<hbm>>) dst(%arg9 : memref<64x256xf32, #tpu.memory_space<vmem>>)
    %add3A_116 = arith.constant 192 : i32
    %add3A_117 = arith.addi %mul3A_2, %add3A_116 : i32
    %dma_start3A_118 = arith.constant 3 : i32
    %dma_start3A_119 = arith.constant 0 : i32
    %dma_start3A_120 = tpu.memref_slice %arg4[%add3A_117, %dma_start3A_119] : memref<65536x256xf32, #tpu.memory_space<hbm>> -> memref<64x256xf32, #tpu.memory_space<hbm>>
    %dma_start3A_121 = tpu.memref_slice %arg14[%dma_start3A_118] : memref<7x!tpu.dma_semaphore, #tpu.memory_space<semaphore_mem>> -> memref<1x!tpu.dma_semaphore, #tpu.memory_space<semaphore_mem>>
    %dma_start3A_122 = tpu.memref_squeeze %dma_start3A_121 : memref<1x!tpu.dma_semaphore, #tpu.memory_space<semaphore_mem>> -> memref<!tpu.dma_semaphore, #tpu.memory_space<semaphore_mem>>
    %dma_start3A_123 = arith.constant 0 : i32
    %dma_start3A_124 = tpu.memref_slice %arg4[%add3A_117, %dma_start3A_123] : memref<65536x256xf32, #tpu.memory_space<hbm>> -> memref<64x256xf32, #tpu.memory_space<hbm>>
    tpu.enqueue_dma source(%arg9 : memref<64x256xf32, #tpu.memory_space<vmem>>) target(%dma_start3A_124 : memref<64x256xf32, #tpu.memory_space<hbm>>) target_semaphore(%dma_start3A_122 : memref<!tpu.dma_semaphore, #tpu.memory_space<semaphore_mem>>)
    %dma_wait3A_125 = arith.constant 0 : i32
    %dma_wait3A_126 = arith.constant 0 : i32
    %dma_wait3A_127 = tpu.memref_slice %arg4[%add3A_42, %dma_wait3A_126] : memref<65536x256xf32, #tpu.memory_space<hbm>> -> memref<64x256xf32, #tpu.memory_space<hbm>>
    %dma_wait3A_128 = tpu.memref_slice %arg14[%dma_wait3A_125] : memref<7x!tpu.dma_semaphore, #tpu.memory_space<semaphore_mem>> -> memref<1x!tpu.dma_semaphore, #tpu.memory_space<semaphore_mem>>
    %dma_wait3A_129 = tpu.memref_squeeze %dma_wait3A_128 : memref<1x!tpu.dma_semaphore, #tpu.memory_space<semaphore_mem>> -> memref<!tpu.dma_semaphore, #tpu.memory_space<semaphore_mem>>
    %dma_wait3A_130 = arith.constant 0 : i32
    %dma_wait3A_131 = tpu.memref_slice %arg4[%add3A_42, %dma_wait3A_130] : memref<65536x256xf32, #tpu.memory_space<hbm>> -> memref<64x256xf32, #tpu.memory_space<hbm>>
    tpu.wait_dma2 semaphore(%dma_wait3A_129 : memref<!tpu.dma_semaphore, #tpu.memory_space<semaphore_mem>>) src(%arg6 : memref<64x256xf32, #tpu.memory_space<vmem>>) dst(%dma_wait3A_131 : memref<64x256xf32, #tpu.memory_space<hbm>>)
    %dma_start3A_132 = arith.constant 0 : i32
    %dma_start3A_133 = arith.constant 448 : i32
    %dma_start3A_134 = tpu.memref_slice %arg5[%dma_start3A_133] : memref<2048xi32, #tpu.memory_space<vmem>> -> memref<64xi32, #tpu.memory_space<vmem>>
    %dma_start3A_135 = arith.constant 0 : i32
    %dma_start3A_136 = arith.constant 0 : i32
    %dma_start3A_137 = tpu.memref_slice %arg2[%dma_start3A_135, %dma_start3A_136] : memref<512x256xf32, #tpu.memory_space<hbm>> -> memref<512x256xf32, #tpu.memory_space<hbm>>
    %dma_start3A_138 = tpu.memref_slice %arg13[%dma_start3A_132] : memref<7x!tpu.dma_semaphore, #tpu.memory_space<semaphore_mem>> -> memref<1x!tpu.dma_semaphore, #tpu.memory_space<semaphore_mem>>
    %dma_start3A_139 = tpu.memref_squeeze %dma_start3A_138 : memref<1x!tpu.dma_semaphore, #tpu.memory_space<semaphore_mem>> -> memref<!tpu.dma_semaphore, #tpu.memory_space<semaphore_mem>>
    tpu.enqueue_indirect_dma source(%dma_start3A_137 : memref<512x256xf32, #tpu.memory_space<hbm>>) target(%arg6 : memref<64x256xf32, #tpu.memory_space<vmem>>) offsets(%dma_start3A_134 : memref<64xi32, #tpu.memory_space<vmem>>) semaphore(%dma_start3A_139 : memref<!tpu.dma_semaphore, #tpu.memory_space<semaphore_mem>>)
    %dma_wait3A_140 = arith.constant 4 : i32
    %dma_wait3A_141 = arith.constant 256 : i32
    %dma_wait3A_142 = tpu.memref_slice %arg5[%dma_wait3A_141] : memref<2048xi32, #tpu.memory_space<vmem>> -> memref<64xi32, #tpu.memory_space<vmem>>
    %dma_wait3A_143 = arith.constant 0 : i32
    %dma_wait3A_144 = arith.constant 0 : i32
    %dma_wait3A_145 = tpu.memref_slice %arg2[%dma_wait3A_143, %dma_wait3A_144] : memref<512x256xf32, #tpu.memory_space<hbm>> -> memref<512x256xf32, #tpu.memory_space<hbm>>
    %dma_wait3A_146 = tpu.memref_slice %arg13[%dma_wait3A_140] : memref<7x!tpu.dma_semaphore, #tpu.memory_space<semaphore_mem>> -> memref<1x!tpu.dma_semaphore, #tpu.memory_space<semaphore_mem>>
    %dma_wait3A_147 = tpu.memref_squeeze %dma_wait3A_146 : memref<1x!tpu.dma_semaphore, #tpu.memory_space<semaphore_mem>> -> memref<!tpu.dma_semaphore, #tpu.memory_space<semaphore_mem>>
    tpu.wait_indirect_dma semaphore(%dma_wait3A_147 : memref<!tpu.dma_semaphore, #tpu.memory_space<semaphore_mem>>) src(%dma_wait3A_145 : memref<512x256xf32, #tpu.memory_space<hbm>>) dst(%arg10 : memref<64x256xf32, #tpu.memory_space<vmem>>)
    %add3A_148 = arith.constant 256 : i32
    %add3A_149 = arith.addi %mul3A_2, %add3A_148 : i32
    %dma_start3A_150 = arith.constant 4 : i32
    %dma_start3A_151 = arith.constant 0 : i32
    %dma_start3A_152 = tpu.memref_slice %arg4[%add3A_149, %dma_start3A_151] : memref<65536x256xf32, #tpu.memory_space<hbm>> -> memref<64x256xf32, #tpu.memory_space<hbm>>
    %dma_start3A_153 = tpu.memref_slice %arg14[%dma_start3A_150] : memref<7x!tpu.dma_semaphore, #tpu.memory_space<semaphore_mem>> -> memref<1x!tpu.dma_semaphore, #tpu.memory_space<semaphore_mem>>
    %dma_start3A_154 = tpu.memref_squeeze %dma_start3A_153 : memref<1x!tpu.dma_semaphore, #tpu.memory_space<semaphore_mem>> -> memref<!tpu.dma_semaphore, #tpu.memory_space<semaphore_mem>>
    %dma_start3A_155 = arith.constant 0 : i32
    %dma_start3A_156 = tpu.memref_slice %arg4[%add3A_149, %dma_start3A_155] : memref<65536x256xf32, #tpu.memory_space<hbm>> -> memref<64x256xf32, #tpu.memory_space<hbm>>
    tpu.enqueue_dma source(%arg10 : memref<64x256xf32, #tpu.memory_space<vmem>>) target(%dma_start3A_156 : memref<64x256xf32, #tpu.memory_space<hbm>>) target_semaphore(%dma_start3A_154 : memref<!tpu.dma_semaphore, #tpu.memory_space<semaphore_mem>>)
    %dma_wait3A_157 = arith.constant 1 : i32
    %dma_wait3A_158 = arith.constant 0 : i32
    %dma_wait3A_159 = tpu.memref_slice %arg4[%add3A_67, %dma_wait3A_158] : memref<65536x256xf32, #tpu.memory_space<hbm>> -> memref<64x256xf32, #tpu.memory_space<hbm>>
    %dma_wait3A_160 = tpu.memref_slice %arg14[%dma_wait3A_157] : memref<7x!tpu.dma_semaphore, #tpu.memory_space<semaphore_mem>> -> memref<1x!tpu.dma_semaphore, #tpu.memory_space<semaphore_mem>>
    %dma_wait3A_161 = tpu.memref_squeeze %dma_wait3A_160 : memref<1x!tpu.dma_semaphore, #tpu.memory_space<semaphore_mem>> -> memref<!tpu.dma_semaphore, #tpu.memory_space<semaphore_mem>>
    %dma_wait3A_162 = arith.constant 0 : i32
    %dma_wait3A_163 = tpu.memref_slice %arg4[%add3A_67, %dma_wait3A_162] : memref<65536x256xf32, #tpu.memory_space<hbm>> -> memref<64x256xf32, #tpu.memory_space<hbm>>
    tpu.wait_dma2 semaphore(%dma_wait3A_161 : memref<!tpu.dma_semaphore, #tpu.memory_space<semaphore_mem>>) src(%arg7 : memref<64x256xf32, #tpu.memory_space<vmem>>) dst(%dma_wait3A_163 : memref<64x256xf32, #tpu.memory_space<hbm>>)
    %dma_start3A_164 = arith.constant 1 : i32
    %dma_start3A_165 = arith.constant 512 : i32
    %dma_start3A_166 = tpu.memref_slice %arg5[%dma_start3A_165] : memref<2048xi32, #tpu.memory_space<vmem>> -> memref<64xi32, #tpu.memory_space<vmem>>
    %dma_start3A_167 = arith.constant 0 : i32
    %dma_start3A_168 = arith.constant 0 : i32
    %dma_start3A_169 = tpu.memref_slice %arg2[%dma_start3A_167, %dma_start3A_168] : memref<512x256xf32, #tpu.memory_space<hbm>> -> memref<512x256xf32, #tpu.memory_space<hbm>>
    %dma_start3A_170 = tpu.memref_slice %arg13[%dma_start3A_164] : memref<7x!tpu.dma_semaphore, #tpu.memory_space<semaphore_mem>> -> memref<1x!tpu.dma_semaphore, #tpu.memory_space<semaphore_mem>>
    %dma_start3A_171 = tpu.memref_squeeze %dma_start3A_170 : memref<1x!tpu.dma_semaphore, #tpu.memory_space<semaphore_mem>> -> memref<!tpu.dma_semaphore, #tpu.memory_space<semaphore_mem>>
    tpu.enqueue_indirect_dma source(%dma_start3A_169 : memref<512x256xf32, #tpu.memory_space<hbm>>) target(%arg7 : memref<64x256xf32, #tpu.memory_space<vmem>>) offsets(%dma_start3A_166 : memref<64xi32, #tpu.memory_space<vmem>>) semaphore(%dma_start3A_171 : memref<!tpu.dma_semaphore, #tpu.memory_space<semaphore_mem>>)
    %dma_wait3A_172 = arith.constant 5 : i32
    %dma_wait3A_173 = arith.constant 320 : i32
    %dma_wait3A_174 = tpu.memref_slice %arg5[%dma_wait3A_173] : memref<2048xi32, #tpu.memory_space<vmem>> -> memref<64xi32, #tpu.memory_space<vmem>>
    %dma_wait3A_175 = arith.constant 0 : i32
    %dma_wait3A_176 = arith.constant 0 : i32
    %dma_wait3A_177 = tpu.memref_slice %arg2[%dma_wait3A_175, %dma_wait3A_176] : memref<512x256xf32, #tpu.memory_space<hbm>> -> memref<512x256xf32, #tpu.memory_space<hbm>>
    %dma_wait3A_178 = tpu.memref_slice %arg13[%dma_wait3A_172] : memref<7x!tpu.dma_semaphore, #tpu.memory_space<semaphore_mem>> -> memref<1x!tpu.dma_semaphore, #tpu.memory_space<semaphore_mem>>
    %dma_wait3A_179 = tpu.memref_squeeze %dma_wait3A_178 : memref<1x!tpu.dma_semaphore, #tpu.memory_space<semaphore_mem>> -> memref<!tpu.dma_semaphore, #tpu.memory_space<semaphore_mem>>
    tpu.wait_indirect_dma semaphore(%dma_wait3A_179 : memref<!tpu.dma_semaphore, #tpu.memory_space<semaphore_mem>>) src(%dma_wait3A_177 : memref<512x256xf32, #tpu.memory_space<hbm>>) dst(%arg11 : memref<64x256xf32, #tpu.memory_space<vmem>>)
    %add3A_180 = arith.constant 320 : i32
    %add3A_181 = arith.addi %mul3A_2, %add3A_180 : i32
    %dma_start3A_182 = arith.constant 5 : i32
    %dma_start3A_183 = arith.constant 0 : i32
    %dma_start3A_184 = tpu.memref_slice %arg4[%add3A_181, %dma_start3A_183] : memref<65536x256xf32, #tpu.memory_space<hbm>> -> memref<64x256xf32, #tpu.memory_space<hbm>>
    %dma_start3A_185 = tpu.memref_slice %arg14[%dma_start3A_182] : memref<7x!tpu.dma_semaphore, #tpu.memory_space<semaphore_mem>> -> memref<1x!tpu.dma_semaphore, #tpu.memory_space<semaphore_mem>>
    %dma_start3A_186 = tpu.memref_squeeze %dma_start3A_185 : memref<1x!tpu.dma_semaphore, #tpu.memory_space<semaphore_mem>> -> memref<!tpu.dma_semaphore, #tpu.memory_space<semaphore_mem>>
    %dma_start3A_187 = arith.constant 0 : i32
    %dma_start3A_188 = tpu.memref_slice %arg4[%add3A_181, %dma_start3A_187] : memref<65536x256xf32, #tpu.memory_space<hbm>> -> memref<64x256xf32, #tpu.memory_space<hbm>>
    tpu.enqueue_dma source(%arg11 : memref<64x256xf32, #tpu.memory_space<vmem>>) target(%dma_start3A_188 : memref<64x256xf32, #tpu.memory_space<hbm>>) target_semaphore(%dma_start3A_186 : memref<!tpu.dma_semaphore, #tpu.memory_space<semaphore_mem>>)
    %dma_wait3A_189 = arith.constant 2 : i32
    %dma_wait3A_190 = arith.constant 0 : i32
    %dma_wait3A_191 = tpu.memref_slice %arg4[%add3A_92, %dma_wait3A_190] : memref<65536x256xf32, #tpu.memory_space<hbm>> -> memref<64x256xf32, #tpu.memory_space<hbm>>
    %dma_wait3A_192 = tpu.memref_slice %arg14[%dma_wait3A_189] : memref<7x!tpu.dma_semaphore, #tpu.memory_space<semaphore_mem>> -> memref<1x!tpu.dma_semaphore, #tpu.memory_space<semaphore_mem>>
    %dma_wait3A_193 = tpu.memref_squeeze %dma_wait3A_192 : memref<1x!tpu.dma_semaphore, #tpu.memory_space<semaphore_mem>> -> memref<!tpu.dma_semaphore, #tpu.memory_space<semaphore_mem>>
    %dma_wait3A_194 = arith.constant 0 : i32
    %dma_wait3A_195 = tpu.memref_slice %arg4[%add3A_92, %dma_wait3A_194] : memref<65536x256xf32, #tpu.memory_space<hbm>> -> memref<64x256xf32, #tpu.memory_space<hbm>>
    tpu.wait_dma2 semaphore(%dma_wait3A_193 : memref<!tpu.dma_semaphore, #tpu.memory_space<semaphore_mem>>) src(%arg8 : memref<64x256xf32, #tpu.memory_space<vmem>>) dst(%dma_wait3A_195 : memref<64x256xf32, #tpu.memory_space<hbm>>)
    %dma_start3A_196 = arith.constant 2 : i32
    %dma_start3A_197 = arith.constant 576 : i32
    %dma_start3A_198 = tpu.memref_slice %arg5[%dma_start3A_197] : memref<2048xi32, #tpu.memory_space<vmem>> -> memref<64xi32, #tpu.memory_space<vmem>>
    %dma_start3A_199 = arith.constant 0 : i32
    %dma_start3A_200 = arith.constant 0 : i32
    %dma_start3A_201 = tpu.memref_slice %arg2[%dma_start3A_199, %dma_start3A_200] : memref<512x256xf32, #tpu.memory_space<hbm>> -> memref<512x256xf32, #tpu.memory_space<hbm>>
    %dma_start3A_202 = tpu.memref_slice %arg13[%dma_start3A_196] : memref<7x!tpu.dma_semaphore, #tpu.memory_space<semaphore_mem>> -> memref<1x!tpu.dma_semaphore, #tpu.memory_space<semaphore_mem>>
    %dma_start3A_203 = tpu.memref_squeeze %dma_start3A_202 : memref<1x!tpu.dma_semaphore, #tpu.memory_space<semaphore_mem>> -> memref<!tpu.dma_semaphore, #tpu.memory_space<semaphore_mem>>
    tpu.enqueue_indirect_dma source(%dma_start3A_201 : memref<512x256xf32, #tpu.memory_space<hbm>>) target(%arg8 : memref<64x256xf32, #tpu.memory_space<vmem>>) offsets(%dma_start3A_198 : memref<64xi32, #tpu.memory_space<vmem>>) semaphore(%dma_start3A_203 : memref<!tpu.dma_semaphore, #tpu.memory_space<semaphore_mem>>)
    %dma_wait3A_204 = arith.constant 6 : i32
    %dma_wait3A_205 = arith.constant 384 : i32
    %dma_wait3A_206 = tpu.memref_slice %arg5[%dma_wait3A_205] : memref<2048xi32, #tpu.memory_space<vmem>> -> memref<64xi32, #tpu.memory_space<vmem>>
    %dma_wait3A_207 = arith.constant 0 : i32
    %dma_wait3A_208 = arith.constant 0 : i32
    %dma_wait3A_209 = tpu.memref_slice %arg2[%dma_wait3A_207, %dma_wait3A_208] : memref<512x256xf32, #tpu.memory_space<hbm>> -> memref<512x256xf32, #tpu.memory_space<hbm>>
    %dma_wait3A_210 = tpu.memref_slice %arg13[%dma_wait3A_204] : memref<7x!tpu.dma_semaphore, #tpu.memory_space<semaphore_mem>> -> memref<1x!tpu.dma_semaphore, #tpu.memory_space<semaphore_mem>>
    %dma_wait3A_211 = tpu.memref_squeeze %dma_wait3A_210 : memref<1x!tpu.dma_semaphore, #tpu.memory_space<semaphore_mem>> -> memref<!tpu.dma_semaphore, #tpu.memory_space<semaphore_mem>>
    tpu.wait_indirect_dma semaphore(%dma_wait3A_211 : memref<!tpu.dma_semaphore, #tpu.memory_space<semaphore_mem>>) src(%dma_wait3A_209 : memref<512x256xf32, #tpu.memory_space<hbm>>) dst(%arg12 : memref<64x256xf32, #tpu.memory_space<vmem>>)
    %add3A_212 = arith.constant 384 : i32
    %add3A_213 = arith.addi %mul3A_2, %add3A_212 : i32
    %dma_start3A_214 = arith.constant 6 : i32
    %dma_start3A_215 = arith.constant 0 : i32
    %dma_start3A_216 = tpu.memref_slice %arg4[%add3A_213, %dma_start3A_215] : memref<65536x256xf32, #tpu.memory_space<hbm>> -> memref<64x256xf32, #tpu.memory_space<hbm>>
    %dma_start3A_217 = tpu.memref_slice %arg14[%dma_start3A_214] : memref<7x!tpu.dma_semaphore, #tpu.memory_space<semaphore_mem>> -> memref<1x!tpu.dma_semaphore, #tpu.memory_space<semaphore_mem>>
    %dma_start3A_218 = tpu.memref_squeeze %dma_start3A_217 : memref<1x!tpu.dma_semaphore, #tpu.memory_space<semaphore_mem>> -> memref<!tpu.dma_semaphore, #tpu.memory_space<semaphore_mem>>
    %dma_start3A_219 = arith.constant 0 : i32
    %dma_start3A_220 = tpu.memref_slice %arg4[%add3A_213, %dma_start3A_219] : memref<65536x256xf32, #tpu.memory_space<hbm>> -> memref<64x256xf32, #tpu.memory_space<hbm>>
    tpu.enqueue_dma source(%arg12 : memref<64x256xf32, #tpu.memory_space<vmem>>) target(%dma_start3A_220 : memref<64x256xf32, #tpu.memory_space<hbm>>) target_semaphore(%dma_start3A_218 : memref<!tpu.dma_semaphore, #tpu.memory_space<semaphore_mem>>)
    %dma_wait3A_221 = arith.constant 3 : i32
    %dma_wait3A_222 = arith.constant 0 : i32
    %dma_wait3A_223 = tpu.memref_slice %arg4[%add3A_117, %dma_wait3A_222] : memref<65536x256xf32, #tpu.memory_space<hbm>> -> memref<64x256xf32, #tpu.memory_space<hbm>>
    %dma_wait3A_224 = tpu.memref_slice %arg14[%dma_wait3A_221] : memref<7x!tpu.dma_semaphore, #tpu.memory_space<semaphore_mem>> -> memref<1x!tpu.dma_semaphore, #tpu.memory_space<semaphore_mem>>
    %dma_wait3A_225 = tpu.memref_squeeze %dma_wait3A_224 : memref<1x!tpu.dma_semaphore, #tpu.memory_space<semaphore_mem>> -> memref<!tpu.dma_semaphore, #tpu.memory_space<semaphore_mem>>
    %dma_wait3A_226 = arith.constant 0 : i32
    %dma_wait3A_227 = tpu.memref_slice %arg4[%add3A_117, %dma_wait3A_226] : memref<65536x256xf32, #tpu.memory_space<hbm>> -> memref<64x256xf32, #tpu.memory_space<hbm>>
    tpu.wait_dma2 semaphore(%dma_wait3A_225 : memref<!tpu.dma_semaphore, #tpu.memory_space<semaphore_mem>>) src(%arg9 : memref<64x256xf32, #tpu.memory_space<vmem>>) dst(%dma_wait3A_227 : memref<64x256xf32, #tpu.memory_space<hbm>>)
    %dma_start3A_228 = arith.constant 3 : i32
    %dma_start3A_229 = arith.constant 640 : i32
    %dma_start3A_230 = tpu.memref_slice %arg5[%dma_start3A_229] : memref<2048xi32, #tpu.memory_space<vmem>> -> memref<64xi32, #tpu.memory_space<vmem>>
    %dma_start3A_231 = arith.constant 0 : i32
    %dma_start3A_232 = arith.constant 0 : i32
    %dma_start3A_233 = tpu.memref_slice %arg2[%dma_start3A_231, %dma_start3A_232] : memref<512x256xf32, #tpu.memory_space<hbm>> -> memref<512x256xf32, #tpu.memory_space<hbm>>
    %dma_start3A_234 = tpu.memref_slice %arg13[%dma_start3A_228] : memref<7x!tpu.dma_semaphore, #tpu.memory_space<semaphore_mem>> -> memref<1x!tpu.dma_semaphore, #tpu.memory_space<semaphore_mem>>
    %dma_start3A_235 = tpu.memref_squeeze %dma_start3A_234 : memref<1x!tpu.dma_semaphore, #tpu.memory_space<semaphore_mem>> -> memref<!tpu.dma_semaphore, #tpu.memory_space<semaphore_mem>>
    tpu.enqueue_indirect_dma source(%dma_start3A_233 : memref<512x256xf32, #tpu.memory_space<hbm>>) target(%arg9 : memref<64x256xf32, #tpu.memory_space<vmem>>) offsets(%dma_start3A_230 : memref<64xi32, #tpu.memory_space<vmem>>) semaphore(%dma_start3A_235 : memref<!tpu.dma_semaphore, #tpu.memory_space<semaphore_mem>>)
    %dma_wait3A_236 = arith.constant 0 : i32
    %dma_wait3A_237 = arith.constant 448 : i32
    %dma_wait3A_238 = tpu.memref_slice %arg5[%dma_wait3A_237] : memref<2048xi32, #tpu.memory_space<vmem>> -> memref<64xi32, #tpu.memory_space<vmem>>
    %dma_wait3A_239 = arith.constant 0 : i32
    %dma_wait3A_240 = arith.constant 0 : i32
    %dma_wait3A_241 = tpu.memref_slice %arg2[%dma_wait3A_239, %dma_wait3A_240] : memref<512x256xf32, #tpu.memory_space<hbm>> -> memref<512x256xf32, #tpu.memory_space<hbm>>
    %dma_wait3A_242 = tpu.memref_slice %arg13[%dma_wait3A_236] : memref<7x!tpu.dma_semaphore, #tpu.memory_space<semaphore_mem>> -> memref<1x!tpu.dma_semaphore, #tpu.memory_space<semaphore_mem>>
    %dma_wait3A_243 = tpu.memref_squeeze %dma_wait3A_242 : memref<1x!tpu.dma_semaphore, #tpu.memory_space<semaphore_mem>> -> memref<!tpu.dma_semaphore, #tpu.memory_space<semaphore_mem>>
    tpu.wait_indirect_dma semaphore(%dma_wait3A_243 : memref<!tpu.dma_semaphore, #tpu.memory_space<semaphore_mem>>) src(%dma_wait3A_241 : memref<512x256xf32, #tpu.memory_space<hbm>>) dst(%arg6 : memref<64x256xf32, #tpu.memory_space<vmem>>)
    %add3A_244 = arith.constant 448 : i32
    %add3A_245 = arith.addi %mul3A_2, %add3A_244 : i32
    %dma_start3A_246 = arith.constant 0 : i32
    %dma_start3A_247 = arith.constant 0 : i32
    %dma_start3A_248 = tpu.memref_slice %arg4[%add3A_245, %dma_start3A_247] : memref<65536x256xf32, #tpu.memory_space<hbm>> -> memref<64x256xf32, #tpu.memory_space<hbm>>
    %dma_start3A_249 = tpu.memref_slice %arg14[%dma_start3A_246] : memref<7x!tpu.dma_semaphore, #tpu.memory_space<semaphore_mem>> -> memref<1x!tpu.dma_semaphore, #tpu.memory_space<semaphore_mem>>
    %dma_start3A_250 = tpu.memref_squeeze %dma_start3A_249 : memref<1x!tpu.dma_semaphore, #tpu.memory_space<semaphore_mem>> -> memref<!tpu.dma_semaphore, #tpu.memory_space<semaphore_mem>>
    %dma_start3A_251 = arith.constant 0 : i32
    %dma_start3A_252 = tpu.memref_slice %arg4[%add3A_245, %dma_start3A_251] : memref<65536x256xf32, #tpu.memory_space<hbm>> -> memref<64x256xf32, #tpu.memory_space<hbm>>
    tpu.enqueue_dma source(%arg6 : memref<64x256xf32, #tpu.memory_space<vmem>>) target(%dma_start3A_252 : memref<64x256xf32, #tpu.memory_space<hbm>>) target_semaphore(%dma_start3A_250 : memref<!tpu.dma_semaphore, #tpu.memory_space<semaphore_mem>>)
    %dma_wait3A_253 = arith.constant 4 : i32
    %dma_wait3A_254 = arith.constant 0 : i32
    %dma_wait3A_255 = tpu.memref_slice %arg4[%add3A_149, %dma_wait3A_254] : memref<65536x256xf32, #tpu.memory_space<hbm>> -> memref<64x256xf32, #tpu.memory_space<hbm>>
    %dma_wait3A_256 = tpu.memref_slice %arg14[%dma_wait3A_253] : memref<7x!tpu.dma_semaphore, #tpu.memory_space<semaphore_mem>> -> memref<1x!tpu.dma_semaphore, #tpu.memory_space<semaphore_mem>>
    %dma_wait3A_257 = tpu.memref_squeeze %dma_wait3A_256 : memref<1x!tpu.dma_semaphore, #tpu.memory_space<semaphore_mem>> -> memref<!tpu.dma_semaphore, #tpu.memory_space<semaphore_mem>>
    %dma_wait3A_258 = arith.constant 0 : i32
    %dma_wait3A_259 = tpu.memref_slice %arg4[%add3A_149, %dma_wait3A_258] : memref<65536x256xf32, #tpu.memory_space<hbm>> -> memref<64x256xf32, #tpu.memory_space<hbm>>
    tpu.wait_dma2 semaphore(%dma_wait3A_257 : memref<!tpu.dma_semaphore, #tpu.memory_space<semaphore_mem>>) src(%arg10 : memref<64x256xf32, #tpu.memory_space<vmem>>) dst(%dma_wait3A_259 : memref<64x256xf32, #tpu.memory_space<hbm>>)
    %dma_start3A_260 = arith.constant 4 : i32
    %dma_start3A_261 = arith.constant 704 : i32
    %dma_start3A_262 = tpu.memref_slice %arg5[%dma_start3A_261] : memref<2048xi32, #tpu.memory_space<vmem>> -> memref<64xi32, #tpu.memory_space<vmem>>
    %dma_start3A_263 = arith.constant 0 : i32
    %dma_start3A_264 = arith.constant 0 : i32
    %dma_start3A_265 = tpu.memref_slice %arg2[%dma_start3A_263, %dma_start3A_264] : memref<512x256xf32, #tpu.memory_space<hbm>> -> memref<512x256xf32, #tpu.memory_space<hbm>>
    %dma_start3A_266 = tpu.memref_slice %arg13[%dma_start3A_260] : memref<7x!tpu.dma_semaphore, #tpu.memory_space<semaphore_mem>> -> memref<1x!tpu.dma_semaphore, #tpu.memory_space<semaphore_mem>>
    %dma_start3A_267 = tpu.memref_squeeze %dma_start3A_266 : memref<1x!tpu.dma_semaphore, #tpu.memory_space<semaphore_mem>> -> memref<!tpu.dma_semaphore, #tpu.memory_space<semaphore_mem>>
    tpu.enqueue_indirect_dma source(%dma_start3A_265 : memref<512x256xf32, #tpu.memory_space<hbm>>) target(%arg10 : memref<64x256xf32, #tpu.memory_space<vmem>>) offsets(%dma_start3A_262 : memref<64xi32, #tpu.memory_space<vmem>>) semaphore(%dma_start3A_267 : memref<!tpu.dma_semaphore, #tpu.memory_space<semaphore_mem>>)
    %dma_wait3A_268 = arith.constant 1 : i32
    %dma_wait3A_269 = arith.constant 512 : i32
    %dma_wait3A_270 = tpu.memref_slice %arg5[%dma_wait3A_269] : memref<2048xi32, #tpu.memory_space<vmem>> -> memref<64xi32, #tpu.memory_space<vmem>>
    %dma_wait3A_271 = arith.constant 0 : i32
    %dma_wait3A_272 = arith.constant 0 : i32
    %dma_wait3A_273 = tpu.memref_slice %arg2[%dma_wait3A_271, %dma_wait3A_272] : memref<512x256xf32, #tpu.memory_space<hbm>> -> memref<512x256xf32, #tpu.memory_space<hbm>>
    %dma_wait3A_274 = tpu.memref_slice %arg13[%dma_wait3A_268] : memref<7x!tpu.dma_semaphore, #tpu.memory_space<semaphore_mem>> -> memref<1x!tpu.dma_semaphore, #tpu.memory_space<semaphore_mem>>
    %dma_wait3A_275 = tpu.memref_squeeze %dma_wait3A_274 : memref<1x!tpu.dma_semaphore, #tpu.memory_space<semaphore_mem>> -> memref<!tpu.dma_semaphore, #tpu.memory_space<semaphore_mem>>
    tpu.wait_indirect_dma semaphore(%dma_wait3A_275 : memref<!tpu.dma_semaphore, #tpu.memory_space<semaphore_mem>>) src(%dma_wait3A_273 : memref<512x256xf32, #tpu.memory_space<hbm>>) dst(%arg7 : memref<64x256xf32, #tpu.memory_space<vmem>>)
    %add3A_276 = arith.constant 512 : i32
    %add3A_277 = arith.addi %mul3A_2, %add3A_276 : i32
    %dma_start3A_278 = arith.constant 1 : i32
    %dma_start3A_279 = arith.constant 0 : i32
    %dma_start3A_280 = tpu.memref_slice %arg4[%add3A_277, %dma_start3A_279] : memref<65536x256xf32, #tpu.memory_space<hbm>> -> memref<64x256xf32, #tpu.memory_space<hbm>>
    %dma_start3A_281 = tpu.memref_slice %arg14[%dma_start3A_278] : memref<7x!tpu.dma_semaphore, #tpu.memory_space<semaphore_mem>> -> memref<1x!tpu.dma_semaphore, #tpu.memory_space<semaphore_mem>>
    %dma_start3A_282 = tpu.memref_squeeze %dma_start3A_281 : memref<1x!tpu.dma_semaphore, #tpu.memory_space<semaphore_mem>> -> memref<!tpu.dma_semaphore, #tpu.memory_space<semaphore_mem>>
    %dma_start3A_283 = arith.constant 0 : i32
    %dma_start3A_284 = tpu.memref_slice %arg4[%add3A_277, %dma_start3A_283] : memref<65536x256xf32, #tpu.memory_space<hbm>> -> memref<64x256xf32, #tpu.memory_space<hbm>>
    tpu.enqueue_dma source(%arg7 : memref<64x256xf32, #tpu.memory_space<vmem>>) target(%dma_start3A_284 : memref<64x256xf32, #tpu.memory_space<hbm>>) target_semaphore(%dma_start3A_282 : memref<!tpu.dma_semaphore, #tpu.memory_space<semaphore_mem>>)
    %dma_wait3A_285 = arith.constant 5 : i32
    %dma_wait3A_286 = arith.constant 0 : i32
    %dma_wait3A_287 = tpu.memref_slice %arg4[%add3A_181, %dma_wait3A_286] : memref<65536x256xf32, #tpu.memory_space<hbm>> -> memref<64x256xf32, #tpu.memory_space<hbm>>
    %dma_wait3A_288 = tpu.memref_slice %arg14[%dma_wait3A_285] : memref<7x!tpu.dma_semaphore, #tpu.memory_space<semaphore_mem>> -> memref<1x!tpu.dma_semaphore, #tpu.memory_space<semaphore_mem>>
    %dma_wait3A_289 = tpu.memref_squeeze %dma_wait3A_288 : memref<1x!tpu.dma_semaphore, #tpu.memory_space<semaphore_mem>> -> memref<!tpu.dma_semaphore, #tpu.memory_space<semaphore_mem>>
    %dma_wait3A_290 = arith.constant 0 : i32
    %dma_wait3A_291 = tpu.memref_slice %arg4[%add3A_181, %dma_wait3A_290] : memref<65536x256xf32, #tpu.memory_space<hbm>> -> memref<64x256xf32, #tpu.memory_space<hbm>>
    tpu.wait_dma2 semaphore(%dma_wait3A_289 : memref<!tpu.dma_semaphore, #tpu.memory_space<semaphore_mem>>) src(%arg11 : memref<64x256xf32, #tpu.memory_space<vmem>>) dst(%dma_wait3A_291 : memref<64x256xf32, #tpu.memory_space<hbm>>)
    %dma_start3A_292 = arith.constant 5 : i32
    %dma_start3A_293 = arith.constant 768 : i32
    %dma_start3A_294 = tpu.memref_slice %arg5[%dma_start3A_293] : memref<2048xi32, #tpu.memory_space<vmem>> -> memref<64xi32, #tpu.memory_space<vmem>>
    %dma_start3A_295 = arith.constant 0 : i32
    %dma_start3A_296 = arith.constant 0 : i32
    %dma_start3A_297 = tpu.memref_slice %arg2[%dma_start3A_295, %dma_start3A_296] : memref<512x256xf32, #tpu.memory_space<hbm>> -> memref<512x256xf32, #tpu.memory_space<hbm>>
    %dma_start3A_298 = tpu.memref_slice %arg13[%dma_start3A_292] : memref<7x!tpu.dma_semaphore, #tpu.memory_space<semaphore_mem>> -> memref<1x!tpu.dma_semaphore, #tpu.memory_space<semaphore_mem>>
    %dma_start3A_299 = tpu.memref_squeeze %dma_start3A_298 : memref<1x!tpu.dma_semaphore, #tpu.memory_space<semaphore_mem>> -> memref<!tpu.dma_semaphore, #tpu.memory_space<semaphore_mem>>
    tpu.enqueue_indirect_dma source(%dma_start3A_297 : memref<512x256xf32, #tpu.memory_space<hbm>>) target(%arg11 : memref<64x256xf32, #tpu.memory_space<vmem>>) offsets(%dma_start3A_294 : memref<64xi32, #tpu.memory_space<vmem>>) semaphore(%dma_start3A_299 : memref<!tpu.dma_semaphore, #tpu.memory_space<semaphore_mem>>)
    %dma_wait3A_300 = arith.constant 2 : i32
    %dma_wait3A_301 = arith.constant 576 : i32
    %dma_wait3A_302 = tpu.memref_slice %arg5[%dma_wait3A_301] : memref<2048xi32, #tpu.memory_space<vmem>> -> memref<64xi32, #tpu.memory_space<vmem>>
    %dma_wait3A_303 = arith.constant 0 : i32
    %dma_wait3A_304 = arith.constant 0 : i32
    %dma_wait3A_305 = tpu.memref_slice %arg2[%dma_wait3A_303, %dma_wait3A_304] : memref<512x256xf32, #tpu.memory_space<hbm>> -> memref<512x256xf32, #tpu.memory_space<hbm>>
    %dma_wait3A_306 = tpu.memref_slice %arg13[%dma_wait3A_300] : memref<7x!tpu.dma_semaphore, #tpu.memory_space<semaphore_mem>> -> memref<1x!tpu.dma_semaphore, #tpu.memory_space<semaphore_mem>>
    %dma_wait3A_307 = tpu.memref_squeeze %dma_wait3A_306 : memref<1x!tpu.dma_semaphore, #tpu.memory_space<semaphore_mem>> -> memref<!tpu.dma_semaphore, #tpu.memory_space<semaphore_mem>>
    tpu.wait_indirect_dma semaphore(%dma_wait3A_307 : memref<!tpu.dma_semaphore, #tpu.memory_space<semaphore_mem>>) src(%dma_wait3A_305 : memref<512x256xf32, #tpu.memory_space<hbm>>) dst(%arg8 : memref<64x256xf32, #tpu.memory_space<vmem>>)
    %add3A_308 = arith.constant 576 : i32
    %add3A_309 = arith.addi %mul3A_2, %add3A_308 : i32
    %dma_start3A_310 = arith.constant 2 : i32
    %dma_start3A_311 = arith.constant 0 : i32
    %dma_start3A_312 = tpu.memref_slice %arg4[%add3A_309, %dma_start3A_311] : memref<65536x256xf32, #tpu.memory_space<hbm>> -> memref<64x256xf32, #tpu.memory_space<hbm>>
    %dma_start3A_313 = tpu.memref_slice %arg14[%dma_start3A_310] : memref<7x!tpu.dma_semaphore, #tpu.memory_space<semaphore_mem>> -> memref<1x!tpu.dma_semaphore, #tpu.memory_space<semaphore_mem>>
    %dma_start3A_314 = tpu.memref_squeeze %dma_start3A_313 : memref<1x!tpu.dma_semaphore, #tpu.memory_space<semaphore_mem>> -> memref<!tpu.dma_semaphore, #tpu.memory_space<semaphore_mem>>
    %dma_start3A_315 = arith.constant 0 : i32
    %dma_start3A_316 = tpu.memref_slice %arg4[%add3A_309, %dma_start3A_315] : memref<65536x256xf32, #tpu.memory_space<hbm>> -> memref<64x256xf32, #tpu.memory_space<hbm>>
    tpu.enqueue_dma source(%arg8 : memref<64x256xf32, #tpu.memory_space<vmem>>) target(%dma_start3A_316 : memref<64x256xf32, #tpu.memory_space<hbm>>) target_semaphore(%dma_start3A_314 : memref<!tpu.dma_semaphore, #tpu.memory_space<semaphore_mem>>)
    %dma_wait3A_317 = arith.constant 6 : i32
    %dma_wait3A_318 = arith.constant 0 : i32
    %dma_wait3A_319 = tpu.memref_slice %arg4[%add3A_213, %dma_wait3A_318] : memref<65536x256xf32, #tpu.memory_space<hbm>> -> memref<64x256xf32, #tpu.memory_space<hbm>>
    %dma_wait3A_320 = tpu.memref_slice %arg14[%dma_wait3A_317] : memref<7x!tpu.dma_semaphore, #tpu.memory_space<semaphore_mem>> -> memref<1x!tpu.dma_semaphore, #tpu.memory_space<semaphore_mem>>
    %dma_wait3A_321 = tpu.memref_squeeze %dma_wait3A_320 : memref<1x!tpu.dma_semaphore, #tpu.memory_space<semaphore_mem>> -> memref<!tpu.dma_semaphore, #tpu.memory_space<semaphore_mem>>
    %dma_wait3A_322 = arith.constant 0 : i32
    %dma_wait3A_323 = tpu.memref_slice %arg4[%add3A_213, %dma_wait3A_322] : memref<65536x256xf32, #tpu.memory_space<hbm>> -> memref<64x256xf32, #tpu.memory_space<hbm>>
    tpu.wait_dma2 semaphore(%dma_wait3A_321 : memref<!tpu.dma_semaphore, #tpu.memory_space<semaphore_mem>>) src(%arg12 : memref<64x256xf32, #tpu.memory_space<vmem>>) dst(%dma_wait3A_323 : memref<64x256xf32, #tpu.memory_space<hbm>>)
    %dma_start3A_324 = arith.constant 6 : i32
    %dma_start3A_325 = arith.constant 832 : i32
    %dma_start3A_326 = tpu.memref_slice %arg5[%dma_start3A_325] : memref<2048xi32, #tpu.memory_space<vmem>> -> memref<64xi32, #tpu.memory_space<vmem>>
    %dma_start3A_327 = arith.constant 0 : i32
    %dma_start3A_328 = arith.constant 0 : i32
    %dma_start3A_329 = tpu.memref_slice %arg2[%dma_start3A_327, %dma_start3A_328] : memref<512x256xf32, #tpu.memory_space<hbm>> -> memref<512x256xf32, #tpu.memory_space<hbm>>
    %dma_start3A_330 = tpu.memref_slice %arg13[%dma_start3A_324] : memref<7x!tpu.dma_semaphore, #tpu.memory_space<semaphore_mem>> -> memref<1x!tpu.dma_semaphore, #tpu.memory_space<semaphore_mem>>
    %dma_start3A_331 = tpu.memref_squeeze %dma_start3A_330 : memref<1x!tpu.dma_semaphore, #tpu.memory_space<semaphore_mem>> -> memref<!tpu.dma_semaphore, #tpu.memory_space<semaphore_mem>>
    tpu.enqueue_indirect_dma source(%dma_start3A_329 : memref<512x256xf32, #tpu.memory_space<hbm>>) target(%arg12 : memref<64x256xf32, #tpu.memory_space<vmem>>) offsets(%dma_start3A_326 : memref<64xi32, #tpu.memory_space<vmem>>) semaphore(%dma_start3A_331 : memref<!tpu.dma_semaphore, #tpu.memory_space<semaphore_mem>>)
    %dma_wait3A_332 = arith.constant 3 : i32
    %dma_wait3A_333 = arith.constant 640 : i32
    %dma_wait3A_334 = tpu.memref_slice %arg5[%dma_wait3A_333] : memref<2048xi32, #tpu.memory_space<vmem>> -> memref<64xi32, #tpu.memory_space<vmem>>
    %dma_wait3A_335 = arith.constant 0 : i32
    %dma_wait3A_336 = arith.constant 0 : i32
    %dma_wait3A_337 = tpu.memref_slice %arg2[%dma_wait3A_335, %dma_wait3A_336] : memref<512x256xf32, #tpu.memory_space<hbm>> -> memref<512x256xf32, #tpu.memory_space<hbm>>
    %dma_wait3A_338 = tpu.memref_slice %arg13[%dma_wait3A_332] : memref<7x!tpu.dma_semaphore, #tpu.memory_space<semaphore_mem>> -> memref<1x!tpu.dma_semaphore, #tpu.memory_space<semaphore_mem>>
    %dma_wait3A_339 = tpu.memref_squeeze %dma_wait3A_338 : memref<1x!tpu.dma_semaphore, #tpu.memory_space<semaphore_mem>> -> memref<!tpu.dma_semaphore, #tpu.memory_space<semaphore_mem>>
    tpu.wait_indirect_dma semaphore(%dma_wait3A_339 : memref<!tpu.dma_semaphore, #tpu.memory_space<semaphore_mem>>) src(%dma_wait3A_337 : memref<512x256xf32, #tpu.memory_space<hbm>>) dst(%arg9 : memref<64x256xf32, #tpu.memory_space<vmem>>)
    %add3A_340 = arith.constant 640 : i32
    %add3A_341 = arith.addi %mul3A_2, %add3A_340 : i32
    %dma_start3A_342 = arith.constant 3 : i32
    %dma_start3A_343 = arith.constant 0 : i32
    %dma_start3A_344 = tpu.memref_slice %arg4[%add3A_341, %dma_start3A_343] : memref<65536x256xf32, #tpu.memory_space<hbm>> -> memref<64x256xf32, #tpu.memory_space<hbm>>
    %dma_start3A_345 = tpu.memref_slice %arg14[%dma_start3A_342] : memref<7x!tpu.dma_semaphore, #tpu.memory_space<semaphore_mem>> -> memref<1x!tpu.dma_semaphore, #tpu.memory_space<semaphore_mem>>
    %dma_start3A_346 = tpu.memref_squeeze %dma_start3A_345 : memref<1x!tpu.dma_semaphore, #tpu.memory_space<semaphore_mem>> -> memref<!tpu.dma_semaphore, #tpu.memory_space<semaphore_mem>>
    %dma_start3A_347 = arith.constant 0 : i32
    %dma_start3A_348 = tpu.memref_slice %arg4[%add3A_341, %dma_start3A_347] : memref<65536x256xf32, #tpu.memory_space<hbm>> -> memref<64x256xf32, #tpu.memory_space<hbm>>
    tpu.enqueue_dma source(%arg9 : memref<64x256xf32, #tpu.memory_space<vmem>>) target(%dma_start3A_348 : memref<64x256xf32, #tpu.memory_space<hbm>>) target_semaphore(%dma_start3A_346 : memref<!tpu.dma_semaphore, #tpu.memory_space<semaphore_mem>>)
    %dma_wait3A_349 = arith.constant 0 : i32
    %dma_wait3A_350 = arith.constant 0 : i32
    %dma_wait3A_351 = tpu.memref_slice %arg4[%add3A_245, %dma_wait3A_350] : memref<65536x256xf32, #tpu.memory_space<hbm>> -> memref<64x256xf32, #tpu.memory_space<hbm>>
    %dma_wait3A_352 = tpu.memref_slice %arg14[%dma_wait3A_349] : memref<7x!tpu.dma_semaphore, #tpu.memory_space<semaphore_mem>> -> memref<1x!tpu.dma_semaphore, #tpu.memory_space<semaphore_mem>>
    %dma_wait3A_353 = tpu.memref_squeeze %dma_wait3A_352 : memref<1x!tpu.dma_semaphore, #tpu.memory_space<semaphore_mem>> -> memref<!tpu.dma_semaphore, #tpu.memory_space<semaphore_mem>>
    %dma_wait3A_354 = arith.constant 0 : i32
    %dma_wait3A_355 = tpu.memref_slice %arg4[%add3A_245, %dma_wait3A_354] : memref<65536x256xf32, #tpu.memory_space<hbm>> -> memref<64x256xf32, #tpu.memory_space<hbm>>
    tpu.wait_dma2 semaphore(%dma_wait3A_353 : memref<!tpu.dma_semaphore, #tpu.memory_space<semaphore_mem>>) src(%arg6 : memref<64x256xf32, #tpu.memory_space<vmem>>) dst(%dma_wait3A_355 : memref<64x256xf32, #tpu.memory_space<hbm>>)
    %dma_start3A_356 = arith.constant 0 : i32
    %dma_start3A_357 = arith.constant 896 : i32
    %dma_start3A_358 = tpu.memref_slice %arg5[%dma_start3A_357] : memref<2048xi32, #tpu.memory_space<vmem>> -> memref<64xi32, #tpu.memory_space<vmem>>
    %dma_start3A_359 = arith.constant 0 : i32
    %dma_start3A_360 = arith.constant 0 : i32
    %dma_start3A_361 = tpu.memref_slice %arg2[%dma_start3A_359, %dma_start3A_360] : memref<512x256xf32, #tpu.memory_space<hbm>> -> memref<512x256xf32, #tpu.memory_space<hbm>>
    %dma_start3A_362 = tpu.memref_slice %arg13[%dma_start3A_356] : memref<7x!tpu.dma_semaphore, #tpu.memory_space<semaphore_mem>> -> memref<1x!tpu.dma_semaphore, #tpu.memory_space<semaphore_mem>>
    %dma_start3A_363 = tpu.memref_squeeze %dma_start3A_362 : memref<1x!tpu.dma_semaphore, #tpu.memory_space<semaphore_mem>> -> memref<!tpu.dma_semaphore, #tpu.memory_space<semaphore_mem>>
    tpu.enqueue_indirect_dma source(%dma_start3A_361 : memref<512x256xf32, #tpu.memory_space<hbm>>) target(%arg6 : memref<64x256xf32, #tpu.memory_space<vmem>>) offsets(%dma_start3A_358 : memref<64xi32, #tpu.memory_space<vmem>>) semaphore(%dma_start3A_363 : memref<!tpu.dma_semaphore, #tpu.memory_space<semaphore_mem>>)
    %dma_wait3A_364 = arith.constant 4 : i32
    %dma_wait3A_365 = arith.constant 704 : i32
    %dma_wait3A_366 = tpu.memref_slice %arg5[%dma_wait3A_365] : memref<2048xi32, #tpu.memory_space<vmem>> -> memref<64xi32, #tpu.memory_space<vmem>>
    %dma_wait3A_367 = arith.constant 0 : i32
    %dma_wait3A_368 = arith.constant 0 : i32
    %dma_wait3A_369 = tpu.memref_slice %arg2[%dma_wait3A_367, %dma_wait3A_368] : memref<512x256xf32, #tpu.memory_space<hbm>> -> memref<512x256xf32, #tpu.memory_space<hbm>>
    %dma_wait3A_370 = tpu.memref_slice %arg13[%dma_wait3A_364] : memref<7x!tpu.dma_semaphore, #tpu.memory_space<semaphore_mem>> -> memref<1x!tpu.dma_semaphore, #tpu.memory_space<semaphore_mem>>
    %dma_wait3A_371 = tpu.memref_squeeze %dma_wait3A_370 : memref<1x!tpu.dma_semaphore, #tpu.memory_space<semaphore_mem>> -> memref<!tpu.dma_semaphore, #tpu.memory_space<semaphore_mem>>
    tpu.wait_indirect_dma semaphore(%dma_wait3A_371 : memref<!tpu.dma_semaphore, #tpu.memory_space<semaphore_mem>>) src(%dma_wait3A_369 : memref<512x256xf32, #tpu.memory_space<hbm>>) dst(%arg10 : memref<64x256xf32, #tpu.memory_space<vmem>>)
    %add3A_372 = arith.constant 704 : i32
    %add3A_373 = arith.addi %mul3A_2, %add3A_372 : i32
    %dma_start3A_374 = arith.constant 4 : i32
    %dma_start3A_375 = arith.constant 0 : i32
    %dma_start3A_376 = tpu.memref_slice %arg4[%add3A_373, %dma_start3A_375] : memref<65536x256xf32, #tpu.memory_space<hbm>> -> memref<64x256xf32, #tpu.memory_space<hbm>>
    %dma_start3A_377 = tpu.memref_slice %arg14[%dma_start3A_374] : memref<7x!tpu.dma_semaphore, #tpu.memory_space<semaphore_mem>> -> memref<1x!tpu.dma_semaphore, #tpu.memory_space<semaphore_mem>>
    %dma_start3A_378 = tpu.memref_squeeze %dma_start3A_377 : memref<1x!tpu.dma_semaphore, #tpu.memory_space<semaphore_mem>> -> memref<!tpu.dma_semaphore, #tpu.memory_space<semaphore_mem>>
    %dma_start3A_379 = arith.constant 0 : i32
    %dma_start3A_380 = tpu.memref_slice %arg4[%add3A_373, %dma_start3A_379] : memref<65536x256xf32, #tpu.memory_space<hbm>> -> memref<64x256xf32, #tpu.memory_space<hbm>>
    tpu.enqueue_dma source(%arg10 : memref<64x256xf32, #tpu.memory_space<vmem>>) target(%dma_start3A_380 : memref<64x256xf32, #tpu.memory_space<hbm>>) target_semaphore(%dma_start3A_378 : memref<!tpu.dma_semaphore, #tpu.memory_space<semaphore_mem>>)
    %dma_wait3A_381 = arith.constant 1 : i32
    %dma_wait3A_382 = arith.constant 0 : i32
    %dma_wait3A_383 = tpu.memref_slice %arg4[%add3A_277, %dma_wait3A_382] : memref<65536x256xf32, #tpu.memory_space<hbm>> -> memref<64x256xf32, #tpu.memory_space<hbm>>
    %dma_wait3A_384 = tpu.memref_slice %arg14[%dma_wait3A_381] : memref<7x!tpu.dma_semaphore, #tpu.memory_space<semaphore_mem>> -> memref<1x!tpu.dma_semaphore, #tpu.memory_space<semaphore_mem>>
    %dma_wait3A_385 = tpu.memref_squeeze %dma_wait3A_384 : memref<1x!tpu.dma_semaphore, #tpu.memory_space<semaphore_mem>> -> memref<!tpu.dma_semaphore, #tpu.memory_space<semaphore_mem>>
    %dma_wait3A_386 = arith.constant 0 : i32
    %dma_wait3A_387 = tpu.memref_slice %arg4[%add3A_277, %dma_wait3A_386] : memref<65536x256xf32, #tpu.memory_space<hbm>> -> memref<64x256xf32, #tpu.memory_space<hbm>>
    tpu.wait_dma2 semaphore(%dma_wait3A_385 : memref<!tpu.dma_semaphore, #tpu.memory_space<semaphore_mem>>) src(%arg7 : memref<64x256xf32, #tpu.memory_space<vmem>>) dst(%dma_wait3A_387 : memref<64x256xf32, #tpu.memory_space<hbm>>)
    %dma_start3A_388 = arith.constant 1 : i32
    %dma_start3A_389 = arith.constant 960 : i32
    %dma_start3A_390 = tpu.memref_slice %arg5[%dma_start3A_389] : memref<2048xi32, #tpu.memory_space<vmem>> -> memref<64xi32, #tpu.memory_space<vmem>>
    %dma_start3A_391 = arith.constant 0 : i32
    %dma_start3A_392 = arith.constant 0 : i32
    %dma_start3A_393 = tpu.memref_slice %arg2[%dma_start3A_391, %dma_start3A_392] : memref<512x256xf32, #tpu.memory_space<hbm>> -> memref<512x256xf32, #tpu.memory_space<hbm>>
    %dma_start3A_394 = tpu.memref_slice %arg13[%dma_start3A_388] : memref<7x!tpu.dma_semaphore, #tpu.memory_space<semaphore_mem>> -> memref<1x!tpu.dma_semaphore, #tpu.memory_space<semaphore_mem>>
    %dma_start3A_395 = tpu.memref_squeeze %dma_start3A_394 : memref<1x!tpu.dma_semaphore, #tpu.memory_space<semaphore_mem>> -> memref<!tpu.dma_semaphore, #tpu.memory_space<semaphore_mem>>
    tpu.enqueue_indirect_dma source(%dma_start3A_393 : memref<512x256xf32, #tpu.memory_space<hbm>>) target(%arg7 : memref<64x256xf32, #tpu.memory_space<vmem>>) offsets(%dma_start3A_390 : memref<64xi32, #tpu.memory_space<vmem>>) semaphore(%dma_start3A_395 : memref<!tpu.dma_semaphore, #tpu.memory_space<semaphore_mem>>)
    %dma_wait3A_396 = arith.constant 5 : i32
    %dma_wait3A_397 = arith.constant 768 : i32
    %dma_wait3A_398 = tpu.memref_slice %arg5[%dma_wait3A_397] : memref<2048xi32, #tpu.memory_space<vmem>> -> memref<64xi32, #tpu.memory_space<vmem>>
    %dma_wait3A_399 = arith.constant 0 : i32
    %dma_wait3A_400 = arith.constant 0 : i32
    %dma_wait3A_401 = tpu.memref_slice %arg2[%dma_wait3A_399, %dma_wait3A_400] : memref<512x256xf32, #tpu.memory_space<hbm>> -> memref<512x256xf32, #tpu.memory_space<hbm>>
    %dma_wait3A_402 = tpu.memref_slice %arg13[%dma_wait3A_396] : memref<7x!tpu.dma_semaphore, #tpu.memory_space<semaphore_mem>> -> memref<1x!tpu.dma_semaphore, #tpu.memory_space<semaphore_mem>>
    %dma_wait3A_403 = tpu.memref_squeeze %dma_wait3A_402 : memref<1x!tpu.dma_semaphore, #tpu.memory_space<semaphore_mem>> -> memref<!tpu.dma_semaphore, #tpu.memory_space<semaphore_mem>>
    tpu.wait_indirect_dma semaphore(%dma_wait3A_403 : memref<!tpu.dma_semaphore, #tpu.memory_space<semaphore_mem>>) src(%dma_wait3A_401 : memref<512x256xf32, #tpu.memory_space<hbm>>) dst(%arg11 : memref<64x256xf32, #tpu.memory_space<vmem>>)
    %add3A_404 = arith.constant 768 : i32
    %add3A_405 = arith.addi %mul3A_2, %add3A_404 : i32
    %dma_start3A_406 = arith.constant 5 : i32
    %dma_start3A_407 = arith.constant 0 : i32
    %dma_start3A_408 = tpu.memref_slice %arg4[%add3A_405, %dma_start3A_407] : memref<65536x256xf32, #tpu.memory_space<hbm>> -> memref<64x256xf32, #tpu.memory_space<hbm>>
    %dma_start3A_409 = tpu.memref_slice %arg14[%dma_start3A_406] : memref<7x!tpu.dma_semaphore, #tpu.memory_space<semaphore_mem>> -> memref<1x!tpu.dma_semaphore, #tpu.memory_space<semaphore_mem>>
    %dma_start3A_410 = tpu.memref_squeeze %dma_start3A_409 : memref<1x!tpu.dma_semaphore, #tpu.memory_space<semaphore_mem>> -> memref<!tpu.dma_semaphore, #tpu.memory_space<semaphore_mem>>
    %dma_start3A_411 = arith.constant 0 : i32
    %dma_start3A_412 = tpu.memref_slice %arg4[%add3A_405, %dma_start3A_411] : memref<65536x256xf32, #tpu.memory_space<hbm>> -> memref<64x256xf32, #tpu.memory_space<hbm>>
    tpu.enqueue_dma source(%arg11 : memref<64x256xf32, #tpu.memory_space<vmem>>) target(%dma_start3A_412 : memref<64x256xf32, #tpu.memory_space<hbm>>) target_semaphore(%dma_start3A_410 : memref<!tpu.dma_semaphore, #tpu.memory_space<semaphore_mem>>)
    %dma_wait3A_413 = arith.constant 2 : i32
    %dma_wait3A_414 = arith.constant 0 : i32
    %dma_wait3A_415 = tpu.memref_slice %arg4[%add3A_309, %dma_wait3A_414] : memref<65536x256xf32, #tpu.memory_space<hbm>> -> memref<64x256xf32, #tpu.memory_space<hbm>>
    %dma_wait3A_416 = tpu.memref_slice %arg14[%dma_wait3A_413] : memref<7x!tpu.dma_semaphore, #tpu.memory_space<semaphore_mem>> -> memref<1x!tpu.dma_semaphore, #tpu.memory_space<semaphore_mem>>
    %dma_wait3A_417 = tpu.memref_squeeze %dma_wait3A_416 : memref<1x!tpu.dma_semaphore, #tpu.memory_space<semaphore_mem>> -> memref<!tpu.dma_semaphore, #tpu.memory_space<semaphore_mem>>
    %dma_wait3A_418 = arith.constant 0 : i32
    %dma_wait3A_419 = tpu.memref_slice %arg4[%add3A_309, %dma_wait3A_418] : memref<65536x256xf32, #tpu.memory_space<hbm>> -> memref<64x256xf32, #tpu.memory_space<hbm>>
    tpu.wait_dma2 semaphore(%dma_wait3A_417 : memref<!tpu.dma_semaphore, #tpu.memory_space<semaphore_mem>>) src(%arg8 : memref<64x256xf32, #tpu.memory_space<vmem>>) dst(%dma_wait3A_419 : memref<64x256xf32, #tpu.memory_space<hbm>>)
    %dma_start3A_420 = arith.constant 2 : i32
    %dma_start3A_421 = arith.constant 1024 : i32
    %dma_start3A_422 = tpu.memref_slice %arg5[%dma_start3A_421] : memref<2048xi32, #tpu.memory_space<vmem>> -> memref<64xi32, #tpu.memory_space<vmem>>
    %dma_start3A_423 = arith.constant 0 : i32
    %dma_start3A_424 = arith.constant 0 : i32
    %dma_start3A_425 = tpu.memref_slice %arg2[%dma_start3A_423, %dma_start3A_424] : memref<512x256xf32, #tpu.memory_space<hbm>> -> memref<512x256xf32, #tpu.memory_space<hbm>>
    %dma_start3A_426 = tpu.memref_slice %arg13[%dma_start3A_420] : memref<7x!tpu.dma_semaphore, #tpu.memory_space<semaphore_mem>> -> memref<1x!tpu.dma_semaphore, #tpu.memory_space<semaphore_mem>>
    %dma_start3A_427 = tpu.memref_squeeze %dma_start3A_426 : memref<1x!tpu.dma_semaphore, #tpu.memory_space<semaphore_mem>> -> memref<!tpu.dma_semaphore, #tpu.memory_space<semaphore_mem>>
    tpu.enqueue_indirect_dma source(%dma_start3A_425 : memref<512x256xf32, #tpu.memory_space<hbm>>) target(%arg8 : memref<64x256xf32, #tpu.memory_space<vmem>>) offsets(%dma_start3A_422 : memref<64xi32, #tpu.memory_space<vmem>>) semaphore(%dma_start3A_427 : memref<!tpu.dma_semaphore, #tpu.memory_space<semaphore_mem>>)
    %dma_wait3A_428 = arith.constant 6 : i32
    %dma_wait3A_429 = arith.constant 832 : i32
    %dma_wait3A_430 = tpu.memref_slice %arg5[%dma_wait3A_429] : memref<2048xi32, #tpu.memory_space<vmem>> -> memref<64xi32, #tpu.memory_space<vmem>>
    %dma_wait3A_431 = arith.constant 0 : i32
    %dma_wait3A_432 = arith.constant 0 : i32
    %dma_wait3A_433 = tpu.memref_slice %arg2[%dma_wait3A_431, %dma_wait3A_432] : memref<512x256xf32, #tpu.memory_space<hbm>> -> memref<512x256xf32, #tpu.memory_space<hbm>>
    %dma_wait3A_434 = tpu.memref_slice %arg13[%dma_wait3A_428] : memref<7x!tpu.dma_semaphore, #tpu.memory_space<semaphore_mem>> -> memref<1x!tpu.dma_semaphore, #tpu.memory_space<semaphore_mem>>
    %dma_wait3A_435 = tpu.memref_squeeze %dma_wait3A_434 : memref<1x!tpu.dma_semaphore, #tpu.memory_space<semaphore_mem>> -> memref<!tpu.dma_semaphore, #tpu.memory_space<semaphore_mem>>
    tpu.wait_indirect_dma semaphore(%dma_wait3A_435 : memref<!tpu.dma_semaphore, #tpu.memory_space<semaphore_mem>>) src(%dma_wait3A_433 : memref<512x256xf32, #tpu.memory_space<hbm>>) dst(%arg12 : memref<64x256xf32, #tpu.memory_space<vmem>>)
    %add3A_436 = arith.constant 832 : i32
    %add3A_437 = arith.addi %mul3A_2, %add3A_436 : i32
    %dma_start3A_438 = arith.constant 6 : i32
    %dma_start3A_439 = arith.constant 0 : i32
    %dma_start3A_440 = tpu.memref_slice %arg4[%add3A_437, %dma_start3A_439] : memref<65536x256xf32, #tpu.memory_space<hbm>> -> memref<64x256xf32, #tpu.memory_space<hbm>>
    %dma_start3A_441 = tpu.memref_slice %arg14[%dma_start3A_438] : memref<7x!tpu.dma_semaphore, #tpu.memory_space<semaphore_mem>> -> memref<1x!tpu.dma_semaphore, #tpu.memory_space<semaphore_mem>>
    %dma_start3A_442 = tpu.memref_squeeze %dma_start3A_441 : memref<1x!tpu.dma_semaphore, #tpu.memory_space<semaphore_mem>> -> memref<!tpu.dma_semaphore, #tpu.memory_space<semaphore_mem>>
    %dma_start3A_443 = arith.constant 0 : i32
    %dma_start3A_444 = tpu.memref_slice %arg4[%add3A_437, %dma_start3A_443] : memref<65536x256xf32, #tpu.memory_space<hbm>> -> memref<64x256xf32, #tpu.memory_space<hbm>>
    tpu.enqueue_dma source(%arg12 : memref<64x256xf32, #tpu.memory_space<vmem>>) target(%dma_start3A_444 : memref<64x256xf32, #tpu.memory_space<hbm>>) target_semaphore(%dma_start3A_442 : memref<!tpu.dma_semaphore, #tpu.memory_space<semaphore_mem>>)
    %dma_wait3A_445 = arith.constant 3 : i32
    %dma_wait3A_446 = arith.constant 0 : i32
    %dma_wait3A_447 = tpu.memref_slice %arg4[%add3A_341, %dma_wait3A_446] : memref<65536x256xf32, #tpu.memory_space<hbm>> -> memref<64x256xf32, #tpu.memory_space<hbm>>
    %dma_wait3A_448 = tpu.memref_slice %arg14[%dma_wait3A_445] : memref<7x!tpu.dma_semaphore, #tpu.memory_space<semaphore_mem>> -> memref<1x!tpu.dma_semaphore, #tpu.memory_space<semaphore_mem>>
    %dma_wait3A_449 = tpu.memref_squeeze %dma_wait3A_448 : memref<1x!tpu.dma_semaphore, #tpu.memory_space<semaphore_mem>> -> memref<!tpu.dma_semaphore, #tpu.memory_space<semaphore_mem>>
    %dma_wait3A_450 = arith.constant 0 : i32
    %dma_wait3A_451 = tpu.memref_slice %arg4[%add3A_341, %dma_wait3A_450] : memref<65536x256xf32, #tpu.memory_space<hbm>> -> memref<64x256xf32, #tpu.memory_space<hbm>>
    tpu.wait_dma2 semaphore(%dma_wait3A_449 : memref<!tpu.dma_semaphore, #tpu.memory_space<semaphore_mem>>) src(%arg9 : memref<64x256xf32, #tpu.memory_space<vmem>>) dst(%dma_wait3A_451 : memref<64x256xf32, #tpu.memory_space<hbm>>)
    %dma_start3A_452 = arith.constant 3 : i32
    %dma_start3A_453 = arith.constant 1088 : i32
    %dma_start3A_454 = tpu.memref_slice %arg5[%dma_start3A_453] : memref<2048xi32, #tpu.memory_space<vmem>> -> memref<64xi32, #tpu.memory_space<vmem>>
    %dma_start3A_455 = arith.constant 0 : i32
    %dma_start3A_456 = arith.constant 0 : i32
    %dma_start3A_457 = tpu.memref_slice %arg2[%dma_start3A_455, %dma_start3A_456] : memref<512x256xf32, #tpu.memory_space<hbm>> -> memref<512x256xf32, #tpu.memory_space<hbm>>
    %dma_start3A_458 = tpu.memref_slice %arg13[%dma_start3A_452] : memref<7x!tpu.dma_semaphore, #tpu.memory_space<semaphore_mem>> -> memref<1x!tpu.dma_semaphore, #tpu.memory_space<semaphore_mem>>
    %dma_start3A_459 = tpu.memref_squeeze %dma_start3A_458 : memref<1x!tpu.dma_semaphore, #tpu.memory_space<semaphore_mem>> -> memref<!tpu.dma_semaphore, #tpu.memory_space<semaphore_mem>>
    tpu.enqueue_indirect_dma source(%dma_start3A_457 : memref<512x256xf32, #tpu.memory_space<hbm>>) target(%arg9 : memref<64x256xf32, #tpu.memory_space<vmem>>) offsets(%dma_start3A_454 : memref<64xi32, #tpu.memory_space<vmem>>) semaphore(%dma_start3A_459 : memref<!tpu.dma_semaphore, #tpu.memory_space<semaphore_mem>>)
    %dma_wait3A_460 = arith.constant 0 : i32
    %dma_wait3A_461 = arith.constant 896 : i32
    %dma_wait3A_462 = tpu.memref_slice %arg5[%dma_wait3A_461] : memref<2048xi32, #tpu.memory_space<vmem>> -> memref<64xi32, #tpu.memory_space<vmem>>
    %dma_wait3A_463 = arith.constant 0 : i32
    %dma_wait3A_464 = arith.constant 0 : i32
    %dma_wait3A_465 = tpu.memref_slice %arg2[%dma_wait3A_463, %dma_wait3A_464] : memref<512x256xf32, #tpu.memory_space<hbm>> -> memref<512x256xf32, #tpu.memory_space<hbm>>
    %dma_wait3A_466 = tpu.memref_slice %arg13[%dma_wait3A_460] : memref<7x!tpu.dma_semaphore, #tpu.memory_space<semaphore_mem>> -> memref<1x!tpu.dma_semaphore, #tpu.memory_space<semaphore_mem>>
    %dma_wait3A_467 = tpu.memref_squeeze %dma_wait3A_466 : memref<1x!tpu.dma_semaphore, #tpu.memory_space<semaphore_mem>> -> memref<!tpu.dma_semaphore, #tpu.memory_space<semaphore_mem>>
    tpu.wait_indirect_dma semaphore(%dma_wait3A_467 : memref<!tpu.dma_semaphore, #tpu.memory_space<semaphore_mem>>) src(%dma_wait3A_465 : memref<512x256xf32, #tpu.memory_space<hbm>>) dst(%arg6 : memref<64x256xf32, #tpu.memory_space<vmem>>)
    %add3A_468 = arith.constant 896 : i32
    %add3A_469 = arith.addi %mul3A_2, %add3A_468 : i32
    %dma_start3A_470 = arith.constant 0 : i32
    %dma_start3A_471 = arith.constant 0 : i32
    %dma_start3A_472 = tpu.memref_slice %arg4[%add3A_469, %dma_start3A_471] : memref<65536x256xf32, #tpu.memory_space<hbm>> -> memref<64x256xf32, #tpu.memory_space<hbm>>
    %dma_start3A_473 = tpu.memref_slice %arg14[%dma_start3A_470] : memref<7x!tpu.dma_semaphore, #tpu.memory_space<semaphore_mem>> -> memref<1x!tpu.dma_semaphore, #tpu.memory_space<semaphore_mem>>
    %dma_start3A_474 = tpu.memref_squeeze %dma_start3A_473 : memref<1x!tpu.dma_semaphore, #tpu.memory_space<semaphore_mem>> -> memref<!tpu.dma_semaphore, #tpu.memory_space<semaphore_mem>>
    %dma_start3A_475 = arith.constant 0 : i32
    %dma_start3A_476 = tpu.memref_slice %arg4[%add3A_469, %dma_start3A_475] : memref<65536x256xf32, #tpu.memory_space<hbm>> -> memref<64x256xf32, #tpu.memory_space<hbm>>
    tpu.enqueue_dma source(%arg6 : memref<64x256xf32, #tpu.memory_space<vmem>>) target(%dma_start3A_476 : memref<64x256xf32, #tpu.memory_space<hbm>>) target_semaphore(%dma_start3A_474 : memref<!tpu.dma_semaphore, #tpu.memory_space<semaphore_mem>>)
    %dma_wait3A_477 = arith.constant 4 : i32
    %dma_wait3A_478 = arith.constant 0 : i32
    %dma_wait3A_479 = tpu.memref_slice %arg4[%add3A_373, %dma_wait3A_478] : memref<65536x256xf32, #tpu.memory_space<hbm>> -> memref<64x256xf32, #tpu.memory_space<hbm>>
    %dma_wait3A_480 = tpu.memref_slice %arg14[%dma_wait3A_477] : memref<7x!tpu.dma_semaphore, #tpu.memory_space<semaphore_mem>> -> memref<1x!tpu.dma_semaphore, #tpu.memory_space<semaphore_mem>>
    %dma_wait3A_481 = tpu.memref_squeeze %dma_wait3A_480 : memref<1x!tpu.dma_semaphore, #tpu.memory_space<semaphore_mem>> -> memref<!tpu.dma_semaphore, #tpu.memory_space<semaphore_mem>>
    %dma_wait3A_482 = arith.constant 0 : i32
    %dma_wait3A_483 = tpu.memref_slice %arg4[%add3A_373, %dma_wait3A_482] : memref<65536x256xf32, #tpu.memory_space<hbm>> -> memref<64x256xf32, #tpu.memory_space<hbm>>
    tpu.wait_dma2 semaphore(%dma_wait3A_481 : memref<!tpu.dma_semaphore, #tpu.memory_space<semaphore_mem>>) src(%arg10 : memref<64x256xf32, #tpu.memory_space<vmem>>) dst(%dma_wait3A_483 : memref<64x256xf32, #tpu.memory_space<hbm>>)
    %dma_start3A_484 = arith.constant 4 : i32
    %dma_start3A_485 = arith.constant 1152 : i32
    %dma_start3A_486 = tpu.memref_slice %arg5[%dma_start3A_485] : memref<2048xi32, #tpu.memory_space<vmem>> -> memref<64xi32, #tpu.memory_space<vmem>>
    %dma_start3A_487 = arith.constant 0 : i32
    %dma_start3A_488 = arith.constant 0 : i32
    %dma_start3A_489 = tpu.memref_slice %arg2[%dma_start3A_487, %dma_start3A_488] : memref<512x256xf32, #tpu.memory_space<hbm>> -> memref<512x256xf32, #tpu.memory_space<hbm>>
    %dma_start3A_490 = tpu.memref_slice %arg13[%dma_start3A_484] : memref<7x!tpu.dma_semaphore, #tpu.memory_space<semaphore_mem>> -> memref<1x!tpu.dma_semaphore, #tpu.memory_space<semaphore_mem>>
    %dma_start3A_491 = tpu.memref_squeeze %dma_start3A_490 : memref<1x!tpu.dma_semaphore, #tpu.memory_space<semaphore_mem>> -> memref<!tpu.dma_semaphore, #tpu.memory_space<semaphore_mem>>
    tpu.enqueue_indirect_dma source(%dma_start3A_489 : memref<512x256xf32, #tpu.memory_space<hbm>>) target(%arg10 : memref<64x256xf32, #tpu.memory_space<vmem>>) offsets(%dma_start3A_486 : memref<64xi32, #tpu.memory_space<vmem>>) semaphore(%dma_start3A_491 : memref<!tpu.dma_semaphore, #tpu.memory_space<semaphore_mem>>)
    %dma_wait3A_492 = arith.constant 1 : i32
    %dma_wait3A_493 = arith.constant 960 : i32
    %dma_wait3A_494 = tpu.memref_slice %arg5[%dma_wait3A_493] : memref<2048xi32, #tpu.memory_space<vmem>> -> memref<64xi32, #tpu.memory_space<vmem>>
    %dma_wait3A_495 = arith.constant 0 : i32
    %dma_wait3A_496 = arith.constant 0 : i32
    %dma_wait3A_497 = tpu.memref_slice %arg2[%dma_wait3A_495, %dma_wait3A_496] : memref<512x256xf32, #tpu.memory_space<hbm>> -> memref<512x256xf32, #tpu.memory_space<hbm>>
    %dma_wait3A_498 = tpu.memref_slice %arg13[%dma_wait3A_492] : memref<7x!tpu.dma_semaphore, #tpu.memory_space<semaphore_mem>> -> memref<1x!tpu.dma_semaphore, #tpu.memory_space<semaphore_mem>>
    %dma_wait3A_499 = tpu.memref_squeeze %dma_wait3A_498 : memref<1x!tpu.dma_semaphore, #tpu.memory_space<semaphore_mem>> -> memref<!tpu.dma_semaphore, #tpu.memory_space<semaphore_mem>>
    tpu.wait_indirect_dma semaphore(%dma_wait3A_499 : memref<!tpu.dma_semaphore, #tpu.memory_space<semaphore_mem>>) src(%dma_wait3A_497 : memref<512x256xf32, #tpu.memory_space<hbm>>) dst(%arg7 : memref<64x256xf32, #tpu.memory_space<vmem>>)
    %add3A_500 = arith.constant 960 : i32
    %add3A_501 = arith.addi %mul3A_2, %add3A_500 : i32
    %dma_start3A_502 = arith.constant 1 : i32
    %dma_start3A_503 = arith.constant 0 : i32
    %dma_start3A_504 = tpu.memref_slice %arg4[%add3A_501, %dma_start3A_503] : memref<65536x256xf32, #tpu.memory_space<hbm>> -> memref<64x256xf32, #tpu.memory_space<hbm>>
    %dma_start3A_505 = tpu.memref_slice %arg14[%dma_start3A_502] : memref<7x!tpu.dma_semaphore, #tpu.memory_space<semaphore_mem>> -> memref<1x!tpu.dma_semaphore, #tpu.memory_space<semaphore_mem>>
    %dma_start3A_506 = tpu.memref_squeeze %dma_start3A_505 : memref<1x!tpu.dma_semaphore, #tpu.memory_space<semaphore_mem>> -> memref<!tpu.dma_semaphore, #tpu.memory_space<semaphore_mem>>
    %dma_start3A_507 = arith.constant 0 : i32
    %dma_start3A_508 = tpu.memref_slice %arg4[%add3A_501, %dma_start3A_507] : memref<65536x256xf32, #tpu.memory_space<hbm>> -> memref<64x256xf32, #tpu.memory_space<hbm>>
    tpu.enqueue_dma source(%arg7 : memref<64x256xf32, #tpu.memory_space<vmem>>) target(%dma_start3A_508 : memref<64x256xf32, #tpu.memory_space<hbm>>) target_semaphore(%dma_start3A_506 : memref<!tpu.dma_semaphore, #tpu.memory_space<semaphore_mem>>)
    %dma_wait3A_509 = arith.constant 5 : i32
    %dma_wait3A_510 = arith.constant 0 : i32
    %dma_wait3A_511 = tpu.memref_slice %arg4[%add3A_405, %dma_wait3A_510] : memref<65536x256xf32, #tpu.memory_space<hbm>> -> memref<64x256xf32, #tpu.memory_space<hbm>>
    %dma_wait3A_512 = tpu.memref_slice %arg14[%dma_wait3A_509] : memref<7x!tpu.dma_semaphore, #tpu.memory_space<semaphore_mem>> -> memref<1x!tpu.dma_semaphore, #tpu.memory_space<semaphore_mem>>
    %dma_wait3A_513 = tpu.memref_squeeze %dma_wait3A_512 : memref<1x!tpu.dma_semaphore, #tpu.memory_space<semaphore_mem>> -> memref<!tpu.dma_semaphore, #tpu.memory_space<semaphore_mem>>
    %dma_wait3A_514 = arith.constant 0 : i32
    %dma_wait3A_515 = tpu.memref_slice %arg4[%add3A_405, %dma_wait3A_514] : memref<65536x256xf32, #tpu.memory_space<hbm>> -> memref<64x256xf32, #tpu.memory_space<hbm>>
    tpu.wait_dma2 semaphore(%dma_wait3A_513 : memref<!tpu.dma_semaphore, #tpu.memory_space<semaphore_mem>>) src(%arg11 : memref<64x256xf32, #tpu.memory_space<vmem>>) dst(%dma_wait3A_515 : memref<64x256xf32, #tpu.memory_space<hbm>>)
    %dma_start3A_516 = arith.constant 5 : i32
    %dma_start3A_517 = arith.constant 1216 : i32
    %dma_start3A_518 = tpu.memref_slice %arg5[%dma_start3A_517] : memref<2048xi32, #tpu.memory_space<vmem>> -> memref<64xi32, #tpu.memory_space<vmem>>
    %dma_start3A_519 = arith.constant 0 : i32
    %dma_start3A_520 = arith.constant 0 : i32
    %dma_start3A_521 = tpu.memref_slice %arg2[%dma_start3A_519, %dma_start3A_520] : memref<512x256xf32, #tpu.memory_space<hbm>> -> memref<512x256xf32, #tpu.memory_space<hbm>>
    %dma_start3A_522 = tpu.memref_slice %arg13[%dma_start3A_516] : memref<7x!tpu.dma_semaphore, #tpu.memory_space<semaphore_mem>> -> memref<1x!tpu.dma_semaphore, #tpu.memory_space<semaphore_mem>>
    %dma_start3A_523 = tpu.memref_squeeze %dma_start3A_522 : memref<1x!tpu.dma_semaphore, #tpu.memory_space<semaphore_mem>> -> memref<!tpu.dma_semaphore, #tpu.memory_space<semaphore_mem>>
    tpu.enqueue_indirect_dma source(%dma_start3A_521 : memref<512x256xf32, #tpu.memory_space<hbm>>) target(%arg11 : memref<64x256xf32, #tpu.memory_space<vmem>>) offsets(%dma_start3A_518 : memref<64xi32, #tpu.memory_space<vmem>>) semaphore(%dma_start3A_523 : memref<!tpu.dma_semaphore, #tpu.memory_space<semaphore_mem>>)
    %dma_wait3A_524 = arith.constant 2 : i32
    %dma_wait3A_525 = arith.constant 1024 : i32
    %dma_wait3A_526 = tpu.memref_slice %arg5[%dma_wait3A_525] : memref<2048xi32, #tpu.memory_space<vmem>> -> memref<64xi32, #tpu.memory_space<vmem>>
    %dma_wait3A_527 = arith.constant 0 : i32
    %dma_wait3A_528 = arith.constant 0 : i32
    %dma_wait3A_529 = tpu.memref_slice %arg2[%dma_wait3A_527, %dma_wait3A_528] : memref<512x256xf32, #tpu.memory_space<hbm>> -> memref<512x256xf32, #tpu.memory_space<hbm>>
    %dma_wait3A_530 = tpu.memref_slice %arg13[%dma_wait3A_524] : memref<7x!tpu.dma_semaphore, #tpu.memory_space<semaphore_mem>> -> memref<1x!tpu.dma_semaphore, #tpu.memory_space<semaphore_mem>>
    %dma_wait3A_531 = tpu.memref_squeeze %dma_wait3A_530 : memref<1x!tpu.dma_semaphore, #tpu.memory_space<semaphore_mem>> -> memref<!tpu.dma_semaphore, #tpu.memory_space<semaphore_mem>>
    tpu.wait_indirect_dma semaphore(%dma_wait3A_531 : memref<!tpu.dma_semaphore, #tpu.memory_space<semaphore_mem>>) src(%dma_wait3A_529 : memref<512x256xf32, #tpu.memory_space<hbm>>) dst(%arg8 : memref<64x256xf32, #tpu.memory_space<vmem>>)
    %add3A_532 = arith.constant 1024 : i32
    %add3A_533 = arith.addi %mul3A_2, %add3A_532 : i32
    %dma_start3A_534 = arith.constant 2 : i32
    %dma_start3A_535 = arith.constant 0 : i32
    %dma_start3A_536 = tpu.memref_slice %arg4[%add3A_533, %dma_start3A_535] : memref<65536x256xf32, #tpu.memory_space<hbm>> -> memref<64x256xf32, #tpu.memory_space<hbm>>
    %dma_start3A_537 = tpu.memref_slice %arg14[%dma_start3A_534] : memref<7x!tpu.dma_semaphore, #tpu.memory_space<semaphore_mem>> -> memref<1x!tpu.dma_semaphore, #tpu.memory_space<semaphore_mem>>
    %dma_start3A_538 = tpu.memref_squeeze %dma_start3A_537 : memref<1x!tpu.dma_semaphore, #tpu.memory_space<semaphore_mem>> -> memref<!tpu.dma_semaphore, #tpu.memory_space<semaphore_mem>>
    %dma_start3A_539 = arith.constant 0 : i32
    %dma_start3A_540 = tpu.memref_slice %arg4[%add3A_533, %dma_start3A_539] : memref<65536x256xf32, #tpu.memory_space<hbm>> -> memref<64x256xf32, #tpu.memory_space<hbm>>
    tpu.enqueue_dma source(%arg8 : memref<64x256xf32, #tpu.memory_space<vmem>>) target(%dma_start3A_540 : memref<64x256xf32, #tpu.memory_space<hbm>>) target_semaphore(%dma_start3A_538 : memref<!tpu.dma_semaphore, #tpu.memory_space<semaphore_mem>>)
    %dma_wait3A_541 = arith.constant 6 : i32
    %dma_wait3A_542 = arith.constant 0 : i32
    %dma_wait3A_543 = tpu.memref_slice %arg4[%add3A_437, %dma_wait3A_542] : memref<65536x256xf32, #tpu.memory_space<hbm>> -> memref<64x256xf32, #tpu.memory_space<hbm>>
    %dma_wait3A_544 = tpu.memref_slice %arg14[%dma_wait3A_541] : memref<7x!tpu.dma_semaphore, #tpu.memory_space<semaphore_mem>> -> memref<1x!tpu.dma_semaphore, #tpu.memory_space<semaphore_mem>>
    %dma_wait3A_545 = tpu.memref_squeeze %dma_wait3A_544 : memref<1x!tpu.dma_semaphore, #tpu.memory_space<semaphore_mem>> -> memref<!tpu.dma_semaphore, #tpu.memory_space<semaphore_mem>>
    %dma_wait3A_546 = arith.constant 0 : i32
    %dma_wait3A_547 = tpu.memref_slice %arg4[%add3A_437, %dma_wait3A_546] : memref<65536x256xf32, #tpu.memory_space<hbm>> -> memref<64x256xf32, #tpu.memory_space<hbm>>
    tpu.wait_dma2 semaphore(%dma_wait3A_545 : memref<!tpu.dma_semaphore, #tpu.memory_space<semaphore_mem>>) src(%arg12 : memref<64x256xf32, #tpu.memory_space<vmem>>) dst(%dma_wait3A_547 : memref<64x256xf32, #tpu.memory_space<hbm>>)
    %dma_start3A_548 = arith.constant 6 : i32
    %dma_start3A_549 = arith.constant 1280 : i32
    %dma_start3A_550 = tpu.memref_slice %arg5[%dma_start3A_549] : memref<2048xi32, #tpu.memory_space<vmem>> -> memref<64xi32, #tpu.memory_space<vmem>>
    %dma_start3A_551 = arith.constant 0 : i32
    %dma_start3A_552 = arith.constant 0 : i32
    %dma_start3A_553 = tpu.memref_slice %arg2[%dma_start3A_551, %dma_start3A_552] : memref<512x256xf32, #tpu.memory_space<hbm>> -> memref<512x256xf32, #tpu.memory_space<hbm>>
    %dma_start3A_554 = tpu.memref_slice %arg13[%dma_start3A_548] : memref<7x!tpu.dma_semaphore, #tpu.memory_space<semaphore_mem>> -> memref<1x!tpu.dma_semaphore, #tpu.memory_space<semaphore_mem>>
    %dma_start3A_555 = tpu.memref_squeeze %dma_start3A_554 : memref<1x!tpu.dma_semaphore, #tpu.memory_space<semaphore_mem>> -> memref<!tpu.dma_semaphore, #tpu.memory_space<semaphore_mem>>
    tpu.enqueue_indirect_dma source(%dma_start3A_553 : memref<512x256xf32, #tpu.memory_space<hbm>>) target(%arg12 : memref<64x256xf32, #tpu.memory_space<vmem>>) offsets(%dma_start3A_550 : memref<64xi32, #tpu.memory_space<vmem>>) semaphore(%dma_start3A_555 : memref<!tpu.dma_semaphore, #tpu.memory_space<semaphore_mem>>)
    %dma_wait3A_556 = arith.constant 3 : i32
    %dma_wait3A_557 = arith.constant 1088 : i32
    %dma_wait3A_558 = tpu.memref_slice %arg5[%dma_wait3A_557] : memref<2048xi32, #tpu.memory_space<vmem>> -> memref<64xi32, #tpu.memory_space<vmem>>
    %dma_wait3A_559 = arith.constant 0 : i32
    %dma_wait3A_560 = arith.constant 0 : i32
    %dma_wait3A_561 = tpu.memref_slice %arg2[%dma_wait3A_559, %dma_wait3A_560] : memref<512x256xf32, #tpu.memory_space<hbm>> -> memref<512x256xf32, #tpu.memory_space<hbm>>
    %dma_wait3A_562 = tpu.memref_slice %arg13[%dma_wait3A_556] : memref<7x!tpu.dma_semaphore, #tpu.memory_space<semaphore_mem>> -> memref<1x!tpu.dma_semaphore, #tpu.memory_space<semaphore_mem>>
    %dma_wait3A_563 = tpu.memref_squeeze %dma_wait3A_562 : memref<1x!tpu.dma_semaphore, #tpu.memory_space<semaphore_mem>> -> memref<!tpu.dma_semaphore, #tpu.memory_space<semaphore_mem>>
    tpu.wait_indirect_dma semaphore(%dma_wait3A_563 : memref<!tpu.dma_semaphore, #tpu.memory_space<semaphore_mem>>) src(%dma_wait3A_561 : memref<512x256xf32, #tpu.memory_space<hbm>>) dst(%arg9 : memref<64x256xf32, #tpu.memory_space<vmem>>)
    %add3A_564 = arith.constant 1088 : i32
    %add3A_565 = arith.addi %mul3A_2, %add3A_564 : i32
    %dma_start3A_566 = arith.constant 3 : i32
    %dma_start3A_567 = arith.constant 0 : i32
    %dma_start3A_568 = tpu.memref_slice %arg4[%add3A_565, %dma_start3A_567] : memref<65536x256xf32, #tpu.memory_space<hbm>> -> memref<64x256xf32, #tpu.memory_space<hbm>>
    %dma_start3A_569 = tpu.memref_slice %arg14[%dma_start3A_566] : memref<7x!tpu.dma_semaphore, #tpu.memory_space<semaphore_mem>> -> memref<1x!tpu.dma_semaphore, #tpu.memory_space<semaphore_mem>>
    %dma_start3A_570 = tpu.memref_squeeze %dma_start3A_569 : memref<1x!tpu.dma_semaphore, #tpu.memory_space<semaphore_mem>> -> memref<!tpu.dma_semaphore, #tpu.memory_space<semaphore_mem>>
    %dma_start3A_571 = arith.constant 0 : i32
    %dma_start3A_572 = tpu.memref_slice %arg4[%add3A_565, %dma_start3A_571] : memref<65536x256xf32, #tpu.memory_space<hbm>> -> memref<64x256xf32, #tpu.memory_space<hbm>>
    tpu.enqueue_dma source(%arg9 : memref<64x256xf32, #tpu.memory_space<vmem>>) target(%dma_start3A_572 : memref<64x256xf32, #tpu.memory_space<hbm>>) target_semaphore(%dma_start3A_570 : memref<!tpu.dma_semaphore, #tpu.memory_space<semaphore_mem>>)
    %dma_wait3A_573 = arith.constant 0 : i32
    %dma_wait3A_574 = arith.constant 0 : i32
    %dma_wait3A_575 = tpu.memref_slice %arg4[%add3A_469, %dma_wait3A_574] : memref<65536x256xf32, #tpu.memory_space<hbm>> -> memref<64x256xf32, #tpu.memory_space<hbm>>
    %dma_wait3A_576 = tpu.memref_slice %arg14[%dma_wait3A_573] : memref<7x!tpu.dma_semaphore, #tpu.memory_space<semaphore_mem>> -> memref<1x!tpu.dma_semaphore, #tpu.memory_space<semaphore_mem>>
    %dma_wait3A_577 = tpu.memref_squeeze %dma_wait3A_576 : memref<1x!tpu.dma_semaphore, #tpu.memory_space<semaphore_mem>> -> memref<!tpu.dma_semaphore, #tpu.memory_space<semaphore_mem>>
    %dma_wait3A_578 = arith.constant 0 : i32
    %dma_wait3A_579 = tpu.memref_slice %arg4[%add3A_469, %dma_wait3A_578] : memref<65536x256xf32, #tpu.memory_space<hbm>> -> memref<64x256xf32, #tpu.memory_space<hbm>>
    tpu.wait_dma2 semaphore(%dma_wait3A_577 : memref<!tpu.dma_semaphore, #tpu.memory_space<semaphore_mem>>) src(%arg6 : memref<64x256xf32, #tpu.memory_space<vmem>>) dst(%dma_wait3A_579 : memref<64x256xf32, #tpu.memory_space<hbm>>)
    %dma_start3A_580 = arith.constant 0 : i32
    %dma_start3A_581 = arith.constant 1344 : i32
    %dma_start3A_582 = tpu.memref_slice %arg5[%dma_start3A_581] : memref<2048xi32, #tpu.memory_space<vmem>> -> memref<64xi32, #tpu.memory_space<vmem>>
    %dma_start3A_583 = arith.constant 0 : i32
    %dma_start3A_584 = arith.constant 0 : i32
    %dma_start3A_585 = tpu.memref_slice %arg2[%dma_start3A_583, %dma_start3A_584] : memref<512x256xf32, #tpu.memory_space<hbm>> -> memref<512x256xf32, #tpu.memory_space<hbm>>
    %dma_start3A_586 = tpu.memref_slice %arg13[%dma_start3A_580] : memref<7x!tpu.dma_semaphore, #tpu.memory_space<semaphore_mem>> -> memref<1x!tpu.dma_semaphore, #tpu.memory_space<semaphore_mem>>
    %dma_start3A_587 = tpu.memref_squeeze %dma_start3A_586 : memref<1x!tpu.dma_semaphore, #tpu.memory_space<semaphore_mem>> -> memref<!tpu.dma_semaphore, #tpu.memory_space<semaphore_mem>>
    tpu.enqueue_indirect_dma source(%dma_start3A_585 : memref<512x256xf32, #tpu.memory_space<hbm>>) target(%arg6 : memref<64x256xf32, #tpu.memory_space<vmem>>) offsets(%dma_start3A_582 : memref<64xi32, #tpu.memory_space<vmem>>) semaphore(%dma_start3A_587 : memref<!tpu.dma_semaphore, #tpu.memory_space<semaphore_mem>>)
    %dma_wait3A_588 = arith.constant 4 : i32
    %dma_wait3A_589 = arith.constant 1152 : i32
    %dma_wait3A_590 = tpu.memref_slice %arg5[%dma_wait3A_589] : memref<2048xi32, #tpu.memory_space<vmem>> -> memref<64xi32, #tpu.memory_space<vmem>>
    %dma_wait3A_591 = arith.constant 0 : i32
    %dma_wait3A_592 = arith.constant 0 : i32
    %dma_wait3A_593 = tpu.memref_slice %arg2[%dma_wait3A_591, %dma_wait3A_592] : memref<512x256xf32, #tpu.memory_space<hbm>> -> memref<512x256xf32, #tpu.memory_space<hbm>>
    %dma_wait3A_594 = tpu.memref_slice %arg13[%dma_wait3A_588] : memref<7x!tpu.dma_semaphore, #tpu.memory_space<semaphore_mem>> -> memref<1x!tpu.dma_semaphore, #tpu.memory_space<semaphore_mem>>
    %dma_wait3A_595 = tpu.memref_squeeze %dma_wait3A_594 : memref<1x!tpu.dma_semaphore, #tpu.memory_space<semaphore_mem>> -> memref<!tpu.dma_semaphore, #tpu.memory_space<semaphore_mem>>
    tpu.wait_indirect_dma semaphore(%dma_wait3A_595 : memref<!tpu.dma_semaphore, #tpu.memory_space<semaphore_mem>>) src(%dma_wait3A_593 : memref<512x256xf32, #tpu.memory_space<hbm>>) dst(%arg10 : memref<64x256xf32, #tpu.memory_space<vmem>>)
    %add3A_596 = arith.constant 1152 : i32
    %add3A_597 = arith.addi %mul3A_2, %add3A_596 : i32
    %dma_start3A_598 = arith.constant 4 : i32
    %dma_start3A_599 = arith.constant 0 : i32
    %dma_start3A_600 = tpu.memref_slice %arg4[%add3A_597, %dma_start3A_599] : memref<65536x256xf32, #tpu.memory_space<hbm>> -> memref<64x256xf32, #tpu.memory_space<hbm>>
    %dma_start3A_601 = tpu.memref_slice %arg14[%dma_start3A_598] : memref<7x!tpu.dma_semaphore, #tpu.memory_space<semaphore_mem>> -> memref<1x!tpu.dma_semaphore, #tpu.memory_space<semaphore_mem>>
    %dma_start3A_602 = tpu.memref_squeeze %dma_start3A_601 : memref<1x!tpu.dma_semaphore, #tpu.memory_space<semaphore_mem>> -> memref<!tpu.dma_semaphore, #tpu.memory_space<semaphore_mem>>
    %dma_start3A_603 = arith.constant 0 : i32
    %dma_start3A_604 = tpu.memref_slice %arg4[%add3A_597, %dma_start3A_603] : memref<65536x256xf32, #tpu.memory_space<hbm>> -> memref<64x256xf32, #tpu.memory_space<hbm>>
    tpu.enqueue_dma source(%arg10 : memref<64x256xf32, #tpu.memory_space<vmem>>) target(%dma_start3A_604 : memref<64x256xf32, #tpu.memory_space<hbm>>) target_semaphore(%dma_start3A_602 : memref<!tpu.dma_semaphore, #tpu.memory_space<semaphore_mem>>)
    %dma_wait3A_605 = arith.constant 1 : i32
    %dma_wait3A_606 = arith.constant 0 : i32
    %dma_wait3A_607 = tpu.memref_slice %arg4[%add3A_501, %dma_wait3A_606] : memref<65536x256xf32, #tpu.memory_space<hbm>> -> memref<64x256xf32, #tpu.memory_space<hbm>>
    %dma_wait3A_608 = tpu.memref_slice %arg14[%dma_wait3A_605] : memref<7x!tpu.dma_semaphore, #tpu.memory_space<semaphore_mem>> -> memref<1x!tpu.dma_semaphore, #tpu.memory_space<semaphore_mem>>
    %dma_wait3A_609 = tpu.memref_squeeze %dma_wait3A_608 : memref<1x!tpu.dma_semaphore, #tpu.memory_space<semaphore_mem>> -> memref<!tpu.dma_semaphore, #tpu.memory_space<semaphore_mem>>
    %dma_wait3A_610 = arith.constant 0 : i32
    %dma_wait3A_611 = tpu.memref_slice %arg4[%add3A_501, %dma_wait3A_610] : memref<65536x256xf32, #tpu.memory_space<hbm>> -> memref<64x256xf32, #tpu.memory_space<hbm>>
    tpu.wait_dma2 semaphore(%dma_wait3A_609 : memref<!tpu.dma_semaphore, #tpu.memory_space<semaphore_mem>>) src(%arg7 : memref<64x256xf32, #tpu.memory_space<vmem>>) dst(%dma_wait3A_611 : memref<64x256xf32, #tpu.memory_space<hbm>>)
    %dma_start3A_612 = arith.constant 1 : i32
    %dma_start3A_613 = arith.constant 1408 : i32
    %dma_start3A_614 = tpu.memref_slice %arg5[%dma_start3A_613] : memref<2048xi32, #tpu.memory_space<vmem>> -> memref<64xi32, #tpu.memory_space<vmem>>
    %dma_start3A_615 = arith.constant 0 : i32
    %dma_start3A_616 = arith.constant 0 : i32
    %dma_start3A_617 = tpu.memref_slice %arg2[%dma_start3A_615, %dma_start3A_616] : memref<512x256xf32, #tpu.memory_space<hbm>> -> memref<512x256xf32, #tpu.memory_space<hbm>>
    %dma_start3A_618 = tpu.memref_slice %arg13[%dma_start3A_612] : memref<7x!tpu.dma_semaphore, #tpu.memory_space<semaphore_mem>> -> memref<1x!tpu.dma_semaphore, #tpu.memory_space<semaphore_mem>>
    %dma_start3A_619 = tpu.memref_squeeze %dma_start3A_618 : memref<1x!tpu.dma_semaphore, #tpu.memory_space<semaphore_mem>> -> memref<!tpu.dma_semaphore, #tpu.memory_space<semaphore_mem>>
    tpu.enqueue_indirect_dma source(%dma_start3A_617 : memref<512x256xf32, #tpu.memory_space<hbm>>) target(%arg7 : memref<64x256xf32, #tpu.memory_space<vmem>>) offsets(%dma_start3A_614 : memref<64xi32, #tpu.memory_space<vmem>>) semaphore(%dma_start3A_619 : memref<!tpu.dma_semaphore, #tpu.memory_space<semaphore_mem>>)
    %dma_wait3A_620 = arith.constant 5 : i32
    %dma_wait3A_621 = arith.constant 1216 : i32
    %dma_wait3A_622 = tpu.memref_slice %arg5[%dma_wait3A_621] : memref<2048xi32, #tpu.memory_space<vmem>> -> memref<64xi32, #tpu.memory_space<vmem>>
    %dma_wait3A_623 = arith.constant 0 : i32
    %dma_wait3A_624 = arith.constant 0 : i32
    %dma_wait3A_625 = tpu.memref_slice %arg2[%dma_wait3A_623, %dma_wait3A_624] : memref<512x256xf32, #tpu.memory_space<hbm>> -> memref<512x256xf32, #tpu.memory_space<hbm>>
    %dma_wait3A_626 = tpu.memref_slice %arg13[%dma_wait3A_620] : memref<7x!tpu.dma_semaphore, #tpu.memory_space<semaphore_mem>> -> memref<1x!tpu.dma_semaphore, #tpu.memory_space<semaphore_mem>>
    %dma_wait3A_627 = tpu.memref_squeeze %dma_wait3A_626 : memref<1x!tpu.dma_semaphore, #tpu.memory_space<semaphore_mem>> -> memref<!tpu.dma_semaphore, #tpu.memory_space<semaphore_mem>>
    tpu.wait_indirect_dma semaphore(%dma_wait3A_627 : memref<!tpu.dma_semaphore, #tpu.memory_space<semaphore_mem>>) src(%dma_wait3A_625 : memref<512x256xf32, #tpu.memory_space<hbm>>) dst(%arg11 : memref<64x256xf32, #tpu.memory_space<vmem>>)
    %add3A_628 = arith.constant 1216 : i32
    %add3A_629 = arith.addi %mul3A_2, %add3A_628 : i32
    %dma_start3A_630 = arith.constant 5 : i32
    %dma_start3A_631 = arith.constant 0 : i32
    %dma_start3A_632 = tpu.memref_slice %arg4[%add3A_629, %dma_start3A_631] : memref<65536x256xf32, #tpu.memory_space<hbm>> -> memref<64x256xf32, #tpu.memory_space<hbm>>
    %dma_start3A_633 = tpu.memref_slice %arg14[%dma_start3A_630] : memref<7x!tpu.dma_semaphore, #tpu.memory_space<semaphore_mem>> -> memref<1x!tpu.dma_semaphore, #tpu.memory_space<semaphore_mem>>
    %dma_start3A_634 = tpu.memref_squeeze %dma_start3A_633 : memref<1x!tpu.dma_semaphore, #tpu.memory_space<semaphore_mem>> -> memref<!tpu.dma_semaphore, #tpu.memory_space<semaphore_mem>>
    %dma_start3A_635 = arith.constant 0 : i32
    %dma_start3A_636 = tpu.memref_slice %arg4[%add3A_629, %dma_start3A_635] : memref<65536x256xf32, #tpu.memory_space<hbm>> -> memref<64x256xf32, #tpu.memory_space<hbm>>
    tpu.enqueue_dma source(%arg11 : memref<64x256xf32, #tpu.memory_space<vmem>>) target(%dma_start3A_636 : memref<64x256xf32, #tpu.memory_space<hbm>>) target_semaphore(%dma_start3A_634 : memref<!tpu.dma_semaphore, #tpu.memory_space<semaphore_mem>>)
    %dma_wait3A_637 = arith.constant 2 : i32
    %dma_wait3A_638 = arith.constant 0 : i32
    %dma_wait3A_639 = tpu.memref_slice %arg4[%add3A_533, %dma_wait3A_638] : memref<65536x256xf32, #tpu.memory_space<hbm>> -> memref<64x256xf32, #tpu.memory_space<hbm>>
    %dma_wait3A_640 = tpu.memref_slice %arg14[%dma_wait3A_637] : memref<7x!tpu.dma_semaphore, #tpu.memory_space<semaphore_mem>> -> memref<1x!tpu.dma_semaphore, #tpu.memory_space<semaphore_mem>>
    %dma_wait3A_641 = tpu.memref_squeeze %dma_wait3A_640 : memref<1x!tpu.dma_semaphore, #tpu.memory_space<semaphore_mem>> -> memref<!tpu.dma_semaphore, #tpu.memory_space<semaphore_mem>>
    %dma_wait3A_642 = arith.constant 0 : i32
    %dma_wait3A_643 = tpu.memref_slice %arg4[%add3A_533, %dma_wait3A_642] : memref<65536x256xf32, #tpu.memory_space<hbm>> -> memref<64x256xf32, #tpu.memory_space<hbm>>
    tpu.wait_dma2 semaphore(%dma_wait3A_641 : memref<!tpu.dma_semaphore, #tpu.memory_space<semaphore_mem>>) src(%arg8 : memref<64x256xf32, #tpu.memory_space<vmem>>) dst(%dma_wait3A_643 : memref<64x256xf32, #tpu.memory_space<hbm>>)
    %dma_start3A_644 = arith.constant 2 : i32
    %dma_start3A_645 = arith.constant 1472 : i32
    %dma_start3A_646 = tpu.memref_slice %arg5[%dma_start3A_645] : memref<2048xi32, #tpu.memory_space<vmem>> -> memref<64xi32, #tpu.memory_space<vmem>>
    %dma_start3A_647 = arith.constant 0 : i32
    %dma_start3A_648 = arith.constant 0 : i32
    %dma_start3A_649 = tpu.memref_slice %arg2[%dma_start3A_647, %dma_start3A_648] : memref<512x256xf32, #tpu.memory_space<hbm>> -> memref<512x256xf32, #tpu.memory_space<hbm>>
    %dma_start3A_650 = tpu.memref_slice %arg13[%dma_start3A_644] : memref<7x!tpu.dma_semaphore, #tpu.memory_space<semaphore_mem>> -> memref<1x!tpu.dma_semaphore, #tpu.memory_space<semaphore_mem>>
    %dma_start3A_651 = tpu.memref_squeeze %dma_start3A_650 : memref<1x!tpu.dma_semaphore, #tpu.memory_space<semaphore_mem>> -> memref<!tpu.dma_semaphore, #tpu.memory_space<semaphore_mem>>
    tpu.enqueue_indirect_dma source(%dma_start3A_649 : memref<512x256xf32, #tpu.memory_space<hbm>>) target(%arg8 : memref<64x256xf32, #tpu.memory_space<vmem>>) offsets(%dma_start3A_646 : memref<64xi32, #tpu.memory_space<vmem>>) semaphore(%dma_start3A_651 : memref<!tpu.dma_semaphore, #tpu.memory_space<semaphore_mem>>)
    %dma_wait3A_652 = arith.constant 6 : i32
    %dma_wait3A_653 = arith.constant 1280 : i32
    %dma_wait3A_654 = tpu.memref_slice %arg5[%dma_wait3A_653] : memref<2048xi32, #tpu.memory_space<vmem>> -> memref<64xi32, #tpu.memory_space<vmem>>
    %dma_wait3A_655 = arith.constant 0 : i32
    %dma_wait3A_656 = arith.constant 0 : i32
    %dma_wait3A_657 = tpu.memref_slice %arg2[%dma_wait3A_655, %dma_wait3A_656] : memref<512x256xf32, #tpu.memory_space<hbm>> -> memref<512x256xf32, #tpu.memory_space<hbm>>
    %dma_wait3A_658 = tpu.memref_slice %arg13[%dma_wait3A_652] : memref<7x!tpu.dma_semaphore, #tpu.memory_space<semaphore_mem>> -> memref<1x!tpu.dma_semaphore, #tpu.memory_space<semaphore_mem>>
    %dma_wait3A_659 = tpu.memref_squeeze %dma_wait3A_658 : memref<1x!tpu.dma_semaphore, #tpu.memory_space<semaphore_mem>> -> memref<!tpu.dma_semaphore, #tpu.memory_space<semaphore_mem>>
    tpu.wait_indirect_dma semaphore(%dma_wait3A_659 : memref<!tpu.dma_semaphore, #tpu.memory_space<semaphore_mem>>) src(%dma_wait3A_657 : memref<512x256xf32, #tpu.memory_space<hbm>>) dst(%arg12 : memref<64x256xf32, #tpu.memory_space<vmem>>)
    %add3A_660 = arith.constant 1280 : i32
    %add3A_661 = arith.addi %mul3A_2, %add3A_660 : i32
    %dma_start3A_662 = arith.constant 6 : i32
    %dma_start3A_663 = arith.constant 0 : i32
    %dma_start3A_664 = tpu.memref_slice %arg4[%add3A_661, %dma_start3A_663] : memref<65536x256xf32, #tpu.memory_space<hbm>> -> memref<64x256xf32, #tpu.memory_space<hbm>>
    %dma_start3A_665 = tpu.memref_slice %arg14[%dma_start3A_662] : memref<7x!tpu.dma_semaphore, #tpu.memory_space<semaphore_mem>> -> memref<1x!tpu.dma_semaphore, #tpu.memory_space<semaphore_mem>>
    %dma_start3A_666 = tpu.memref_squeeze %dma_start3A_665 : memref<1x!tpu.dma_semaphore, #tpu.memory_space<semaphore_mem>> -> memref<!tpu.dma_semaphore, #tpu.memory_space<semaphore_mem>>
    %dma_start3A_667 = arith.constant 0 : i32
    %dma_start3A_668 = tpu.memref_slice %arg4[%add3A_661, %dma_start3A_667] : memref<65536x256xf32, #tpu.memory_space<hbm>> -> memref<64x256xf32, #tpu.memory_space<hbm>>
    tpu.enqueue_dma source(%arg12 : memref<64x256xf32, #tpu.memory_space<vmem>>) target(%dma_start3A_668 : memref<64x256xf32, #tpu.memory_space<hbm>>) target_semaphore(%dma_start3A_666 : memref<!tpu.dma_semaphore, #tpu.memory_space<semaphore_mem>>)
    %dma_wait3A_669 = arith.constant 3 : i32
    %dma_wait3A_670 = arith.constant 0 : i32
    %dma_wait3A_671 = tpu.memref_slice %arg4[%add3A_565, %dma_wait3A_670] : memref<65536x256xf32, #tpu.memory_space<hbm>> -> memref<64x256xf32, #tpu.memory_space<hbm>>
    %dma_wait3A_672 = tpu.memref_slice %arg14[%dma_wait3A_669] : memref<7x!tpu.dma_semaphore, #tpu.memory_space<semaphore_mem>> -> memref<1x!tpu.dma_semaphore, #tpu.memory_space<semaphore_mem>>
    %dma_wait3A_673 = tpu.memref_squeeze %dma_wait3A_672 : memref<1x!tpu.dma_semaphore, #tpu.memory_space<semaphore_mem>> -> memref<!tpu.dma_semaphore, #tpu.memory_space<semaphore_mem>>
    %dma_wait3A_674 = arith.constant 0 : i32
    %dma_wait3A_675 = tpu.memref_slice %arg4[%add3A_565, %dma_wait3A_674] : memref<65536x256xf32, #tpu.memory_space<hbm>> -> memref<64x256xf32, #tpu.memory_space<hbm>>
    tpu.wait_dma2 semaphore(%dma_wait3A_673 : memref<!tpu.dma_semaphore, #tpu.memory_space<semaphore_mem>>) src(%arg9 : memref<64x256xf32, #tpu.memory_space<vmem>>) dst(%dma_wait3A_675 : memref<64x256xf32, #tpu.memory_space<hbm>>)
    %dma_start3A_676 = arith.constant 3 : i32
    %dma_start3A_677 = arith.constant 1536 : i32
    %dma_start3A_678 = tpu.memref_slice %arg5[%dma_start3A_677] : memref<2048xi32, #tpu.memory_space<vmem>> -> memref<64xi32, #tpu.memory_space<vmem>>
    %dma_start3A_679 = arith.constant 0 : i32
    %dma_start3A_680 = arith.constant 0 : i32
    %dma_start3A_681 = tpu.memref_slice %arg2[%dma_start3A_679, %dma_start3A_680] : memref<512x256xf32, #tpu.memory_space<hbm>> -> memref<512x256xf32, #tpu.memory_space<hbm>>
    %dma_start3A_682 = tpu.memref_slice %arg13[%dma_start3A_676] : memref<7x!tpu.dma_semaphore, #tpu.memory_space<semaphore_mem>> -> memref<1x!tpu.dma_semaphore, #tpu.memory_space<semaphore_mem>>
    %dma_start3A_683 = tpu.memref_squeeze %dma_start3A_682 : memref<1x!tpu.dma_semaphore, #tpu.memory_space<semaphore_mem>> -> memref<!tpu.dma_semaphore, #tpu.memory_space<semaphore_mem>>
    tpu.enqueue_indirect_dma source(%dma_start3A_681 : memref<512x256xf32, #tpu.memory_space<hbm>>) target(%arg9 : memref<64x256xf32, #tpu.memory_space<vmem>>) offsets(%dma_start3A_678 : memref<64xi32, #tpu.memory_space<vmem>>) semaphore(%dma_start3A_683 : memref<!tpu.dma_semaphore, #tpu.memory_space<semaphore_mem>>)
    %dma_wait3A_684 = arith.constant 0 : i32
    %dma_wait3A_685 = arith.constant 1344 : i32
    %dma_wait3A_686 = tpu.memref_slice %arg5[%dma_wait3A_685] : memref<2048xi32, #tpu.memory_space<vmem>> -> memref<64xi32, #tpu.memory_space<vmem>>
    %dma_wait3A_687 = arith.constant 0 : i32
    %dma_wait3A_688 = arith.constant 0 : i32
    %dma_wait3A_689 = tpu.memref_slice %arg2[%dma_wait3A_687, %dma_wait3A_688] : memref<512x256xf32, #tpu.memory_space<hbm>> -> memref<512x256xf32, #tpu.memory_space<hbm>>
    %dma_wait3A_690 = tpu.memref_slice %arg13[%dma_wait3A_684] : memref<7x!tpu.dma_semaphore, #tpu.memory_space<semaphore_mem>> -> memref<1x!tpu.dma_semaphore, #tpu.memory_space<semaphore_mem>>
    %dma_wait3A_691 = tpu.memref_squeeze %dma_wait3A_690 : memref<1x!tpu.dma_semaphore, #tpu.memory_space<semaphore_mem>> -> memref<!tpu.dma_semaphore, #tpu.memory_space<semaphore_mem>>
    tpu.wait_indirect_dma semaphore(%dma_wait3A_691 : memref<!tpu.dma_semaphore, #tpu.memory_space<semaphore_mem>>) src(%dma_wait3A_689 : memref<512x256xf32, #tpu.memory_space<hbm>>) dst(%arg6 : memref<64x256xf32, #tpu.memory_space<vmem>>)
    %add3A_692 = arith.constant 1344 : i32
    %add3A_693 = arith.addi %mul3A_2, %add3A_692 : i32
    %dma_start3A_694 = arith.constant 0 : i32
    %dma_start3A_695 = arith.constant 0 : i32
    %dma_start3A_696 = tpu.memref_slice %arg4[%add3A_693, %dma_start3A_695] : memref<65536x256xf32, #tpu.memory_space<hbm>> -> memref<64x256xf32, #tpu.memory_space<hbm>>
    %dma_start3A_697 = tpu.memref_slice %arg14[%dma_start3A_694] : memref<7x!tpu.dma_semaphore, #tpu.memory_space<semaphore_mem>> -> memref<1x!tpu.dma_semaphore, #tpu.memory_space<semaphore_mem>>
    %dma_start3A_698 = tpu.memref_squeeze %dma_start3A_697 : memref<1x!tpu.dma_semaphore, #tpu.memory_space<semaphore_mem>> -> memref<!tpu.dma_semaphore, #tpu.memory_space<semaphore_mem>>
    %dma_start3A_699 = arith.constant 0 : i32
    %dma_start3A_700 = tpu.memref_slice %arg4[%add3A_693, %dma_start3A_699] : memref<65536x256xf32, #tpu.memory_space<hbm>> -> memref<64x256xf32, #tpu.memory_space<hbm>>
    tpu.enqueue_dma source(%arg6 : memref<64x256xf32, #tpu.memory_space<vmem>>) target(%dma_start3A_700 : memref<64x256xf32, #tpu.memory_space<hbm>>) target_semaphore(%dma_start3A_698 : memref<!tpu.dma_semaphore, #tpu.memory_space<semaphore_mem>>)
    %dma_wait3A_701 = arith.constant 4 : i32
    %dma_wait3A_702 = arith.constant 0 : i32
    %dma_wait3A_703 = tpu.memref_slice %arg4[%add3A_597, %dma_wait3A_702] : memref<65536x256xf32, #tpu.memory_space<hbm>> -> memref<64x256xf32, #tpu.memory_space<hbm>>
    %dma_wait3A_704 = tpu.memref_slice %arg14[%dma_wait3A_701] : memref<7x!tpu.dma_semaphore, #tpu.memory_space<semaphore_mem>> -> memref<1x!tpu.dma_semaphore, #tpu.memory_space<semaphore_mem>>
    %dma_wait3A_705 = tpu.memref_squeeze %dma_wait3A_704 : memref<1x!tpu.dma_semaphore, #tpu.memory_space<semaphore_mem>> -> memref<!tpu.dma_semaphore, #tpu.memory_space<semaphore_mem>>
    %dma_wait3A_706 = arith.constant 0 : i32
    %dma_wait3A_707 = tpu.memref_slice %arg4[%add3A_597, %dma_wait3A_706] : memref<65536x256xf32, #tpu.memory_space<hbm>> -> memref<64x256xf32, #tpu.memory_space<hbm>>
    tpu.wait_dma2 semaphore(%dma_wait3A_705 : memref<!tpu.dma_semaphore, #tpu.memory_space<semaphore_mem>>) src(%arg10 : memref<64x256xf32, #tpu.memory_space<vmem>>) dst(%dma_wait3A_707 : memref<64x256xf32, #tpu.memory_space<hbm>>)
    %dma_start3A_708 = arith.constant 4 : i32
    %dma_start3A_709 = arith.constant 1600 : i32
    %dma_start3A_710 = tpu.memref_slice %arg5[%dma_start3A_709] : memref<2048xi32, #tpu.memory_space<vmem>> -> memref<64xi32, #tpu.memory_space<vmem>>
    %dma_start3A_711 = arith.constant 0 : i32
    %dma_start3A_712 = arith.constant 0 : i32
    %dma_start3A_713 = tpu.memref_slice %arg2[%dma_start3A_711, %dma_start3A_712] : memref<512x256xf32, #tpu.memory_space<hbm>> -> memref<512x256xf32, #tpu.memory_space<hbm>>
    %dma_start3A_714 = tpu.memref_slice %arg13[%dma_start3A_708] : memref<7x!tpu.dma_semaphore, #tpu.memory_space<semaphore_mem>> -> memref<1x!tpu.dma_semaphore, #tpu.memory_space<semaphore_mem>>
    %dma_start3A_715 = tpu.memref_squeeze %dma_start3A_714 : memref<1x!tpu.dma_semaphore, #tpu.memory_space<semaphore_mem>> -> memref<!tpu.dma_semaphore, #tpu.memory_space<semaphore_mem>>
    tpu.enqueue_indirect_dma source(%dma_start3A_713 : memref<512x256xf32, #tpu.memory_space<hbm>>) target(%arg10 : memref<64x256xf32, #tpu.memory_space<vmem>>) offsets(%dma_start3A_710 : memref<64xi32, #tpu.memory_space<vmem>>) semaphore(%dma_start3A_715 : memref<!tpu.dma_semaphore, #tpu.memory_space<semaphore_mem>>)
    %dma_wait3A_716 = arith.constant 1 : i32
    %dma_wait3A_717 = arith.constant 1408 : i32
    %dma_wait3A_718 = tpu.memref_slice %arg5[%dma_wait3A_717] : memref<2048xi32, #tpu.memory_space<vmem>> -> memref<64xi32, #tpu.memory_space<vmem>>
    %dma_wait3A_719 = arith.constant 0 : i32
    %dma_wait3A_720 = arith.constant 0 : i32
    %dma_wait3A_721 = tpu.memref_slice %arg2[%dma_wait3A_719, %dma_wait3A_720] : memref<512x256xf32, #tpu.memory_space<hbm>> -> memref<512x256xf32, #tpu.memory_space<hbm>>
    %dma_wait3A_722 = tpu.memref_slice %arg13[%dma_wait3A_716] : memref<7x!tpu.dma_semaphore, #tpu.memory_space<semaphore_mem>> -> memref<1x!tpu.dma_semaphore, #tpu.memory_space<semaphore_mem>>
    %dma_wait3A_723 = tpu.memref_squeeze %dma_wait3A_722 : memref<1x!tpu.dma_semaphore, #tpu.memory_space<semaphore_mem>> -> memref<!tpu.dma_semaphore, #tpu.memory_space<semaphore_mem>>
    tpu.wait_indirect_dma semaphore(%dma_wait3A_723 : memref<!tpu.dma_semaphore, #tpu.memory_space<semaphore_mem>>) src(%dma_wait3A_721 : memref<512x256xf32, #tpu.memory_space<hbm>>) dst(%arg7 : memref<64x256xf32, #tpu.memory_space<vmem>>)
    %add3A_724 = arith.constant 1408 : i32
    %add3A_725 = arith.addi %mul3A_2, %add3A_724 : i32
    %dma_start3A_726 = arith.constant 1 : i32
    %dma_start3A_727 = arith.constant 0 : i32
    %dma_start3A_728 = tpu.memref_slice %arg4[%add3A_725, %dma_start3A_727] : memref<65536x256xf32, #tpu.memory_space<hbm>> -> memref<64x256xf32, #tpu.memory_space<hbm>>
    %dma_start3A_729 = tpu.memref_slice %arg14[%dma_start3A_726] : memref<7x!tpu.dma_semaphore, #tpu.memory_space<semaphore_mem>> -> memref<1x!tpu.dma_semaphore, #tpu.memory_space<semaphore_mem>>
    %dma_start3A_730 = tpu.memref_squeeze %dma_start3A_729 : memref<1x!tpu.dma_semaphore, #tpu.memory_space<semaphore_mem>> -> memref<!tpu.dma_semaphore, #tpu.memory_space<semaphore_mem>>
    %dma_start3A_731 = arith.constant 0 : i32
    %dma_start3A_732 = tpu.memref_slice %arg4[%add3A_725, %dma_start3A_731] : memref<65536x256xf32, #tpu.memory_space<hbm>> -> memref<64x256xf32, #tpu.memory_space<hbm>>
    tpu.enqueue_dma source(%arg7 : memref<64x256xf32, #tpu.memory_space<vmem>>) target(%dma_start3A_732 : memref<64x256xf32, #tpu.memory_space<hbm>>) target_semaphore(%dma_start3A_730 : memref<!tpu.dma_semaphore, #tpu.memory_space<semaphore_mem>>)
    %dma_wait3A_733 = arith.constant 5 : i32
    %dma_wait3A_734 = arith.constant 0 : i32
    %dma_wait3A_735 = tpu.memref_slice %arg4[%add3A_629, %dma_wait3A_734] : memref<65536x256xf32, #tpu.memory_space<hbm>> -> memref<64x256xf32, #tpu.memory_space<hbm>>
    %dma_wait3A_736 = tpu.memref_slice %arg14[%dma_wait3A_733] : memref<7x!tpu.dma_semaphore, #tpu.memory_space<semaphore_mem>> -> memref<1x!tpu.dma_semaphore, #tpu.memory_space<semaphore_mem>>
    %dma_wait3A_737 = tpu.memref_squeeze %dma_wait3A_736 : memref<1x!tpu.dma_semaphore, #tpu.memory_space<semaphore_mem>> -> memref<!tpu.dma_semaphore, #tpu.memory_space<semaphore_mem>>
    %dma_wait3A_738 = arith.constant 0 : i32
    %dma_wait3A_739 = tpu.memref_slice %arg4[%add3A_629, %dma_wait3A_738] : memref<65536x256xf32, #tpu.memory_space<hbm>> -> memref<64x256xf32, #tpu.memory_space<hbm>>
    tpu.wait_dma2 semaphore(%dma_wait3A_737 : memref<!tpu.dma_semaphore, #tpu.memory_space<semaphore_mem>>) src(%arg11 : memref<64x256xf32, #tpu.memory_space<vmem>>) dst(%dma_wait3A_739 : memref<64x256xf32, #tpu.memory_space<hbm>>)
    %dma_start3A_740 = arith.constant 5 : i32
    %dma_start3A_741 = arith.constant 1664 : i32
    %dma_start3A_742 = tpu.memref_slice %arg5[%dma_start3A_741] : memref<2048xi32, #tpu.memory_space<vmem>> -> memref<64xi32, #tpu.memory_space<vmem>>
    %dma_start3A_743 = arith.constant 0 : i32
    %dma_start3A_744 = arith.constant 0 : i32
    %dma_start3A_745 = tpu.memref_slice %arg2[%dma_start3A_743, %dma_start3A_744] : memref<512x256xf32, #tpu.memory_space<hbm>> -> memref<512x256xf32, #tpu.memory_space<hbm>>
    %dma_start3A_746 = tpu.memref_slice %arg13[%dma_start3A_740] : memref<7x!tpu.dma_semaphore, #tpu.memory_space<semaphore_mem>> -> memref<1x!tpu.dma_semaphore, #tpu.memory_space<semaphore_mem>>
    %dma_start3A_747 = tpu.memref_squeeze %dma_start3A_746 : memref<1x!tpu.dma_semaphore, #tpu.memory_space<semaphore_mem>> -> memref<!tpu.dma_semaphore, #tpu.memory_space<semaphore_mem>>
    tpu.enqueue_indirect_dma source(%dma_start3A_745 : memref<512x256xf32, #tpu.memory_space<hbm>>) target(%arg11 : memref<64x256xf32, #tpu.memory_space<vmem>>) offsets(%dma_start3A_742 : memref<64xi32, #tpu.memory_space<vmem>>) semaphore(%dma_start3A_747 : memref<!tpu.dma_semaphore, #tpu.memory_space<semaphore_mem>>)
    %dma_wait3A_748 = arith.constant 2 : i32
    %dma_wait3A_749 = arith.constant 1472 : i32
    %dma_wait3A_750 = tpu.memref_slice %arg5[%dma_wait3A_749] : memref<2048xi32, #tpu.memory_space<vmem>> -> memref<64xi32, #tpu.memory_space<vmem>>
    %dma_wait3A_751 = arith.constant 0 : i32
    %dma_wait3A_752 = arith.constant 0 : i32
    %dma_wait3A_753 = tpu.memref_slice %arg2[%dma_wait3A_751, %dma_wait3A_752] : memref<512x256xf32, #tpu.memory_space<hbm>> -> memref<512x256xf32, #tpu.memory_space<hbm>>
    %dma_wait3A_754 = tpu.memref_slice %arg13[%dma_wait3A_748] : memref<7x!tpu.dma_semaphore, #tpu.memory_space<semaphore_mem>> -> memref<1x!tpu.dma_semaphore, #tpu.memory_space<semaphore_mem>>
    %dma_wait3A_755 = tpu.memref_squeeze %dma_wait3A_754 : memref<1x!tpu.dma_semaphore, #tpu.memory_space<semaphore_mem>> -> memref<!tpu.dma_semaphore, #tpu.memory_space<semaphore_mem>>
    tpu.wait_indirect_dma semaphore(%dma_wait3A_755 : memref<!tpu.dma_semaphore, #tpu.memory_space<semaphore_mem>>) src(%dma_wait3A_753 : memref<512x256xf32, #tpu.memory_space<hbm>>) dst(%arg8 : memref<64x256xf32, #tpu.memory_space<vmem>>)
    %add3A_756 = arith.constant 1472 : i32
    %add3A_757 = arith.addi %mul3A_2, %add3A_756 : i32
    %dma_start3A_758 = arith.constant 2 : i32
    %dma_start3A_759 = arith.constant 0 : i32
    %dma_start3A_760 = tpu.memref_slice %arg4[%add3A_757, %dma_start3A_759] : memref<65536x256xf32, #tpu.memory_space<hbm>> -> memref<64x256xf32, #tpu.memory_space<hbm>>
    %dma_start3A_761 = tpu.memref_slice %arg14[%dma_start3A_758] : memref<7x!tpu.dma_semaphore, #tpu.memory_space<semaphore_mem>> -> memref<1x!tpu.dma_semaphore, #tpu.memory_space<semaphore_mem>>
    %dma_start3A_762 = tpu.memref_squeeze %dma_start3A_761 : memref<1x!tpu.dma_semaphore, #tpu.memory_space<semaphore_mem>> -> memref<!tpu.dma_semaphore, #tpu.memory_space<semaphore_mem>>
    %dma_start3A_763 = arith.constant 0 : i32
    %dma_start3A_764 = tpu.memref_slice %arg4[%add3A_757, %dma_start3A_763] : memref<65536x256xf32, #tpu.memory_space<hbm>> -> memref<64x256xf32, #tpu.memory_space<hbm>>
    tpu.enqueue_dma source(%arg8 : memref<64x256xf32, #tpu.memory_space<vmem>>) target(%dma_start3A_764 : memref<64x256xf32, #tpu.memory_space<hbm>>) target_semaphore(%dma_start3A_762 : memref<!tpu.dma_semaphore, #tpu.memory_space<semaphore_mem>>)
    %dma_wait3A_765 = arith.constant 6 : i32
    %dma_wait3A_766 = arith.constant 0 : i32
    %dma_wait3A_767 = tpu.memref_slice %arg4[%add3A_661, %dma_wait3A_766] : memref<65536x256xf32, #tpu.memory_space<hbm>> -> memref<64x256xf32, #tpu.memory_space<hbm>>
    %dma_wait3A_768 = tpu.memref_slice %arg14[%dma_wait3A_765] : memref<7x!tpu.dma_semaphore, #tpu.memory_space<semaphore_mem>> -> memref<1x!tpu.dma_semaphore, #tpu.memory_space<semaphore_mem>>
    %dma_wait3A_769 = tpu.memref_squeeze %dma_wait3A_768 : memref<1x!tpu.dma_semaphore, #tpu.memory_space<semaphore_mem>> -> memref<!tpu.dma_semaphore, #tpu.memory_space<semaphore_mem>>
    %dma_wait3A_770 = arith.constant 0 : i32
    %dma_wait3A_771 = tpu.memref_slice %arg4[%add3A_661, %dma_wait3A_770] : memref<65536x256xf32, #tpu.memory_space<hbm>> -> memref<64x256xf32, #tpu.memory_space<hbm>>
    tpu.wait_dma2 semaphore(%dma_wait3A_769 : memref<!tpu.dma_semaphore, #tpu.memory_space<semaphore_mem>>) src(%arg12 : memref<64x256xf32, #tpu.memory_space<vmem>>) dst(%dma_wait3A_771 : memref<64x256xf32, #tpu.memory_space<hbm>>)
    %dma_start3A_772 = arith.constant 6 : i32
    %dma_start3A_773 = arith.constant 1728 : i32
    %dma_start3A_774 = tpu.memref_slice %arg5[%dma_start3A_773] : memref<2048xi32, #tpu.memory_space<vmem>> -> memref<64xi32, #tpu.memory_space<vmem>>
    %dma_start3A_775 = arith.constant 0 : i32
    %dma_start3A_776 = arith.constant 0 : i32
    %dma_start3A_777 = tpu.memref_slice %arg2[%dma_start3A_775, %dma_start3A_776] : memref<512x256xf32, #tpu.memory_space<hbm>> -> memref<512x256xf32, #tpu.memory_space<hbm>>
    %dma_start3A_778 = tpu.memref_slice %arg13[%dma_start3A_772] : memref<7x!tpu.dma_semaphore, #tpu.memory_space<semaphore_mem>> -> memref<1x!tpu.dma_semaphore, #tpu.memory_space<semaphore_mem>>
    %dma_start3A_779 = tpu.memref_squeeze %dma_start3A_778 : memref<1x!tpu.dma_semaphore, #tpu.memory_space<semaphore_mem>> -> memref<!tpu.dma_semaphore, #tpu.memory_space<semaphore_mem>>
    tpu.enqueue_indirect_dma source(%dma_start3A_777 : memref<512x256xf32, #tpu.memory_space<hbm>>) target(%arg12 : memref<64x256xf32, #tpu.memory_space<vmem>>) offsets(%dma_start3A_774 : memref<64xi32, #tpu.memory_space<vmem>>) semaphore(%dma_start3A_779 : memref<!tpu.dma_semaphore, #tpu.memory_space<semaphore_mem>>)
    %dma_wait3A_780 = arith.constant 3 : i32
    %dma_wait3A_781 = arith.constant 1536 : i32
    %dma_wait3A_782 = tpu.memref_slice %arg5[%dma_wait3A_781] : memref<2048xi32, #tpu.memory_space<vmem>> -> memref<64xi32, #tpu.memory_space<vmem>>
    %dma_wait3A_783 = arith.constant 0 : i32
    %dma_wait3A_784 = arith.constant 0 : i32
    %dma_wait3A_785 = tpu.memref_slice %arg2[%dma_wait3A_783, %dma_wait3A_784] : memref<512x256xf32, #tpu.memory_space<hbm>> -> memref<512x256xf32, #tpu.memory_space<hbm>>
    %dma_wait3A_786 = tpu.memref_slice %arg13[%dma_wait3A_780] : memref<7x!tpu.dma_semaphore, #tpu.memory_space<semaphore_mem>> -> memref<1x!tpu.dma_semaphore, #tpu.memory_space<semaphore_mem>>
    %dma_wait3A_787 = tpu.memref_squeeze %dma_wait3A_786 : memref<1x!tpu.dma_semaphore, #tpu.memory_space<semaphore_mem>> -> memref<!tpu.dma_semaphore, #tpu.memory_space<semaphore_mem>>
    tpu.wait_indirect_dma semaphore(%dma_wait3A_787 : memref<!tpu.dma_semaphore, #tpu.memory_space<semaphore_mem>>) src(%dma_wait3A_785 : memref<512x256xf32, #tpu.memory_space<hbm>>) dst(%arg9 : memref<64x256xf32, #tpu.memory_space<vmem>>)
    %add3A_788 = arith.constant 1536 : i32
    %add3A_789 = arith.addi %mul3A_2, %add3A_788 : i32
    %dma_start3A_790 = arith.constant 3 : i32
    %dma_start3A_791 = arith.constant 0 : i32
    %dma_start3A_792 = tpu.memref_slice %arg4[%add3A_789, %dma_start3A_791] : memref<65536x256xf32, #tpu.memory_space<hbm>> -> memref<64x256xf32, #tpu.memory_space<hbm>>
    %dma_start3A_793 = tpu.memref_slice %arg14[%dma_start3A_790] : memref<7x!tpu.dma_semaphore, #tpu.memory_space<semaphore_mem>> -> memref<1x!tpu.dma_semaphore, #tpu.memory_space<semaphore_mem>>
    %dma_start3A_794 = tpu.memref_squeeze %dma_start3A_793 : memref<1x!tpu.dma_semaphore, #tpu.memory_space<semaphore_mem>> -> memref<!tpu.dma_semaphore, #tpu.memory_space<semaphore_mem>>
    %dma_start3A_795 = arith.constant 0 : i32
    %dma_start3A_796 = tpu.memref_slice %arg4[%add3A_789, %dma_start3A_795] : memref<65536x256xf32, #tpu.memory_space<hbm>> -> memref<64x256xf32, #tpu.memory_space<hbm>>
    tpu.enqueue_dma source(%arg9 : memref<64x256xf32, #tpu.memory_space<vmem>>) target(%dma_start3A_796 : memref<64x256xf32, #tpu.memory_space<hbm>>) target_semaphore(%dma_start3A_794 : memref<!tpu.dma_semaphore, #tpu.memory_space<semaphore_mem>>)
    %dma_wait3A_797 = arith.constant 0 : i32
    %dma_wait3A_798 = arith.constant 0 : i32
    %dma_wait3A_799 = tpu.memref_slice %arg4[%add3A_693, %dma_wait3A_798] : memref<65536x256xf32, #tpu.memory_space<hbm>> -> memref<64x256xf32, #tpu.memory_space<hbm>>
    %dma_wait3A_800 = tpu.memref_slice %arg14[%dma_wait3A_797] : memref<7x!tpu.dma_semaphore, #tpu.memory_space<semaphore_mem>> -> memref<1x!tpu.dma_semaphore, #tpu.memory_space<semaphore_mem>>
    %dma_wait3A_801 = tpu.memref_squeeze %dma_wait3A_800 : memref<1x!tpu.dma_semaphore, #tpu.memory_space<semaphore_mem>> -> memref<!tpu.dma_semaphore, #tpu.memory_space<semaphore_mem>>
    %dma_wait3A_802 = arith.constant 0 : i32
    %dma_wait3A_803 = tpu.memref_slice %arg4[%add3A_693, %dma_wait3A_802] : memref<65536x256xf32, #tpu.memory_space<hbm>> -> memref<64x256xf32, #tpu.memory_space<hbm>>
    tpu.wait_dma2 semaphore(%dma_wait3A_801 : memref<!tpu.dma_semaphore, #tpu.memory_space<semaphore_mem>>) src(%arg6 : memref<64x256xf32, #tpu.memory_space<vmem>>) dst(%dma_wait3A_803 : memref<64x256xf32, #tpu.memory_space<hbm>>)
    %dma_start3A_804 = arith.constant 0 : i32
    %dma_start3A_805 = arith.constant 1792 : i32
    %dma_start3A_806 = tpu.memref_slice %arg5[%dma_start3A_805] : memref<2048xi32, #tpu.memory_space<vmem>> -> memref<64xi32, #tpu.memory_space<vmem>>
    %dma_start3A_807 = arith.constant 0 : i32
    %dma_start3A_808 = arith.constant 0 : i32
    %dma_start3A_809 = tpu.memref_slice %arg2[%dma_start3A_807, %dma_start3A_808] : memref<512x256xf32, #tpu.memory_space<hbm>> -> memref<512x256xf32, #tpu.memory_space<hbm>>
    %dma_start3A_810 = tpu.memref_slice %arg13[%dma_start3A_804] : memref<7x!tpu.dma_semaphore, #tpu.memory_space<semaphore_mem>> -> memref<1x!tpu.dma_semaphore, #tpu.memory_space<semaphore_mem>>
    %dma_start3A_811 = tpu.memref_squeeze %dma_start3A_810 : memref<1x!tpu.dma_semaphore, #tpu.memory_space<semaphore_mem>> -> memref<!tpu.dma_semaphore, #tpu.memory_space<semaphore_mem>>
    tpu.enqueue_indirect_dma source(%dma_start3A_809 : memref<512x256xf32, #tpu.memory_space<hbm>>) target(%arg6 : memref<64x256xf32, #tpu.memory_space<vmem>>) offsets(%dma_start3A_806 : memref<64xi32, #tpu.memory_space<vmem>>) semaphore(%dma_start3A_811 : memref<!tpu.dma_semaphore, #tpu.memory_space<semaphore_mem>>)
    %dma_wait3A_812 = arith.constant 4 : i32
    %dma_wait3A_813 = arith.constant 1600 : i32
    %dma_wait3A_814 = tpu.memref_slice %arg5[%dma_wait3A_813] : memref<2048xi32, #tpu.memory_space<vmem>> -> memref<64xi32, #tpu.memory_space<vmem>>
    %dma_wait3A_815 = arith.constant 0 : i32
    %dma_wait3A_816 = arith.constant 0 : i32
    %dma_wait3A_817 = tpu.memref_slice %arg2[%dma_wait3A_815, %dma_wait3A_816] : memref<512x256xf32, #tpu.memory_space<hbm>> -> memref<512x256xf32, #tpu.memory_space<hbm>>
    %dma_wait3A_818 = tpu.memref_slice %arg13[%dma_wait3A_812] : memref<7x!tpu.dma_semaphore, #tpu.memory_space<semaphore_mem>> -> memref<1x!tpu.dma_semaphore, #tpu.memory_space<semaphore_mem>>
    %dma_wait3A_819 = tpu.memref_squeeze %dma_wait3A_818 : memref<1x!tpu.dma_semaphore, #tpu.memory_space<semaphore_mem>> -> memref<!tpu.dma_semaphore, #tpu.memory_space<semaphore_mem>>
    tpu.wait_indirect_dma semaphore(%dma_wait3A_819 : memref<!tpu.dma_semaphore, #tpu.memory_space<semaphore_mem>>) src(%dma_wait3A_817 : memref<512x256xf32, #tpu.memory_space<hbm>>) dst(%arg10 : memref<64x256xf32, #tpu.memory_space<vmem>>)
    %add3A_820 = arith.constant 1600 : i32
    %add3A_821 = arith.addi %mul3A_2, %add3A_820 : i32
    %dma_start3A_822 = arith.constant 4 : i32
    %dma_start3A_823 = arith.constant 0 : i32
    %dma_start3A_824 = tpu.memref_slice %arg4[%add3A_821, %dma_start3A_823] : memref<65536x256xf32, #tpu.memory_space<hbm>> -> memref<64x256xf32, #tpu.memory_space<hbm>>
    %dma_start3A_825 = tpu.memref_slice %arg14[%dma_start3A_822] : memref<7x!tpu.dma_semaphore, #tpu.memory_space<semaphore_mem>> -> memref<1x!tpu.dma_semaphore, #tpu.memory_space<semaphore_mem>>
    %dma_start3A_826 = tpu.memref_squeeze %dma_start3A_825 : memref<1x!tpu.dma_semaphore, #tpu.memory_space<semaphore_mem>> -> memref<!tpu.dma_semaphore, #tpu.memory_space<semaphore_mem>>
    %dma_start3A_827 = arith.constant 0 : i32
    %dma_start3A_828 = tpu.memref_slice %arg4[%add3A_821, %dma_start3A_827] : memref<65536x256xf32, #tpu.memory_space<hbm>> -> memref<64x256xf32, #tpu.memory_space<hbm>>
    tpu.enqueue_dma source(%arg10 : memref<64x256xf32, #tpu.memory_space<vmem>>) target(%dma_start3A_828 : memref<64x256xf32, #tpu.memory_space<hbm>>) target_semaphore(%dma_start3A_826 : memref<!tpu.dma_semaphore, #tpu.memory_space<semaphore_mem>>)
    %dma_wait3A_829 = arith.constant 1 : i32
    %dma_wait3A_830 = arith.constant 0 : i32
    %dma_wait3A_831 = tpu.memref_slice %arg4[%add3A_725, %dma_wait3A_830] : memref<65536x256xf32, #tpu.memory_space<hbm>> -> memref<64x256xf32, #tpu.memory_space<hbm>>
    %dma_wait3A_832 = tpu.memref_slice %arg14[%dma_wait3A_829] : memref<7x!tpu.dma_semaphore, #tpu.memory_space<semaphore_mem>> -> memref<1x!tpu.dma_semaphore, #tpu.memory_space<semaphore_mem>>
    %dma_wait3A_833 = tpu.memref_squeeze %dma_wait3A_832 : memref<1x!tpu.dma_semaphore, #tpu.memory_space<semaphore_mem>> -> memref<!tpu.dma_semaphore, #tpu.memory_space<semaphore_mem>>
    %dma_wait3A_834 = arith.constant 0 : i32
    %dma_wait3A_835 = tpu.memref_slice %arg4[%add3A_725, %dma_wait3A_834] : memref<65536x256xf32, #tpu.memory_space<hbm>> -> memref<64x256xf32, #tpu.memory_space<hbm>>
    tpu.wait_dma2 semaphore(%dma_wait3A_833 : memref<!tpu.dma_semaphore, #tpu.memory_space<semaphore_mem>>) src(%arg7 : memref<64x256xf32, #tpu.memory_space<vmem>>) dst(%dma_wait3A_835 : memref<64x256xf32, #tpu.memory_space<hbm>>)
    %dma_start3A_836 = arith.constant 1 : i32
    %dma_start3A_837 = arith.constant 1856 : i32
    %dma_start3A_838 = tpu.memref_slice %arg5[%dma_start3A_837] : memref<2048xi32, #tpu.memory_space<vmem>> -> memref<64xi32, #tpu.memory_space<vmem>>
    %dma_start3A_839 = arith.constant 0 : i32
    %dma_start3A_840 = arith.constant 0 : i32
    %dma_start3A_841 = tpu.memref_slice %arg2[%dma_start3A_839, %dma_start3A_840] : memref<512x256xf32, #tpu.memory_space<hbm>> -> memref<512x256xf32, #tpu.memory_space<hbm>>
    %dma_start3A_842 = tpu.memref_slice %arg13[%dma_start3A_836] : memref<7x!tpu.dma_semaphore, #tpu.memory_space<semaphore_mem>> -> memref<1x!tpu.dma_semaphore, #tpu.memory_space<semaphore_mem>>
    %dma_start3A_843 = tpu.memref_squeeze %dma_start3A_842 : memref<1x!tpu.dma_semaphore, #tpu.memory_space<semaphore_mem>> -> memref<!tpu.dma_semaphore, #tpu.memory_space<semaphore_mem>>
    tpu.enqueue_indirect_dma source(%dma_start3A_841 : memref<512x256xf32, #tpu.memory_space<hbm>>) target(%arg7 : memref<64x256xf32, #tpu.memory_space<vmem>>) offsets(%dma_start3A_838 : memref<64xi32, #tpu.memory_space<vmem>>) semaphore(%dma_start3A_843 : memref<!tpu.dma_semaphore, #tpu.memory_space<semaphore_mem>>)
    %dma_wait3A_844 = arith.constant 5 : i32
    %dma_wait3A_845 = arith.constant 1664 : i32
    %dma_wait3A_846 = tpu.memref_slice %arg5[%dma_wait3A_845] : memref<2048xi32, #tpu.memory_space<vmem>> -> memref<64xi32, #tpu.memory_space<vmem>>
    %dma_wait3A_847 = arith.constant 0 : i32
    %dma_wait3A_848 = arith.constant 0 : i32
    %dma_wait3A_849 = tpu.memref_slice %arg2[%dma_wait3A_847, %dma_wait3A_848] : memref<512x256xf32, #tpu.memory_space<hbm>> -> memref<512x256xf32, #tpu.memory_space<hbm>>
    %dma_wait3A_850 = tpu.memref_slice %arg13[%dma_wait3A_844] : memref<7x!tpu.dma_semaphore, #tpu.memory_space<semaphore_mem>> -> memref<1x!tpu.dma_semaphore, #tpu.memory_space<semaphore_mem>>
    %dma_wait3A_851 = tpu.memref_squeeze %dma_wait3A_850 : memref<1x!tpu.dma_semaphore, #tpu.memory_space<semaphore_mem>> -> memref<!tpu.dma_semaphore, #tpu.memory_space<semaphore_mem>>
    tpu.wait_indirect_dma semaphore(%dma_wait3A_851 : memref<!tpu.dma_semaphore, #tpu.memory_space<semaphore_mem>>) src(%dma_wait3A_849 : memref<512x256xf32, #tpu.memory_space<hbm>>) dst(%arg11 : memref<64x256xf32, #tpu.memory_space<vmem>>)
    %add3A_852 = arith.constant 1664 : i32
    %add3A_853 = arith.addi %mul3A_2, %add3A_852 : i32
    %dma_start3A_854 = arith.constant 5 : i32
    %dma_start3A_855 = arith.constant 0 : i32
    %dma_start3A_856 = tpu.memref_slice %arg4[%add3A_853, %dma_start3A_855] : memref<65536x256xf32, #tpu.memory_space<hbm>> -> memref<64x256xf32, #tpu.memory_space<hbm>>
    %dma_start3A_857 = tpu.memref_slice %arg14[%dma_start3A_854] : memref<7x!tpu.dma_semaphore, #tpu.memory_space<semaphore_mem>> -> memref<1x!tpu.dma_semaphore, #tpu.memory_space<semaphore_mem>>
    %dma_start3A_858 = tpu.memref_squeeze %dma_start3A_857 : memref<1x!tpu.dma_semaphore, #tpu.memory_space<semaphore_mem>> -> memref<!tpu.dma_semaphore, #tpu.memory_space<semaphore_mem>>
    %dma_start3A_859 = arith.constant 0 : i32
    %dma_start3A_860 = tpu.memref_slice %arg4[%add3A_853, %dma_start3A_859] : memref<65536x256xf32, #tpu.memory_space<hbm>> -> memref<64x256xf32, #tpu.memory_space<hbm>>
    tpu.enqueue_dma source(%arg11 : memref<64x256xf32, #tpu.memory_space<vmem>>) target(%dma_start3A_860 : memref<64x256xf32, #tpu.memory_space<hbm>>) target_semaphore(%dma_start3A_858 : memref<!tpu.dma_semaphore, #tpu.memory_space<semaphore_mem>>)
    %dma_wait3A_861 = arith.constant 2 : i32
    %dma_wait3A_862 = arith.constant 0 : i32
    %dma_wait3A_863 = tpu.memref_slice %arg4[%add3A_757, %dma_wait3A_862] : memref<65536x256xf32, #tpu.memory_space<hbm>> -> memref<64x256xf32, #tpu.memory_space<hbm>>
    %dma_wait3A_864 = tpu.memref_slice %arg14[%dma_wait3A_861] : memref<7x!tpu.dma_semaphore, #tpu.memory_space<semaphore_mem>> -> memref<1x!tpu.dma_semaphore, #tpu.memory_space<semaphore_mem>>
    %dma_wait3A_865 = tpu.memref_squeeze %dma_wait3A_864 : memref<1x!tpu.dma_semaphore, #tpu.memory_space<semaphore_mem>> -> memref<!tpu.dma_semaphore, #tpu.memory_space<semaphore_mem>>
    %dma_wait3A_866 = arith.constant 0 : i32
    %dma_wait3A_867 = tpu.memref_slice %arg4[%add3A_757, %dma_wait3A_866] : memref<65536x256xf32, #tpu.memory_space<hbm>> -> memref<64x256xf32, #tpu.memory_space<hbm>>
    tpu.wait_dma2 semaphore(%dma_wait3A_865 : memref<!tpu.dma_semaphore, #tpu.memory_space<semaphore_mem>>) src(%arg8 : memref<64x256xf32, #tpu.memory_space<vmem>>) dst(%dma_wait3A_867 : memref<64x256xf32, #tpu.memory_space<hbm>>)
    %dma_start3A_868 = arith.constant 2 : i32
    %dma_start3A_869 = arith.constant 1920 : i32
    %dma_start3A_870 = tpu.memref_slice %arg5[%dma_start3A_869] : memref<2048xi32, #tpu.memory_space<vmem>> -> memref<64xi32, #tpu.memory_space<vmem>>
    %dma_start3A_871 = arith.constant 0 : i32
    %dma_start3A_872 = arith.constant 0 : i32
    %dma_start3A_873 = tpu.memref_slice %arg2[%dma_start3A_871, %dma_start3A_872] : memref<512x256xf32, #tpu.memory_space<hbm>> -> memref<512x256xf32, #tpu.memory_space<hbm>>
    %dma_start3A_874 = tpu.memref_slice %arg13[%dma_start3A_868] : memref<7x!tpu.dma_semaphore, #tpu.memory_space<semaphore_mem>> -> memref<1x!tpu.dma_semaphore, #tpu.memory_space<semaphore_mem>>
    %dma_start3A_875 = tpu.memref_squeeze %dma_start3A_874 : memref<1x!tpu.dma_semaphore, #tpu.memory_space<semaphore_mem>> -> memref<!tpu.dma_semaphore, #tpu.memory_space<semaphore_mem>>
    tpu.enqueue_indirect_dma source(%dma_start3A_873 : memref<512x256xf32, #tpu.memory_space<hbm>>) target(%arg8 : memref<64x256xf32, #tpu.memory_space<vmem>>) offsets(%dma_start3A_870 : memref<64xi32, #tpu.memory_space<vmem>>) semaphore(%dma_start3A_875 : memref<!tpu.dma_semaphore, #tpu.memory_space<semaphore_mem>>)
    %dma_wait3A_876 = arith.constant 6 : i32
    %dma_wait3A_877 = arith.constant 1728 : i32
    %dma_wait3A_878 = tpu.memref_slice %arg5[%dma_wait3A_877] : memref<2048xi32, #tpu.memory_space<vmem>> -> memref<64xi32, #tpu.memory_space<vmem>>
    %dma_wait3A_879 = arith.constant 0 : i32
    %dma_wait3A_880 = arith.constant 0 : i32
    %dma_wait3A_881 = tpu.memref_slice %arg2[%dma_wait3A_879, %dma_wait3A_880] : memref<512x256xf32, #tpu.memory_space<hbm>> -> memref<512x256xf32, #tpu.memory_space<hbm>>
    %dma_wait3A_882 = tpu.memref_slice %arg13[%dma_wait3A_876] : memref<7x!tpu.dma_semaphore, #tpu.memory_space<semaphore_mem>> -> memref<1x!tpu.dma_semaphore, #tpu.memory_space<semaphore_mem>>
    %dma_wait3A_883 = tpu.memref_squeeze %dma_wait3A_882 : memref<1x!tpu.dma_semaphore, #tpu.memory_space<semaphore_mem>> -> memref<!tpu.dma_semaphore, #tpu.memory_space<semaphore_mem>>
    tpu.wait_indirect_dma semaphore(%dma_wait3A_883 : memref<!tpu.dma_semaphore, #tpu.memory_space<semaphore_mem>>) src(%dma_wait3A_881 : memref<512x256xf32, #tpu.memory_space<hbm>>) dst(%arg12 : memref<64x256xf32, #tpu.memory_space<vmem>>)
    %add3A_884 = arith.constant 1728 : i32
    %add3A_885 = arith.addi %mul3A_2, %add3A_884 : i32
    %dma_start3A_886 = arith.constant 6 : i32
    %dma_start3A_887 = arith.constant 0 : i32
    %dma_start3A_888 = tpu.memref_slice %arg4[%add3A_885, %dma_start3A_887] : memref<65536x256xf32, #tpu.memory_space<hbm>> -> memref<64x256xf32, #tpu.memory_space<hbm>>
    %dma_start3A_889 = tpu.memref_slice %arg14[%dma_start3A_886] : memref<7x!tpu.dma_semaphore, #tpu.memory_space<semaphore_mem>> -> memref<1x!tpu.dma_semaphore, #tpu.memory_space<semaphore_mem>>
    %dma_start3A_890 = tpu.memref_squeeze %dma_start3A_889 : memref<1x!tpu.dma_semaphore, #tpu.memory_space<semaphore_mem>> -> memref<!tpu.dma_semaphore, #tpu.memory_space<semaphore_mem>>
    %dma_start3A_891 = arith.constant 0 : i32
    %dma_start3A_892 = tpu.memref_slice %arg4[%add3A_885, %dma_start3A_891] : memref<65536x256xf32, #tpu.memory_space<hbm>> -> memref<64x256xf32, #tpu.memory_space<hbm>>
    tpu.enqueue_dma source(%arg12 : memref<64x256xf32, #tpu.memory_space<vmem>>) target(%dma_start3A_892 : memref<64x256xf32, #tpu.memory_space<hbm>>) target_semaphore(%dma_start3A_890 : memref<!tpu.dma_semaphore, #tpu.memory_space<semaphore_mem>>)
    %dma_wait3A_893 = arith.constant 3 : i32
    %dma_wait3A_894 = arith.constant 0 : i32
    %dma_wait3A_895 = tpu.memref_slice %arg4[%add3A_789, %dma_wait3A_894] : memref<65536x256xf32, #tpu.memory_space<hbm>> -> memref<64x256xf32, #tpu.memory_space<hbm>>
    %dma_wait3A_896 = tpu.memref_slice %arg14[%dma_wait3A_893] : memref<7x!tpu.dma_semaphore, #tpu.memory_space<semaphore_mem>> -> memref<1x!tpu.dma_semaphore, #tpu.memory_space<semaphore_mem>>
    %dma_wait3A_897 = tpu.memref_squeeze %dma_wait3A_896 : memref<1x!tpu.dma_semaphore, #tpu.memory_space<semaphore_mem>> -> memref<!tpu.dma_semaphore, #tpu.memory_space<semaphore_mem>>
    %dma_wait3A_898 = arith.constant 0 : i32
    %dma_wait3A_899 = tpu.memref_slice %arg4[%add3A_789, %dma_wait3A_898] : memref<65536x256xf32, #tpu.memory_space<hbm>> -> memref<64x256xf32, #tpu.memory_space<hbm>>
    tpu.wait_dma2 semaphore(%dma_wait3A_897 : memref<!tpu.dma_semaphore, #tpu.memory_space<semaphore_mem>>) src(%arg9 : memref<64x256xf32, #tpu.memory_space<vmem>>) dst(%dma_wait3A_899 : memref<64x256xf32, #tpu.memory_space<hbm>>)
    %dma_start3A_900 = arith.constant 3 : i32
    %dma_start3A_901 = arith.constant 1984 : i32
    %dma_start3A_902 = tpu.memref_slice %arg5[%dma_start3A_901] : memref<2048xi32, #tpu.memory_space<vmem>> -> memref<64xi32, #tpu.memory_space<vmem>>
    %dma_start3A_903 = arith.constant 0 : i32
    %dma_start3A_904 = arith.constant 0 : i32
    %dma_start3A_905 = tpu.memref_slice %arg2[%dma_start3A_903, %dma_start3A_904] : memref<512x256xf32, #tpu.memory_space<hbm>> -> memref<512x256xf32, #tpu.memory_space<hbm>>
    %dma_start3A_906 = tpu.memref_slice %arg13[%dma_start3A_900] : memref<7x!tpu.dma_semaphore, #tpu.memory_space<semaphore_mem>> -> memref<1x!tpu.dma_semaphore, #tpu.memory_space<semaphore_mem>>
    %dma_start3A_907 = tpu.memref_squeeze %dma_start3A_906 : memref<1x!tpu.dma_semaphore, #tpu.memory_space<semaphore_mem>> -> memref<!tpu.dma_semaphore, #tpu.memory_space<semaphore_mem>>
    tpu.enqueue_indirect_dma source(%dma_start3A_905 : memref<512x256xf32, #tpu.memory_space<hbm>>) target(%arg9 : memref<64x256xf32, #tpu.memory_space<vmem>>) offsets(%dma_start3A_902 : memref<64xi32, #tpu.memory_space<vmem>>) semaphore(%dma_start3A_907 : memref<!tpu.dma_semaphore, #tpu.memory_space<semaphore_mem>>)
    %dma_wait3A_908 = arith.constant 0 : i32
    %dma_wait3A_909 = arith.constant 1792 : i32
    %dma_wait3A_910 = tpu.memref_slice %arg5[%dma_wait3A_909] : memref<2048xi32, #tpu.memory_space<vmem>> -> memref<64xi32, #tpu.memory_space<vmem>>
    %dma_wait3A_911 = arith.constant 0 : i32
    %dma_wait3A_912 = arith.constant 0 : i32
    %dma_wait3A_913 = tpu.memref_slice %arg2[%dma_wait3A_911, %dma_wait3A_912] : memref<512x256xf32, #tpu.memory_space<hbm>> -> memref<512x256xf32, #tpu.memory_space<hbm>>
    %dma_wait3A_914 = tpu.memref_slice %arg13[%dma_wait3A_908] : memref<7x!tpu.dma_semaphore, #tpu.memory_space<semaphore_mem>> -> memref<1x!tpu.dma_semaphore, #tpu.memory_space<semaphore_mem>>
    %dma_wait3A_915 = tpu.memref_squeeze %dma_wait3A_914 : memref<1x!tpu.dma_semaphore, #tpu.memory_space<semaphore_mem>> -> memref<!tpu.dma_semaphore, #tpu.memory_space<semaphore_mem>>
    tpu.wait_indirect_dma semaphore(%dma_wait3A_915 : memref<!tpu.dma_semaphore, #tpu.memory_space<semaphore_mem>>) src(%dma_wait3A_913 : memref<512x256xf32, #tpu.memory_space<hbm>>) dst(%arg6 : memref<64x256xf32, #tpu.memory_space<vmem>>)
    %add3A_916 = arith.constant 1792 : i32
    %add3A_917 = arith.addi %mul3A_2, %add3A_916 : i32
    %dma_start3A_918 = arith.constant 0 : i32
    %dma_start3A_919 = arith.constant 0 : i32
    %dma_start3A_920 = tpu.memref_slice %arg4[%add3A_917, %dma_start3A_919] : memref<65536x256xf32, #tpu.memory_space<hbm>> -> memref<64x256xf32, #tpu.memory_space<hbm>>
    %dma_start3A_921 = tpu.memref_slice %arg14[%dma_start3A_918] : memref<7x!tpu.dma_semaphore, #tpu.memory_space<semaphore_mem>> -> memref<1x!tpu.dma_semaphore, #tpu.memory_space<semaphore_mem>>
    %dma_start3A_922 = tpu.memref_squeeze %dma_start3A_921 : memref<1x!tpu.dma_semaphore, #tpu.memory_space<semaphore_mem>> -> memref<!tpu.dma_semaphore, #tpu.memory_space<semaphore_mem>>
    %dma_start3A_923 = arith.constant 0 : i32
    %dma_start3A_924 = tpu.memref_slice %arg4[%add3A_917, %dma_start3A_923] : memref<65536x256xf32, #tpu.memory_space<hbm>> -> memref<64x256xf32, #tpu.memory_space<hbm>>
    tpu.enqueue_dma source(%arg6 : memref<64x256xf32, #tpu.memory_space<vmem>>) target(%dma_start3A_924 : memref<64x256xf32, #tpu.memory_space<hbm>>) target_semaphore(%dma_start3A_922 : memref<!tpu.dma_semaphore, #tpu.memory_space<semaphore_mem>>)
    %dma_wait3A_925 = arith.constant 1 : i32
    %dma_wait3A_926 = arith.constant 1856 : i32
    %dma_wait3A_927 = tpu.memref_slice %arg5[%dma_wait3A_926] : memref<2048xi32, #tpu.memory_space<vmem>> -> memref<64xi32, #tpu.memory_space<vmem>>
    %dma_wait3A_928 = arith.constant 0 : i32
    %dma_wait3A_929 = arith.constant 0 : i32
    %dma_wait3A_930 = tpu.memref_slice %arg2[%dma_wait3A_928, %dma_wait3A_929] : memref<512x256xf32, #tpu.memory_space<hbm>> -> memref<512x256xf32, #tpu.memory_space<hbm>>
    %dma_wait3A_931 = tpu.memref_slice %arg13[%dma_wait3A_925] : memref<7x!tpu.dma_semaphore, #tpu.memory_space<semaphore_mem>> -> memref<1x!tpu.dma_semaphore, #tpu.memory_space<semaphore_mem>>
    %dma_wait3A_932 = tpu.memref_squeeze %dma_wait3A_931 : memref<1x!tpu.dma_semaphore, #tpu.memory_space<semaphore_mem>> -> memref<!tpu.dma_semaphore, #tpu.memory_space<semaphore_mem>>
    tpu.wait_indirect_dma semaphore(%dma_wait3A_932 : memref<!tpu.dma_semaphore, #tpu.memory_space<semaphore_mem>>) src(%dma_wait3A_930 : memref<512x256xf32, #tpu.memory_space<hbm>>) dst(%arg7 : memref<64x256xf32, #tpu.memory_space<vmem>>)
    %add3A_933 = arith.constant 1856 : i32
    %add3A_934 = arith.addi %mul3A_2, %add3A_933 : i32
    %dma_start3A_935 = arith.constant 1 : i32
    %dma_start3A_936 = arith.constant 0 : i32
    %dma_start3A_937 = tpu.memref_slice %arg4[%add3A_934, %dma_start3A_936] : memref<65536x256xf32, #tpu.memory_space<hbm>> -> memref<64x256xf32, #tpu.memory_space<hbm>>
    %dma_start3A_938 = tpu.memref_slice %arg14[%dma_start3A_935] : memref<7x!tpu.dma_semaphore, #tpu.memory_space<semaphore_mem>> -> memref<1x!tpu.dma_semaphore, #tpu.memory_space<semaphore_mem>>
    %dma_start3A_939 = tpu.memref_squeeze %dma_start3A_938 : memref<1x!tpu.dma_semaphore, #tpu.memory_space<semaphore_mem>> -> memref<!tpu.dma_semaphore, #tpu.memory_space<semaphore_mem>>
    %dma_start3A_940 = arith.constant 0 : i32
    %dma_start3A_941 = tpu.memref_slice %arg4[%add3A_934, %dma_start3A_940] : memref<65536x256xf32, #tpu.memory_space<hbm>> -> memref<64x256xf32, #tpu.memory_space<hbm>>
    tpu.enqueue_dma source(%arg7 : memref<64x256xf32, #tpu.memory_space<vmem>>) target(%dma_start3A_941 : memref<64x256xf32, #tpu.memory_space<hbm>>) target_semaphore(%dma_start3A_939 : memref<!tpu.dma_semaphore, #tpu.memory_space<semaphore_mem>>)
    %dma_wait3A_942 = arith.constant 2 : i32
    %dma_wait3A_943 = arith.constant 1920 : i32
    %dma_wait3A_944 = tpu.memref_slice %arg5[%dma_wait3A_943] : memref<2048xi32, #tpu.memory_space<vmem>> -> memref<64xi32, #tpu.memory_space<vmem>>
    %dma_wait3A_945 = arith.constant 0 : i32
    %dma_wait3A_946 = arith.constant 0 : i32
    %dma_wait3A_947 = tpu.memref_slice %arg2[%dma_wait3A_945, %dma_wait3A_946] : memref<512x256xf32, #tpu.memory_space<hbm>> -> memref<512x256xf32, #tpu.memory_space<hbm>>
    %dma_wait3A_948 = tpu.memref_slice %arg13[%dma_wait3A_942] : memref<7x!tpu.dma_semaphore, #tpu.memory_space<semaphore_mem>> -> memref<1x!tpu.dma_semaphore, #tpu.memory_space<semaphore_mem>>
    %dma_wait3A_949 = tpu.memref_squeeze %dma_wait3A_948 : memref<1x!tpu.dma_semaphore, #tpu.memory_space<semaphore_mem>> -> memref<!tpu.dma_semaphore, #tpu.memory_space<semaphore_mem>>
    tpu.wait_indirect_dma semaphore(%dma_wait3A_949 : memref<!tpu.dma_semaphore, #tpu.memory_space<semaphore_mem>>) src(%dma_wait3A_947 : memref<512x256xf32, #tpu.memory_space<hbm>>) dst(%arg8 : memref<64x256xf32, #tpu.memory_space<vmem>>)
    %add3A_950 = arith.constant 1920 : i32
    %add3A_951 = arith.addi %mul3A_2, %add3A_950 : i32
    %dma_start3A_952 = arith.constant 2 : i32
    %dma_start3A_953 = arith.constant 0 : i32
    %dma_start3A_954 = tpu.memref_slice %arg4[%add3A_951, %dma_start3A_953] : memref<65536x256xf32, #tpu.memory_space<hbm>> -> memref<64x256xf32, #tpu.memory_space<hbm>>
    %dma_start3A_955 = tpu.memref_slice %arg14[%dma_start3A_952] : memref<7x!tpu.dma_semaphore, #tpu.memory_space<semaphore_mem>> -> memref<1x!tpu.dma_semaphore, #tpu.memory_space<semaphore_mem>>
    %dma_start3A_956 = tpu.memref_squeeze %dma_start3A_955 : memref<1x!tpu.dma_semaphore, #tpu.memory_space<semaphore_mem>> -> memref<!tpu.dma_semaphore, #tpu.memory_space<semaphore_mem>>
    %dma_start3A_957 = arith.constant 0 : i32
    %dma_start3A_958 = tpu.memref_slice %arg4[%add3A_951, %dma_start3A_957] : memref<65536x256xf32, #tpu.memory_space<hbm>> -> memref<64x256xf32, #tpu.memory_space<hbm>>
    tpu.enqueue_dma source(%arg8 : memref<64x256xf32, #tpu.memory_space<vmem>>) target(%dma_start3A_958 : memref<64x256xf32, #tpu.memory_space<hbm>>) target_semaphore(%dma_start3A_956 : memref<!tpu.dma_semaphore, #tpu.memory_space<semaphore_mem>>)
    %dma_wait3A_959 = arith.constant 3 : i32
    %dma_wait3A_960 = arith.constant 1984 : i32
    %dma_wait3A_961 = tpu.memref_slice %arg5[%dma_wait3A_960] : memref<2048xi32, #tpu.memory_space<vmem>> -> memref<64xi32, #tpu.memory_space<vmem>>
    %dma_wait3A_962 = arith.constant 0 : i32
    %dma_wait3A_963 = arith.constant 0 : i32
    %dma_wait3A_964 = tpu.memref_slice %arg2[%dma_wait3A_962, %dma_wait3A_963] : memref<512x256xf32, #tpu.memory_space<hbm>> -> memref<512x256xf32, #tpu.memory_space<hbm>>
    %dma_wait3A_965 = tpu.memref_slice %arg13[%dma_wait3A_959] : memref<7x!tpu.dma_semaphore, #tpu.memory_space<semaphore_mem>> -> memref<1x!tpu.dma_semaphore, #tpu.memory_space<semaphore_mem>>
    %dma_wait3A_966 = tpu.memref_squeeze %dma_wait3A_965 : memref<1x!tpu.dma_semaphore, #tpu.memory_space<semaphore_mem>> -> memref<!tpu.dma_semaphore, #tpu.memory_space<semaphore_mem>>
    tpu.wait_indirect_dma semaphore(%dma_wait3A_966 : memref<!tpu.dma_semaphore, #tpu.memory_space<semaphore_mem>>) src(%dma_wait3A_964 : memref<512x256xf32, #tpu.memory_space<hbm>>) dst(%arg9 : memref<64x256xf32, #tpu.memory_space<vmem>>)
    %add3A_967 = arith.constant 1984 : i32
    %add3A_968 = arith.addi %mul3A_2, %add3A_967 : i32
    %dma_start3A_969 = arith.constant 3 : i32
    %dma_start3A_970 = arith.constant 0 : i32
    %dma_start3A_971 = tpu.memref_slice %arg4[%add3A_968, %dma_start3A_970] : memref<65536x256xf32, #tpu.memory_space<hbm>> -> memref<64x256xf32, #tpu.memory_space<hbm>>
    %dma_start3A_972 = tpu.memref_slice %arg14[%dma_start3A_969] : memref<7x!tpu.dma_semaphore, #tpu.memory_space<semaphore_mem>> -> memref<1x!tpu.dma_semaphore, #tpu.memory_space<semaphore_mem>>
    %dma_start3A_973 = tpu.memref_squeeze %dma_start3A_972 : memref<1x!tpu.dma_semaphore, #tpu.memory_space<semaphore_mem>> -> memref<!tpu.dma_semaphore, #tpu.memory_space<semaphore_mem>>
    %dma_start3A_974 = arith.constant 0 : i32
    %dma_start3A_975 = tpu.memref_slice %arg4[%add3A_968, %dma_start3A_974] : memref<65536x256xf32, #tpu.memory_space<hbm>> -> memref<64x256xf32, #tpu.memory_space<hbm>>
    tpu.enqueue_dma source(%arg9 : memref<64x256xf32, #tpu.memory_space<vmem>>) target(%dma_start3A_975 : memref<64x256xf32, #tpu.memory_space<hbm>>) target_semaphore(%dma_start3A_973 : memref<!tpu.dma_semaphore, #tpu.memory_space<semaphore_mem>>)
    %dma_wait3A_976 = arith.constant 4 : i32
    %dma_wait3A_977 = arith.constant 0 : i32
    %dma_wait3A_978 = tpu.memref_slice %arg4[%add3A_821, %dma_wait3A_977] : memref<65536x256xf32, #tpu.memory_space<hbm>> -> memref<64x256xf32, #tpu.memory_space<hbm>>
    %dma_wait3A_979 = tpu.memref_slice %arg14[%dma_wait3A_976] : memref<7x!tpu.dma_semaphore, #tpu.memory_space<semaphore_mem>> -> memref<1x!tpu.dma_semaphore, #tpu.memory_space<semaphore_mem>>
    %dma_wait3A_980 = tpu.memref_squeeze %dma_wait3A_979 : memref<1x!tpu.dma_semaphore, #tpu.memory_space<semaphore_mem>> -> memref<!tpu.dma_semaphore, #tpu.memory_space<semaphore_mem>>
    %dma_wait3A_981 = arith.constant 0 : i32
    %dma_wait3A_982 = tpu.memref_slice %arg4[%add3A_821, %dma_wait3A_981] : memref<65536x256xf32, #tpu.memory_space<hbm>> -> memref<64x256xf32, #tpu.memory_space<hbm>>
    tpu.wait_dma2 semaphore(%dma_wait3A_980 : memref<!tpu.dma_semaphore, #tpu.memory_space<semaphore_mem>>) src(%arg10 : memref<64x256xf32, #tpu.memory_space<vmem>>) dst(%dma_wait3A_982 : memref<64x256xf32, #tpu.memory_space<hbm>>)
    %dma_wait3A_983 = arith.constant 5 : i32
    %dma_wait3A_984 = arith.constant 0 : i32
    %dma_wait3A_985 = tpu.memref_slice %arg4[%add3A_853, %dma_wait3A_984] : memref<65536x256xf32, #tpu.memory_space<hbm>> -> memref<64x256xf32, #tpu.memory_space<hbm>>
    %dma_wait3A_986 = tpu.memref_slice %arg14[%dma_wait3A_983] : memref<7x!tpu.dma_semaphore, #tpu.memory_space<semaphore_mem>> -> memref<1x!tpu.dma_semaphore, #tpu.memory_space<semaphore_mem>>
    %dma_wait3A_987 = tpu.memref_squeeze %dma_wait3A_986 : memref<1x!tpu.dma_semaphore, #tpu.memory_space<semaphore_mem>> -> memref<!tpu.dma_semaphore, #tpu.memory_space<semaphore_mem>>
    %dma_wait3A_988 = arith.constant 0 : i32
    %dma_wait3A_989 = tpu.memref_slice %arg4[%add3A_853, %dma_wait3A_988] : memref<65536x256xf32, #tpu.memory_space<hbm>> -> memref<64x256xf32, #tpu.memory_space<hbm>>
    tpu.wait_dma2 semaphore(%dma_wait3A_987 : memref<!tpu.dma_semaphore, #tpu.memory_space<semaphore_mem>>) src(%arg11 : memref<64x256xf32, #tpu.memory_space<vmem>>) dst(%dma_wait3A_989 : memref<64x256xf32, #tpu.memory_space<hbm>>)
    %dma_wait3A_990 = arith.constant 6 : i32
    %dma_wait3A_991 = arith.constant 0 : i32
    %dma_wait3A_992 = tpu.memref_slice %arg4[%add3A_885, %dma_wait3A_991] : memref<65536x256xf32, #tpu.memory_space<hbm>> -> memref<64x256xf32, #tpu.memory_space<hbm>>
    %dma_wait3A_993 = tpu.memref_slice %arg14[%dma_wait3A_990] : memref<7x!tpu.dma_semaphore, #tpu.memory_space<semaphore_mem>> -> memref<1x!tpu.dma_semaphore, #tpu.memory_space<semaphore_mem>>
    %dma_wait3A_994 = tpu.memref_squeeze %dma_wait3A_993 : memref<1x!tpu.dma_semaphore, #tpu.memory_space<semaphore_mem>> -> memref<!tpu.dma_semaphore, #tpu.memory_space<semaphore_mem>>
    %dma_wait3A_995 = arith.constant 0 : i32
    %dma_wait3A_996 = tpu.memref_slice %arg4[%add3A_885, %dma_wait3A_995] : memref<65536x256xf32, #tpu.memory_space<hbm>> -> memref<64x256xf32, #tpu.memory_space<hbm>>
    tpu.wait_dma2 semaphore(%dma_wait3A_994 : memref<!tpu.dma_semaphore, #tpu.memory_space<semaphore_mem>>) src(%arg12 : memref<64x256xf32, #tpu.memory_space<vmem>>) dst(%dma_wait3A_996 : memref<64x256xf32, #tpu.memory_space<hbm>>)
    %dma_wait3A_997 = arith.constant 0 : i32
    %dma_wait3A_998 = arith.constant 0 : i32
    %dma_wait3A_999 = tpu.memref_slice %arg4[%add3A_917, %dma_wait3A_998] : memref<65536x256xf32, #tpu.memory_space<hbm>> -> memref<64x256xf32, #tpu.memory_space<hbm>>
    %dma_wait3A_1000 = tpu.memref_slice %arg14[%dma_wait3A_997] : memref<7x!tpu.dma_semaphore, #tpu.memory_space<semaphore_mem>> -> memref<1x!tpu.dma_semaphore, #tpu.memory_space<semaphore_mem>>
    %dma_wait3A_1001 = tpu.memref_squeeze %dma_wait3A_1000 : memref<1x!tpu.dma_semaphore, #tpu.memory_space<semaphore_mem>> -> memref<!tpu.dma_semaphore, #tpu.memory_space<semaphore_mem>>
    %dma_wait3A_1002 = arith.constant 0 : i32
    %dma_wait3A_1003 = tpu.memref_slice %arg4[%add3A_917, %dma_wait3A_1002] : memref<65536x256xf32, #tpu.memory_space<hbm>> -> memref<64x256xf32, #tpu.memory_space<hbm>>
    tpu.wait_dma2 semaphore(%dma_wait3A_1001 : memref<!tpu.dma_semaphore, #tpu.memory_space<semaphore_mem>>) src(%arg6 : memref<64x256xf32, #tpu.memory_space<vmem>>) dst(%dma_wait3A_1003 : memref<64x256xf32, #tpu.memory_space<hbm>>)
    %dma_wait3A_1004 = arith.constant 1 : i32
    %dma_wait3A_1005 = arith.constant 0 : i32
    %dma_wait3A_1006 = tpu.memref_slice %arg4[%add3A_934, %dma_wait3A_1005] : memref<65536x256xf32, #tpu.memory_space<hbm>> -> memref<64x256xf32, #tpu.memory_space<hbm>>
    %dma_wait3A_1007 = tpu.memref_slice %arg14[%dma_wait3A_1004] : memref<7x!tpu.dma_semaphore, #tpu.memory_space<semaphore_mem>> -> memref<1x!tpu.dma_semaphore, #tpu.memory_space<semaphore_mem>>
    %dma_wait3A_1008 = tpu.memref_squeeze %dma_wait3A_1007 : memref<1x!tpu.dma_semaphore, #tpu.memory_space<semaphore_mem>> -> memref<!tpu.dma_semaphore, #tpu.memory_space<semaphore_mem>>
    %dma_wait3A_1009 = arith.constant 0 : i32
    %dma_wait3A_1010 = tpu.memref_slice %arg4[%add3A_934, %dma_wait3A_1009] : memref<65536x256xf32, #tpu.memory_space<hbm>> -> memref<64x256xf32, #tpu.memory_space<hbm>>
    tpu.wait_dma2 semaphore(%dma_wait3A_1008 : memref<!tpu.dma_semaphore, #tpu.memory_space<semaphore_mem>>) src(%arg7 : memref<64x256xf32, #tpu.memory_space<vmem>>) dst(%dma_wait3A_1010 : memref<64x256xf32, #tpu.memory_space<hbm>>)
    %dma_wait3A_1011 = arith.constant 2 : i32
    %dma_wait3A_1012 = arith.constant 0 : i32
    %dma_wait3A_1013 = tpu.memref_slice %arg4[%add3A_951, %dma_wait3A_1012] : memref<65536x256xf32, #tpu.memory_space<hbm>> -> memref<64x256xf32, #tpu.memory_space<hbm>>
    %dma_wait3A_1014 = tpu.memref_slice %arg14[%dma_wait3A_1011] : memref<7x!tpu.dma_semaphore, #tpu.memory_space<semaphore_mem>> -> memref<1x!tpu.dma_semaphore, #tpu.memory_space<semaphore_mem>>
    %dma_wait3A_1015 = tpu.memref_squeeze %dma_wait3A_1014 : memref<1x!tpu.dma_semaphore, #tpu.memory_space<semaphore_mem>> -> memref<!tpu.dma_semaphore, #tpu.memory_space<semaphore_mem>>
    %dma_wait3A_1016 = arith.constant 0 : i32
    %dma_wait3A_1017 = tpu.memref_slice %arg4[%add3A_951, %dma_wait3A_1016] : memref<65536x256xf32, #tpu.memory_space<hbm>> -> memref<64x256xf32, #tpu.memory_space<hbm>>
    tpu.wait_dma2 semaphore(%dma_wait3A_1015 : memref<!tpu.dma_semaphore, #tpu.memory_space<semaphore_mem>>) src(%arg8 : memref<64x256xf32, #tpu.memory_space<vmem>>) dst(%dma_wait3A_1017 : memref<64x256xf32, #tpu.memory_space<hbm>>)
    %dma_wait3A_1018 = arith.constant 3 : i32
    %dma_wait3A_1019 = arith.constant 0 : i32
    %dma_wait3A_1020 = tpu.memref_slice %arg4[%add3A_968, %dma_wait3A_1019] : memref<65536x256xf32, #tpu.memory_space<hbm>> -> memref<64x256xf32, #tpu.memory_space<hbm>>
    %dma_wait3A_1021 = tpu.memref_slice %arg14[%dma_wait3A_1018] : memref<7x!tpu.dma_semaphore, #tpu.memory_space<semaphore_mem>> -> memref<1x!tpu.dma_semaphore, #tpu.memory_space<semaphore_mem>>
    %dma_wait3A_1022 = tpu.memref_squeeze %dma_wait3A_1021 : memref<1x!tpu.dma_semaphore, #tpu.memory_space<semaphore_mem>> -> memref<!tpu.dma_semaphore, #tpu.memory_space<semaphore_mem>>
    %dma_wait3A_1023 = arith.constant 0 : i32
    %dma_wait3A_1024 = tpu.memref_slice %arg4[%add3A_968, %dma_wait3A_1023] : memref<65536x256xf32, #tpu.memory_space<hbm>> -> memref<64x256xf32, #tpu.memory_space<hbm>>
    tpu.wait_dma2 semaphore(%dma_wait3A_1022 : memref<!tpu.dma_semaphore, #tpu.memory_space<semaphore_mem>>) src(%arg9 : memref<64x256xf32, #tpu.memory_space<vmem>>) dst(%dma_wait3A_1024 : memref<64x256xf32, #tpu.memory_space<hbm>>)
    return
  }
}

module attributes {stable_mosaic.version = 14 : i64} {
  func.func @_vq_idx_body(%arg0: i32, %arg1: i32, %arg2: memref<1x256x4096xf32, #tpu.memory_space<vmem>>, %arg3: memref<512x256xf32, #tpu.memory_space<vmem>>, %arg4: memref<1x1x1x4096xi32, #tpu.memory_space<vmem>>, %arg5: memref<512x1xf32, #tpu.memory_space<vmem>>) attributes {dimension_semantics = [#tpu.dimension_semantics<arbitrary>, #tpu.dimension_semantics<arbitrary>], iteration_bounds = array<i64: 16, 1>, scalar_prefetch = 0 : i64, scratch_operands = 1 : i64, tpu.core_type = #tpu.core_type<tc>, window_params = [{transform_indices = @transform_0, window_bounds = array<i64: 1, 256, 4096>}, {pipeline_mode = #tpu.pipeline_mode<synchronous>, transform_indices = @transform_1, window_bounds = array<i64: 512, 256>}, {transform_indices = @transform_2, window_bounds = array<i64: 1, 1, 1, 4096>}]} {
    %eq3A = arith.constant 0 : i32
    %eq3A_0 = arith.cmpi eq, %arg0, %eq3A : i32
    %eq3A_1 = arith.constant 0 : i32
    %eq3A_2 = arith.cmpi eq, %arg1, %eq3A_1 : i32
    %and3A = arith.andi %eq3A_0, %eq3A_2 : i1
    %convert_element_type3A = arith.extui %and3A : i1 to i32
    %cond3A = arith.constant 0 : i32
    %cond3A_3 = arith.cmpi ne, %convert_element_type3A, %cond3A : i32
    scf.if %cond3A_3 {
      %get3A_22 = arith.constant 0 : index
      %get3A_23 = arith.constant 0 : index
      %get3A_24 = vector.load %arg3[%get3A_22, %get3A_23] : memref<512x256xf32, #tpu.memory_space<vmem>>, vector<512x256xf32>
      %mul3A = arith.mulf %get3A_24, %get3A_24 : vector<512x256xf32>
      %reduce_sum3A = arith.constant dense<0.000000e+00> : vector<512xf32>
      %reduce_sum3A_25 = vector.multi_reduction <add>, %mul3A, %reduce_sum3A [1] : vector<512x256xf32> to vector<512xf32>
      %broadcast_in_dim3A = vector.shape_cast %reduce_sum3A_25 : vector<512xf32> to vector<512x1xf32>
      %mul3A_26 = arith.constant 5.000000e-01 : f32
      %mul3A_27 = vector.broadcast %mul3A_26 : f32 to vector<512x1xf32>
      %mul3A_28 = arith.mulf %mul3A_27, %broadcast_in_dim3A : vector<512x1xf32>
      %swap3A_29 = arith.constant 0 : index
      %swap3A_30 = arith.constant 0 : index
      %swap3A_31 = vector.load %arg5[%swap3A_29, %swap3A_30] : memref<512x1xf32, #tpu.memory_space<vmem>>, vector<512x1xf32>
      tpu.vector_store %arg5[%swap3A_29, %swap3A_30], %mul3A_28 {strides = array<i32>} : memref<512x1xf32, #tpu.memory_space<vmem>>, vector<512x1xf32>,
    } else {
    }
    %get3A = arith.constant 0 : index
    %get3A_4 = arith.constant 0 : index
    %get3A_5 = arith.constant 0 : index
    %get3A_6 = vector.load %arg2[%get3A, %get3A_4, %get3A_5] : memref<1x256x4096xf32, #tpu.memory_space<vmem>>, vector<1x256x4096xf32>
    %get3A_7 = vector.shape_cast %get3A_6 : vector<1x256x4096xf32> to vector<256x4096xf32>
    %get3A_8 = arith.constant 0 : index
    %get3A_9 = arith.constant 0 : index
    %get3A_10 = vector.load %arg3[%get3A_8, %get3A_9] : memref<512x256xf32, #tpu.memory_space<vmem>>, vector<512x256xf32>
    %dot_general3A = arith.constant dense<0.000000e+00> : vector<512x4096xf32>
    %dot_general3A_11 = tpu.matmul %get3A_10, %get3A_7, %dot_general3A {dimension_numbers = #tpu.dot_dimension_numbers<[1], [0], [0], [1], [0, 0, 1, 1], [], []>, transpose_lhs_hint = false} : vector<512x256xf32>, vector<256x4096xf32>, vector<512x4096xf32> -> vector<512x4096xf32>
    %get3A_12 = arith.constant 0 : index
    %get3A_13 = arith.constant 0 : index
    %get3A_14 = vector.load %arg5[%get3A_12, %get3A_13] : memref<512x1xf32, #tpu.memory_space<vmem>>, vector<512x1xf32>
    %sub3A = vector.broadcast %get3A_14 : vector<512x1xf32> to vector<512x4096xf32>
    %sub3A_15 = arith.subf %dot_general3A_11, %sub3A : vector<512x4096xf32>
    %argmax3A = tpu.reduce_index %sub3A_15 {axis = 0 : i32, kind = #tpu.reduction_kind<arg_max>} : vector<512x4096xf32> -> vector<4096xi32>
    %swap3A = arith.constant 0 : index
    %swap3A_16 = arith.constant 0 : index
    %swap3A_17 = arith.constant 0 : index
    %swap3A_18 = arith.constant 0 : index
    %swap3A_19 = vector.load %arg4[%swap3A, %swap3A_16, %swap3A_17, %swap3A_18] : memref<1x1x1x4096xi32, #tpu.memory_space<vmem>>, vector<1x1x1x4096xi32>
    %swap3A_20 = vector.shape_cast %swap3A_19 : vector<1x1x1x4096xi32> to vector<4096xi32>
    %swap3A_21 = vector.shape_cast %argmax3A : vector<4096xi32> to vector<1x1x1x4096xi32>
    tpu.vector_store %arg4[%swap3A, %swap3A_16, %swap3A_17, %swap3A_18], %swap3A_21 {strides = array<i32>} : memref<1x1x1x4096xi32, #tpu.memory_space<vmem>>, vector<1x1x1x4096xi32>,
    return
  }
  func.func @transform_0(%arg0: i32, %arg1: i32) -> (i32, i32, i32) {
    %c0_i32 = arith.constant 0 : i32
    %c0_i32_0 = arith.constant 0 : i32
    return %arg0, %c0_i32, %arg1 : i32, i32, i32
  }
  func.func @transform_1(%arg0: i32, %arg1: i32) -> (i32, i32) {
    %c0_i32 = arith.constant 0 : i32
    %c0_i32_0 = arith.constant 0 : i32
    %c0_i32_1 = arith.constant 0 : i32
    return %c0_i32, %c0_i32_0 : i32, i32
  }
  func.func @transform_2(%arg0: i32, %arg1: i32) -> (i32, i32, i32, i32) {
    %c0_i32 = arith.constant 0 : i32
    %c0_i32_0 = arith.constant 0 : i32
    %c0_i32_1 = arith.constant 0 : i32
    return %arg0, %arg1, %c0_i32, %c0_i32_0 : i32, i32, i32, i32
  }
}

</mosaic_0001>

<sc_bundles>
// kernel: kernel.4.cloned.1.call-start
scs
__scs_entry_jumppad:
0x0: {  	(pc) =	sbr.rel $0x88, $3  }
0x1: {  	(tag) =	ssettag $0x0;
	lr =	simm.s32 $0x1  }
0x2: {  	[smem:$0x3F9F] =	sst lr;
	_ =	strace $0xD0000000  }
0x3: {  	_ = 	snop  }
0x4: {  	_ = 	snop  }
0x5: {  	_ = 	snop  }
0x6: {  	_ = 	snop  }
0x7: {  	_ = 	snop  }
__scs_overlays_trampoline_lowered:
0x8: {  	[smem:$0x3FAE] =	sst s0  }
0x9: {  	[smem:$0x3FAF] =	sst s1  }
0xa: {  	[smem:$0x3FB0] =	sst s2  }
0xb: {  	[smem:$0x3FB1] =	sst s3  }
0xc: {  	[smem:$0x3FB2] =	sst s4  }
0xd: {  	[smem:$0x3FB3] =	sst s5  }
0xe: {  	[smem:$0x3FB4] =	sst s6  }
0xf: {  	[smem:$0x3FB5] =	sst s7  }
0x10: {  	[smem:$0x3FB6] =	sst s8  }
0x11: {  	[smem:$0x3FB7] =	sst s9;
	s0 =	simm.s32 @!p0 $0x0  }
0x12: {  	s1 =	sld [smem:$0x3F9D];
	s0 =	simm.s32 @p0 $0x1  }
0x13: {  	[smem:$0x3FB8] =	sst s0;
	s0 =	simm.s32 @!p1 $0x0  }
0x14: {  	s2 =	sld [smem:$0x3F9C];
	s0 =	simm.s32 @p1 $0x1  }
0x15: {  	[smem:$0x3FB9] =	sst s0;
	s0 =	simm.s32 @!p2 $0x0  }
0x16: {  	s3 =	sld [smem:$0x3FDB];
	s0 =	simm.s32 @p2 $0x1  }
0x17: {  	s4 =	simm.s32 $0x1BF5;
	[smem:$0x3FBB] =	sst s0  }
0x18: {  	s0 =	sld [smem:$0x3F9E];
	_ =	swait.ge [sflag:s4], $0x0  }
0x19: {  	s7 =	sld [smem:$0x3F9F]  }
0x1a: {  	s8 =	sadd.s32 $0xFFFFE003, lr  }
0x1b: {  	s9 =	sadd.s32 $0xFFFFFEF7, lr;
	s5 =	simm.s32 $0xFFFFFFFF;
	p2 =	slt.u32 s8, $0xFFFFF086  }
0x1c: {  	p1 =	slt.u32 s9, $0xF7A;
	s5 =	simm.s32 @!p2 $0x0  }
0x1d: {  	s5 =	simm.s32 @p1 $0x1;
	p0 =	seq.s32 s7, s2  }
0x1e: {  	s7 =	smul.u32 @!p0 $0xF7A, s2;
	p2 =	seq.s32 @!p0 s5, $0x0  }
0x1f: {  	s9 =	smul.u32 $0xF7A, s1;
	s8 =	simm.s32 @!p0 $0x1BF5;
	p2 =	por !p2, p0  }
0x20: {  	[sflag:s8] =	ssyncset.s32 @!p0 $0xFFFFF086;
	s6 =	sadd.s32 @!p0 s3, s7;
	s7 =	simm.s32 @!p0 $0x108  }
0x21: {  	s3 =	sadd.s32 s3, s9;
	s6 =	sadd.s32 @!p0 $0x88, s6;
	s7 =	simm.s32 @p2 $0x1082  }
0x22: {  	[simem:s7], [sflag:s8] =	dma.local @!p0 [hbm:s6], $0xF7A  }
0x23: {  	s9 =	sor.u32 $0xD0000000, s2;
	s6 =	simm.s32 $0x108;
	_ =	swait.ge @!p0 [sflag:s8], $0x0  }
0x24: {  	s3 =	sadd.s32 $0x88, s3;
	s6 =	simm.s32 @!p1 $0x1082;
	[sflag:s4] =	ssyncset.s32 $0xFFFFF086  }
0x25: {  	[simem:s6], [sflag:s4] =	dma.local [hbm:s3], $0xF7A  }
0x26: {  	[smem:$0x3F9F] =	sst s1;
	(tag) =	ssettag s2;
	_ =	strace s9  }
0x27: {  	s1 =	sld [smem:$0x3FAF]  }
0x28: {  	s2 =	sld [smem:$0x3FB0]  }
0x29: {  	s4 =	sld [smem:$0x3FB2]  }
0x2a: {  	p0 =	seq.s32 s5, $0x0;
	s5 =	sld [smem:$0x3FB3]  }
0x2b: {  	s6 =	sld [smem:$0x3FB4]  }
0x2c: {  	s7 =	sld [smem:$0x3FB5]  }
0x2d: {  	s3 =	simm.s32 $0x108;
	s8 =	sld [smem:$0x3FB6]  }
0x2e: {  	s3 =	simm.s32 @!p0 $0x1082;
	s9 =	sld [smem:$0x3FB7]  }
0x2f: {  	lr =	sadd.s32 s0, s3;
	s0 =	sld [smem:$0x3FAE]  }
0x30: {  	s3 =	sld [smem:$0x3FB1]  }
0x31: {  	[smem:$0x3FBA] =	sst s10  }
0x32: {  	s10 =	sld [smem:$0x3FB8];
	_ =	sdelay $0x3  }
0x33: {  	p0 =	seq.s32 s10, $0x1;
	s10 =	sld [smem:$0x3FBA];
	_ =	sdelay $0x3  }
0x34: {  	[smem:$0x3FBA] =	sst s10  }
0x35: {  	s10 =	sld [smem:$0x3FB9];
	_ =	sdelay $0x3  }
0x36: {  	p1 =	seq.s32 s10, $0x1;
	s10 =	sld [smem:$0x3FBA];
	_ =	sdelay $0x3  }
0x37: {  	[smem:$0x3FBA] =	sst s10  }
0x38: {  	s10 =	sld [smem:$0x3FBB]  }
0x39: {  	_ = 	snop;
	(pc) =	sbr.ind lr, $3  }
0x3a: {  	_ = 	snop  }
0x3b: {  	_ = 	snop  }
0x3c: {  	p2 =	seq.s32 s10, $0x1;
	s10 =	sld [smem:$0x3FBA]  }
0x3d: {  	_ =	shalt  }
0x3e: {  	_ =	shalt  }
0x3f: {  	_ =	shalt  }
0x40: {  	_ =	shalt  }
0x41: {  	_ =	shalt  }
0x42: {  	_ =	shalt  }
0x43: {  	_ =	shalt  }
0x44: {  	_ =	shalt  }
0x45: {  	_ =	shalt  }
0x46: {  	_ =	shalt  }
0x47: {  	_ =	shalt  }
0x48: {  	_ =	shalt  }
0x49: {  	_ =	shalt  }
0x4a: {  	_ =	shalt  }
0x4b: {  	_ =	shalt  }
0x4c: {  	_ =	shalt  }
0x4d: {  	_ =	shalt  }
0x4e: {  	_ =	shalt  }
0x4f: {  	_ =	shalt  }
0x50: {  	_ =	shalt  }
0x51: {  	_ =	shalt  }
0x52: {  	_ =	shalt  }
0x53: {  	_ =	shalt  }
0x54: {  	_ =	shalt  }
0x55: {  	_ =	shalt  }
0x56: {  	_ =	shalt  }
0x57: {  	_ =	shalt  }
0x58: {  	_ =	shalt  }
0x59: {  	_ =	shalt  }
0x5a: {  	_ =	shalt  }
0x5b: {  	_ =	shalt  }
0x5c: {  	_ =	shalt  }
0x5d: {  	_ =	shalt  }
0x5e: {  	_ =	shalt  }
0x5f: {  	_ =	shalt  }
0x60: {  	_ =	shalt  }
0x61: {  	_ =	shalt  }
0x62: {  	_ =	shalt  }
0x63: {  	_ =	shalt  }
0x64: {  	_ =	shalt  }
0x65: {  	_ =	shalt  }
0x66: {  	_ =	shalt  }
0x67: {  	_ =	shalt  }
0x68: {  	_ =	shalt  }
0x69: {  	_ =	shalt  }
0x6a: {  	_ =	shalt  }
0x6b: {  	_ =	shalt  }
0x6c: {  	_ =	shalt  }
0x6d: {  	_ =	shalt  }
0x6e: {  	_ =	shalt  }
0x6f: {  	_ =	shalt  }
0x70: {  	_ =	shalt  }
0x71: {  	_ =	shalt  }
0x72: {  	_ =	shalt  }
0x73: {  	_ =	shalt  }
0x74: {  	_ =	shalt  }
0x75: {  	_ =	shalt  }
0x76: {  	_ =	shalt  }
0x77: {  	_ =	shalt  }
0x78: {  	_ =	shalt  }
0x79: {  	_ =	shalt  }
0x7a: {  	_ =	shalt  }
0x7b: {  	_ =	shalt  }
0x7c: {  	_ =	shalt  }
0x7d: {  	_ =	shalt  }
0x7e: {  	_ =	shalt  }
0x7f: {  	_ =	shalt  }
0x80: {  	_ =	shalt  }
0x81: {  	_ =	shalt  }
0x82: {  	_ =	shalt  }
0x83: {  	_ =	shalt  }
0x84: {  	_ =	shalt  }
0x85: {  	_ =	shalt  }
0x86: {  	_ =	shalt  }
0x87: {  	_ =	shalt  }
.Lfunc_end0:
.L_simem_size_0:
called_computation_lowered:
.L_overlay_start_0:
0x88: {  	s2 =	sld [smem:$0x3FD9]  }
0x89: {  	s3 =	sld [smem:$0x3FFE];
	_ =	sdelay $0x1  }
0x8a: {  	s1 =	srdreg.scid  }
0x8b: {  	s0 =	sand.u32 $0x1, s1  }
0x8c: {  	s14 =	sshll.u32 s0, $0xA;
	s2 =	sadd.s32 s3, s2  }
0x8d: {  	s2 =	sadd.s32 s2, s14  }
0x8e: {  	[smem:$0x3FC6] =	sst s2  }
0x8f: {  	_ = 	snop  }
0x90: {  	s2 =	sld [smem:$0x3FD0];
	_ =	sdelay $0x2  }
0x91: {  	s4 =	simm.s32 $0xA;
	s5 =	simm.s32 $0x10;
	s15 =	sld [smem:$0x3FC8]  }
0x92: {  	[smem:s5], [sflag:s4] =	dma.local [hbm:s2], $0x1  }
0x93: {  	_ =	swait.eq [sflag:s4], $0x1  }
0x94: {  	[sflag:s4] =	ssyncset.done $0x0  }
0x95: {  	[sflag:s4] =	ssyncadd.s32 $0xFFFFFFFF  }
0x96: {  	s16 =	sld [smem:$0x10];
	(tm) =	ssettm $0x1  }
0x97: {  	s17 =	sld [smem:$0x3FFB];
	_ =	sdelay $0x3  }
0x98: {  	_ =	strace s17  }
0x99: {  	s4 =	sld [smem:$0x3FFC];
	_ =	sdelay $0x3  }
0x9a: {  	_ =	strace s4  }
0x9b: {  	s4 =	sld [smem:$0x3FFD];
	_ =	sdelay $0x3  }
0x9c: {  	_ =	strace s4  }
0x9d: {  	_ =	strace $0x8FFFFFFF  }
0x9e: {  	s18 =	sld [smem:$0x3FDB];
	_ =	sdelay $0x1  }
0x9f: {  	s19 =	simm.s32 $_scs_section_size  }
0xa0: {  	s6 =	simm.s32 $_size__tile_overlayer_lowered;
	s7 =	simm.s32 $_tile_overlayer_lowered  }
0xa1: {  	s22 =	simm.s32 $0x1BFF;
	s21 =	sshll.u32 s7, $0x1;
	s4 =	sadd.s32 s19, s18  }
0xa2: {  	s8 =	simm.s32 $0x0;
	s20 =	sshll.u32 s6, $0x1;
	s6 =	sadd.s32 s21, s4  }
0xa3: {  	[timem:s8], [sflag:s22] =	dma.local [hbm:s6], s20  }
0xa4: {  	_ =	swait.ge [sflag:s22], s20  }
0xa5: {  	s5 =	ssub.s32 $0x0, s20;
	[sflag:s22] =	ssyncset.done $0x0  }
0xa6: {  	[sflag:s22] =	ssyncadd.s32 s5;
	_ =	sdelay $0x1  }
0xa7: {  	s23 =	simm.s32 $0x1B8B  }
0xa8: {  	_ =	swait.ge [sflag:s23], $0x1  }
0xa9: {  	[sflag:s23] =	ssyncset.done $0x0  }
0xaa: {  	s25 =	simm.s32 $0x1B8E;
	s24 =	sld [smem:$0x3FFE];
	[sflag:s23] =	ssyncadd.s32 $0xFFFFFFFF  }
0xab: {  	s26 =	simm.s32 $execute0_lowered;
	[smem:$0x3FD2] =	sst s25  }
0xac: {  	s6 =	sshll.u32 s26, $0x1;
	_ =	strace $0x80000046;
	[dreg:$0x1] =	wrdreg $0xFFFFFFFF  }
0xad: {  	s28 =	simm.s32 $_size_execute0_lowered;
	s4 =	sadd.s32 s4, s6;
	[dreg:$0x0] =	wrdreg $0x0  }
0xae: {  	s6 =	sshll.u32 s28, $0x1;
	[dreg:$0x2] =	wrdreg s4  }
0xaf: {  	[dreg:$0x3] =	wrdreg s6  }
0xb0: {  	[dreg:$0x4] =	wrdreg $0xC0  }
0xb1: {  	_ =	task [dreg:s8], $0x5FFFF  }
0xb2: {  	[dreg:$0x1] =	wrdreg $0xFFFFFFFF  }
0xb3: {  	[dreg:$0x0] =	wrdreg $0x60  }
0xb4: {  	[dreg:$0x2] =	wrdreg s15  }
0xb5: {  	[dreg:$0x3] =	wrdreg s24  }
0xb6: {  	[dreg:$0x4] =	wrdreg s16  }
0xb7: {  	[dreg:$0x5] =	wrdreg $0x9  }
0xb8: {  	_ =	task.clear_ibuf [dreg:s8], $0x6FFFF;
	_ =	strace $0x90000046  }
0xb9: {  	s29 =	simm.s32 $0x9;
	_ =	strace $0x80000048  }
0xba: {  	_ =	swait.ge [sflag:s29], $0x1  }
0xbb: {  	[sflag:s29] =	ssyncadd.s32 $0xFFFFFFFF  }
0xbc: {  	_ =	strace $0x90000048  }
0xbd: {  	_ =	sfence  }
0xbe: {  	s30 =	sld [smem:$0x0];
	_ =	sdelay $0x2  }
0xbf: {  	s31 =	sshll.u32 s1, $0xD;
	s1 =	sshrl.u32 s1, $0x2  }
0xc0: {  	s3 =	sand.u32 $0x4000, s31;
	s1 =	sadd.s32 s1, s30  }
0xc1: {  	s0 =	sor.u32 s3, s0;
	s1 =	sshll.u32 s1, $0x11  }
0xc2: {  	s0 =	sor.u32 s1, s0  }
0xc3: {  	s0 =	sadd.s32 $0x8F2B, s0  }
0xc4: {  	[sflag:s0] =	ssyncadd.remote.s32 $0x1  }
0xc5: {  	_ =	sfence.sel $0xFFFF  }
0xc6: {  	[dreg:$0x0] =	wrdreg $0xFFFFFFFF;
	(pc) =	sbr.abs _section_cstart, $3  }
0xc7: {  	[dreg:$0x1] =	wrdreg $0xFFFFFFFF  }
0xc8: {  	_ =	task.clear_ibuf [dreg:s8], $0x2FFFF;
	_ =	strace $0x9FFFFFFF  }
0xc9: {  	(tm) =	ssettm $0x7FFFFFFF  }
tec
execute0_lowered:
.L_overlay_start_1:
0x0: {  	(tag) =	ssettag $0x1  }
0x1: {  	s0 =	srdreg.scid  }
0x2: {  	s1 =	rddreg [dreg:$0x0];
	s3 =	stileid.u32;
	s0 =	sand.u32 $0x1, s0  }
0x3: {  	s2 =	rddreg [dreg:$0x1];
	s3 =	sshll.u32 s3, $0xC;
	s4 =	sshll.u32 s0, $0xB  }
0x4: {  	s5 =	rddreg [dreg:$0x2];
	s4 =	sor.u32 s4, s3  }
0x5: {  	s3 =	simm.s32 $0x0;
	s6 =	sshrl.u32 s4, $0x3;
	s4 =	sshll.u32 s4, $0x5  }
0x6: {  	[smem:$0x7FF] =	sst s3;
	s2 =	sadd.s32 s6, s2;
	s5 =	sadd.s32 s5, s4  }
0x7: {  	_ =	strace $0x80000047;
	s2 =	sadd.s32 $0xA00, s2;
	[smem:$0x7FC] =	sst s5  }
0x8: {  	s17 =	sadd.s32 $0x800, s5;
	[dreg:$0x4] =	wrdreg s2  }
0x9: {  	s18 =	sadd.s32 $0x1000, s5;
	[dreg:$0x5] =	wrdreg s17  }
0xa: {  	s19 =	sadd.s32 $0x1800, s5;
	[dreg:$0x6] =	wrdreg s18  }
0xb: {  	s20 =	sadd.s32 $0x2000, s5;
	[dreg:$0x7] =	wrdreg s19  }
0xc: {  	s21 =	sadd.s32 $0x2800, s5;
	[dreg:$0x8] =	wrdreg s20  }
0xd: {  	s22 =	sadd.s32 $0x3000, s5;
	[dreg:$0x9] =	wrdreg s21  }
0xe: {  	s23 =	sadd.s32 $0x3800, s5;
	[dreg:$0xa] =	wrdreg s22  }
0xf: {  	s24 =	sadd.s32 $0x4000, s5;
	[dreg:$0xb] =	wrdreg s23  }
0x10: {  	s25 =	sadd.s32 $0x4800, s5;
	[dreg:$0xc] =	wrdreg s24  }
0x11: {  	s26 =	sadd.s32 $0x5000, s5;
	[dreg:$0xd] =	wrdreg s25  }
0x12: {  	s4 =	sadd.s32 $0x5800, s5;
	[dreg:$0xe] =	wrdreg s26  }
0x13: {  	s6 =	sadd.s32 $0x6000, s5;
	[dreg:$0xf] =	wrdreg s4  }
0x14: {  	s7 =	sadd.s32 $0x6800, s5;
	[dreg:$0x10] =	wrdreg s6  }
0x15: {  	s8 =	sadd.s32 $0x7000, s5;
	[dreg:$0x11] =	wrdreg s7  }
0x16: {  	s9 =	sadd.s32 $0x7800, s5;
	[dreg:$0x12] =	wrdreg s8  }
0x17: {  	s10 =	sadd.s32 $0x8000, s5;
	[dreg:$0x13] =	wrdreg s9  }
0x18: {  	s11 =	sadd.s32 $0x8800, s5;
	[dreg:$0x14] =	wrdreg s10  }
0x19: {  	s28 =	simm.s32 $0xB;
	s12 =	sadd.s32 $0x9000, s5;
	[dreg:$0x15] =	wrdreg s11  }
0x1a: {  	s29 =	simm.s32 $0xC;
	s13 =	sadd.s32 $0x9800, s5;
	[dreg:$0x16] =	wrdreg s12  }
0x1b: {  	s30 =	simm.s32 $0xD;
	s14 =	sadd.s32 $0xA000, s5;
	[dreg:$0x17] =	wrdreg s13  }
0x1c: {  	s31 =	simm.s32 $0xE;
	s15 =	sadd.s32 $0xA800, s5;
	[dreg:$0x18] =	wrdreg s14  }
0x1d: {  	s0 =	ssub.s32 $0x2, s0;
	s16 =	sadd.s32 $0xB000, s5;
	[dreg:$0x19] =	wrdreg s15  }
0x1e: {  	[dreg:$0x1a] =	wrdreg s16;
	s17 =	sadd.s32 $0xB800, s5;
	s18 =	sadd.s32 $0xC000, s5  }
0x1f: {  	s19 =	sadd.s32 $0xC800, s5;
	s20 =	sadd.s32 $0xD000, s5;
	[dreg:$0x1b] =	wrdreg s17  }
0x20: {  	s21 =	sadd.s32 $0xD800, s5;
	s22 =	sadd.s32 $0xE000, s5;
	[dreg:$0x1c] =	wrdreg s18  }
0x21: {  	s23 =	sadd.s32 $0xE800, s5;
	s24 =	sadd.s32 $0xF000, s5;
	[dreg:$0x1d] =	wrdreg s19  }
0x22: {  	s25 =	sshrl.u32 s0, $0x1;
	s26 =	sadd.s32 $0xF800, s5;
	[dreg:$0x1e] =	wrdreg s20  }
0x23: {  	s4 =	simm.s32 $0x800;
	s15 =	simm.s32 $0x4800;
	[dreg:$0x1f] =	wrdreg s21  }
0x24: {  	s2 =	simm.s32 $0xC800;
	s12 =	simm.s32 $0x1;
	[smem:$0x7F9] =	sst s22  }
0x25: {  	s14 =	simm.s32 $0x2;
	s16 =	simm.s32 $0x10800;
	[smem:$0x7FA] =	sst s23  }
0x26: {  	s7 =	simm.s32 $0x18800;
	[smem:$0x7FB] =	sst s24;
	s0 =	ssub.s32 s0, s25  }
0x27: {  	[smem:$0x7FD] =	sst s26;
	s23 =	simm.s32 $0x8800;
	s17 =	simm.s32 $0x3  }
0x28: {  	v2 =	vlaneseq.u32;
	s19 =	simm.s32 $0x4;
	s20 =	simm.s32 $0x8;
	s21 =	simm.s32 $0x5  }
0x29: {  	vm0 =	vmmov $0xffff;
	v1 =	vshrl.u32 v2, $0x3;
	s22 =	simm.s32 $0x9;
	s24 =	simm.s32 $0x6;
	s25 =	simm.s32 $0xA  }
0x2a: {  	v0 =	vand.u32 $0x7, v2;
	v2 =	vor.u32 $0x8, v2;
	v1 =	vmul.u32 $0x8, v1;
	s26 =	simm.s32 $0x7;
	s18 =	simm.s32 $0x14800;
	s5 =	smax.u32 s0, $0x1  }
.LBB2_1:
0x2b: {  	s0 =	rddreg [dreg:$0x4];
	s10 =	simm.s32 $0xF  }
0x2c: {  	[tilespmem:s3], [sflag:$0xF] =	stream.linear.gather [hbm4b:s0+s3], $0x800, $0x38;
	[tilespmem:$0x1C800] =	vst v63  }
0x2d: {  	_ =	swait.ge [sflag:s10], $0x800  }
0x2e: {  	[sflag:s10] =	ssyncset.done $0x0  }
0x2f: {  	[sflag:s10] =	ssyncadd.s32 $0xFFFFF800  }
0x30: {  	v3 =	vld [tilespmem:$0x0];
	_ =	sdelay $0x4  }
0x31: {  	v4 =	vshll.u32 v3, $0x1  }
0x32: {  	v3 =	vand.u32 $0x7, v3;
	v4 =	vand.u32 $0xFFFFFFF0, v4  }
0x33: {  	v3 =	vor.u32 v3, v4  }
0x34: {  	v4 =	vperm.xlane v3, v0;
	_ =	sdelay $0x1  }
0x35: {  	v3 =	vperm.xlane v3, v2;
	v4 =	vadd.s32 v1, v4;
	_ =	sdelay $0x1  }
0x36: {  	v3 =	vadd.s32 v1, v3;
	_ =	sdelay $0x2  }
0x37: {  	[tilespmem:s4], [sflag:$0x1] =	stream.indirect_vreg.gather [hbm4b:s1+s3], $0x80, v4, vm0, $0xb8;
	[tilespmem:$0x1C800] =	vst v63  }
0x38: {  	s11 =	simm.s32 $0x1000  }
0x39: {  	[tilespmem:s11], [sflag:$0x1] =	stream.indirect_vreg.gather [hbm4b:s1+s3], $0x80, v3, vm0, $0xb8;
	[tilespmem:$0x1C800] =	vst v63  }
0x3a: {  	v3 =	vld [tilespmem:$0x10];
	_ =	sdelay $0x4  }
0x3b: {  	v49 =	vshll.u32 v3, $0x1  }
0x3c: {  	v3 =	vand.u32 $0x7, v3;
	v4 =	vand.u32 $0xFFFFFFF0, v49  }
0x3d: {  	v3 =	vor.u32 v3, v4  }
0x3e: {  	v4 =	vperm.xlane v3, v0;
	_ =	sdelay $0x1  }
0x3f: {  	v3 =	vperm.xlane v3, v2;
	v4 =	vadd.s32 v1, v4;
	_ =	sdelay $0x1  }
0x40: {  	v3 =	vadd.s32 v1, v3;
	_ =	sdelay $0x1  }
0x41: {  	s13 =	simm.s32 $0x1800  }
0x42: {  	[tilespmem:s13], [sflag:$0x1] =	stream.indirect_vreg.gather [hbm4b:s1+s3], $0x80, v4, vm0, $0xb8;
	[tilespmem:$0x1C800] =	vst v63  }
0x43: {  	s8 =	simm.s32 $0x2000  }
0x44: {  	[tilespmem:s8], [sflag:$0x1] =	stream.indirect_vreg.gather [hbm4b:s1+s3], $0x80, v3, vm0, $0xb8;
	[tilespmem:$0x1C800] =	vst v63  }
0x45: {  	v3 =	vld [tilespmem:$0x20];
	_ =	sdelay $0x4  }
0x46: {  	v50 =	vshll.u32 v3, $0x1  }
0x47: {  	v3 =	vand.u32 $0x7, v3;
	v4 =	vand.u32 $0xFFFFFFF0, v50  }
0x48: {  	v3 =	vor.u32 v3, v4  }
0x49: {  	v4 =	vperm.xlane v3, v0;
	_ =	sdelay $0x1  }
0x4a: {  	v3 =	vperm.xlane v3, v2;
	v4 =	vadd.s32 v1, v4;
	_ =	sdelay $0x1  }
0x4b: {  	v3 =	vadd.s32 v1, v3;
	_ =	sdelay $0x1  }
0x4c: {  	s9 =	simm.s32 $0x2800  }
0x4d: {  	[tilespmem:s9], [sflag:$0x1] =	stream.indirect_vreg.gather [hbm4b:s1+s3], $0x80, v4, vm0, $0xb8;
	[tilespmem:$0x1C800] =	vst v63  }
0x4e: {  	s10 =	simm.s32 $0x3000  }
0x4f: {  	[tilespmem:s10], [sflag:$0x1] =	stream.indirect_vreg.gather [hbm4b:s1+s3], $0x80, v3, vm0, $0xb8;
	[tilespmem:$0x1C800] =	vst v63  }
0x50: {  	v3 =	vld [tilespmem:$0x30];
	_ =	sdelay $0x4  }
0x51: {  	v51 =	vshll.u32 v3, $0x1  }
0x52: {  	v3 =	vand.u32 $0x7, v3;
	v4 =	vand.u32 $0xFFFFFFF0, v51  }
0x53: {  	v3 =	vor.u32 v3, v4  }
0x54: {  	v4 =	vperm.xlane v3, v0;
	_ =	sdelay $0x1  }
0x55: {  	v3 =	vperm.xlane v3, v2;
	v4 =	vadd.s32 v1, v4;
	_ =	sdelay $0x1  }
0x56: {  	v3 =	vadd.s32 v1, v3;
	_ =	sdelay $0x1  }
0x57: {  	s13 =	simm.s32 $0x3800  }
0x58: {  	[tilespmem:s13], [sflag:$0x1] =	stream.indirect_vreg.gather [hbm4b:s1+s3], $0x80, v4, vm0, $0xb8;
	[tilespmem:$0x1C800] =	vst v63  }
0x59: {  	s10 =	simm.s32 $0x4000  }
0x5a: {  	[tilespmem:s10], [sflag:$0x1] =	stream.indirect_vreg.gather [hbm4b:s1+s3], $0x80, v3, vm0, $0xb8;
	[tilespmem:$0x1C800] =	vst v63  }
0x5b: {  	v3 =	vld [tilespmem:$0x40];
	_ =	sdelay $0x4  }
0x5c: {  	v52 =	vshll.u32 v3, $0x1  }
0x5d: {  	v3 =	vand.u32 $0x7, v3;
	v4 =	vand.u32 $0xFFFFFFF0, v52  }
0x5e: {  	v3 =	vor.u32 v3, v4  }
0x5f: {  	v4 =	vperm.xlane v3, v0;
	_ =	sdelay $0x1  }
0x60: {  	v3 =	vperm.xlane v3, v2;
	v4 =	vadd.s32 v1, v4;
	_ =	sdelay $0x1  }
0x61: {  	v3 =	vadd.s32 v1, v3;
	_ =	sdelay $0x2  }
0x62: {  	[tilespmem:s15], [sflag:$0x2] =	stream.indirect_vreg.gather [hbm4b:s1+s3], $0x80, v4, vm0, $0xb8;
	[tilespmem:$0x1C800] =	vst v63  }
0x63: {  	s0 =	simm.s32 $0x5000  }
0x64: {  	[tilespmem:s0], [sflag:$0x2] =	stream.indirect_vreg.gather [hbm4b:s1+s3], $0x80, v3, vm0, $0xb8;
	[tilespmem:$0x1C800] =	vst v63  }
0x65: {  	v3 =	vld [tilespmem:$0x50];
	_ =	sdelay $0x4  }
0x66: {  	v53 =	vshll.u32 v3, $0x1  }
0x67: {  	v3 =	vand.u32 $0x7, v3;
	v4 =	vand.u32 $0xFFFFFFF0, v53  }
0x68: {  	v3 =	vor.u32 v3, v4  }
0x69: {  	v4 =	vperm.xlane v3, v0;
	_ =	sdelay $0x1  }
0x6a: {  	v3 =	vperm.xlane v3, v2;
	v4 =	vadd.s32 v1, v4;
	_ =	sdelay $0x1  }
0x6b: {  	v3 =	vadd.s32 v1, v3;
	_ =	sdelay $0x1  }
0x6c: {  	s0 =	simm.s32 $0x5800  }
0x6d: {  	[tilespmem:s0], [sflag:$0x2] =	stream.indirect_vreg.gather [hbm4b:s1+s3], $0x80, v4, vm0, $0xb8;
	[tilespmem:$0x1C800] =	vst v63  }
0x6e: {  	s0 =	simm.s32 $0x6000  }
0x6f: {  	[tilespmem:s0], [sflag:$0x2] =	stream.indirect_vreg.gather [hbm4b:s1+s3], $0x80, v3, vm0, $0xb8;
	[tilespmem:$0x1C800] =	vst v63  }
0x70: {  	v3 =	vld [tilespmem:$0x60];
	_ =	sdelay $0x4  }
0x71: {  	v54 =	vshll.u32 v3, $0x1  }
0x72: {  	v3 =	vand.u32 $0x7, v3;
	v4 =	vand.u32 $0xFFFFFFF0, v54  }
0x73: {  	v3 =	vor.u32 v3, v4  }
0x74: {  	v4 =	vperm.xlane v3, v0;
	_ =	sdelay $0x1  }
0x75: {  	v3 =	vperm.xlane v3, v2;
	v4 =	vadd.s32 v1, v4;
	_ =	sdelay $0x1  }
0x76: {  	v3 =	vadd.s32 v1, v3;
	_ =	sdelay $0x1  }
0x77: {  	s0 =	simm.s32 $0x6800  }
0x78: {  	[tilespmem:s0], [sflag:$0x2] =	stream.indirect_vreg.gather [hbm4b:s1+s3], $0x80, v4, vm0, $0xb8;
	[tilespmem:$0x1C800] =	vst v63  }
0x79: {  	s0 =	simm.s32 $0x7000  }
0x7a: {  	[tilespmem:s0], [sflag:$0x2] =	stream.indirect_vreg.gather [hbm4b:s1+s3], $0x80, v3, vm0, $0xb8;
	[tilespmem:$0x1C800] =	vst v63  }
0x7b: {  	v3 =	vld [tilespmem:$0x70];
	_ =	sdelay $0x4  }
0x7c: {  	v55 =	vshll.u32 v3, $0x1  }
0x7d: {  	v3 =	vand.u32 $0x7, v3;
	v4 =	vand.u32 $0xFFFFFFF0, v55  }
0x7e: {  	v3 =	vor.u32 v3, v4  }
0x7f: {  	v4 =	vperm.xlane v3, v0;
	_ =	sdelay $0x1  }
0x80: {  	v3 =	vperm.xlane v3, v2;
	v4 =	vadd.s32 v1, v4;
	_ =	sdelay $0x1  }
0x81: {  	v3 =	vadd.s32 v1, v3;
	_ =	sdelay $0x1  }
0x82: {  	s0 =	simm.s32 $0x7800  }
0x83: {  	[tilespmem:s0], [sflag:$0x2] =	stream.indirect_vreg.gather [hbm4b:s1+s3], $0x80, v4, vm0, $0xb8;
	[tilespmem:$0x1C800] =	vst v63  }
0x84: {  	s0 =	simm.s32 $0x8000  }
0x85: {  	[tilespmem:s0], [sflag:$0x2] =	stream.indirect_vreg.gather [hbm4b:s1+s3], $0x80, v3, vm0, $0xb8;
	[tilespmem:$0x1C800] =	vst v63  }
0x86: {  	v3 =	vld [tilespmem:$0x80];
	_ =	sdelay $0x4  }
0x87: {  	v56 =	vshll.u32 v3, $0x1  }
0x88: {  	v3 =	vand.u32 $0x7, v3;
	v4 =	vand.u32 $0xFFFFFFF0, v56  }
0x89: {  	v3 =	vor.u32 v3, v4  }
0x8a: {  	v4 =	vperm.xlane v3, v0;
	_ =	sdelay $0x1  }
0x8b: {  	v3 =	vperm.xlane v3, v2;
	v4 =	vadd.s32 v1, v4;
	_ =	sdelay $0x1  }
0x8c: {  	v3 =	vadd.s32 v1, v3;
	_ =	sdelay $0x2  }
0x8d: {  	[tilespmem:s23], [sflag:$0x3] =	stream.indirect_vreg.gather [hbm4b:s1+s3], $0x80, v4, vm0, $0xb8;
	[tilespmem:$0x1C800] =	vst v63  }
0x8e: {  	s0 =	simm.s32 $0x9000  }
0x8f: {  	[tilespmem:s0], [sflag:$0x3] =	stream.indirect_vreg.gather [hbm4b:s1+s3], $0x80, v3, vm0, $0xb8;
	[tilespmem:$0x1C800] =	vst v63  }
0x90: {  	v3 =	vld [tilespmem:$0x90];
	_ =	sdelay $0x4  }
0x91: {  	v57 =	vshll.u32 v3, $0x1  }
0x92: {  	v3 =	vand.u32 $0x7, v3;
	v4 =	vand.u32 $0xFFFFFFF0, v57  }
0x93: {  	v3 =	vor.u32 v3, v4  }
0x94: {  	v4 =	vperm.xlane v3, v0;
	_ =	sdelay $0x1  }
0x95: {  	v3 =	vperm.xlane v3, v2;
	v4 =	vadd.s32 v1, v4;
	_ =	sdelay $0x1  }
0x96: {  	v3 =	vadd.s32 v1, v3;
	_ =	sdelay $0x1  }
0x97: {  	s0 =	simm.s32 $0x9800  }
0x98: {  	[tilespmem:s0], [sflag:$0x3] =	stream.indirect_vreg.gather [hbm4b:s1+s3], $0x80, v4, vm0, $0xb8;
	[tilespmem:$0x1C800] =	vst v63  }
0x99: {  	s0 =	simm.s32 $0xA000  }
0x9a: {  	[tilespmem:s0], [sflag:$0x3] =	stream.indirect_vreg.gather [hbm4b:s1+s3], $0x80, v3, vm0, $0xb8;
	[tilespmem:$0x1C800] =	vst v63  }
0x9b: {  	v3 =	vld [tilespmem:$0xA0];
	_ =	sdelay $0x4  }
0x9c: {  	v58 =	vshll.u32 v3, $0x1  }
0x9d: {  	v3 =	vand.u32 $0x7, v3;
	v4 =	vand.u32 $0xFFFFFFF0, v58  }
0x9e: {  	v3 =	vor.u32 v3, v4  }
0x9f: {  	v4 =	vperm.xlane v3, v0;
	_ =	sdelay $0x1  }
0xa0: {  	v3 =	vperm.xlane v3, v2;
	v4 =	vadd.s32 v1, v4;
	_ =	sdelay $0x1  }
0xa1: {  	v3 =	vadd.s32 v1, v3;
	_ =	sdelay $0x1  }
0xa2: {  	s0 =	simm.s32 $0xA800  }
0xa3: {  	[tilespmem:s0], [sflag:$0x3] =	stream.indirect_vreg.gather [hbm4b:s1+s3], $0x80, v4, vm0, $0xb8;
	[tilespmem:$0x1C800] =	vst v63  }
0xa4: {  	s0 =	simm.s32 $0xB000  }
0xa5: {  	[tilespmem:s0], [sflag:$0x3] =	stream.indirect_vreg.gather [hbm4b:s1+s3], $0x80, v3, vm0, $0xb8;
	[tilespmem:$0x1C800] =	vst v63  }
0xa6: {  	v3 =	vld [tilespmem:$0xB0];
	_ =	sdelay $0x4  }
0xa7: {  	v59 =	vshll.u32 v3, $0x1  }
0xa8: {  	v3 =	vand.u32 $0x7, v3;
	v4 =	vand.u32 $0xFFFFFFF0, v59  }
0xa9: {  	v3 =	vor.u32 v3, v4  }
0xaa: {  	v4 =	vperm.xlane v3, v0;
	_ =	sdelay $0x1  }
0xab: {  	v3 =	vperm.xlane v3, v2;
	v4 =	vadd.s32 v1, v4;
	_ =	sdelay $0x1  }
0xac: {  	v3 =	vadd.s32 v1, v3;
	_ =	sdelay $0x1  }
0xad: {  	s0 =	simm.s32 $0xB800  }
0xae: {  	[tilespmem:s0], [sflag:$0x3] =	stream.indirect_vreg.gather [hbm4b:s1+s3], $0x80, v4, vm0, $0xb8;
	[tilespmem:$0x1C800] =	vst v63  }
0xaf: {  	s0 =	simm.s32 $0xC000  }
0xb0: {  	[tilespmem:s0], [sflag:$0x3] =	stream.indirect_vreg.gather [hbm4b:s1+s3], $0x80, v3, vm0, $0xb8;
	[tilespmem:$0x1C800] =	vst v63  }
0xb1: {  	v3 =	vld [tilespmem:$0xC0];
	_ =	sdelay $0x4  }
0xb2: {  	v60 =	vshll.u32 v3, $0x1  }
0xb3: {  	v3 =	vand.u32 $0x7, v3;
	v4 =	vand.u32 $0xFFFFFFF0, v60  }
0xb4: {  	v3 =	vor.u32 v3, v4  }
0xb5: {  	v4 =	vperm.xlane v3, v0;
	_ =	sdelay $0x1  }
0xb6: {  	v3 =	vperm.xlane v3, v2;
	v4 =	vadd.s32 v1, v4;
	_ =	sdelay $0x1  }
0xb7: {  	v3 =	vadd.s32 v1, v3;
	_ =	sdelay $0x2  }
0xb8: {  	[tilespmem:s2], [sflag:$0x4] =	stream.indirect_vreg.gather [hbm4b:s1+s3], $0x80, v4, vm0, $0xb8;
	[tilespmem:$0x1C800] =	vst v63  }
0xb9: {  	s0 =	simm.s32 $0xD000  }
0xba: {  	[tilespmem:s0], [sflag:$0x4] =	stream.indirect_vreg.gather [hbm4b:s1+s3], $0x80, v3, vm0, $0xb8;
	[tilespmem:$0x1C800] =	vst v63  }
0xbb: {  	v3 =	vld [tilespmem:$0xD0];
	_ =	sdelay $0x4  }
0xbc: {  	v61 =	vshll.u32 v3, $0x1  }
0xbd: {  	v3 =	vand.u32 $0x7, v3;
	v4 =	vand.u32 $0xFFFFFFF0, v61  }
0xbe: {  	v3 =	vor.u32 v3, v4  }
0xbf: {  	v4 =	vperm.xlane v3, v0;
	_ =	sdelay $0x1  }
0xc0: {  	v3 =	vperm.xlane v3, v2;
	v4 =	vadd.s32 v1, v4;
	_ =	sdelay $0x1  }
0xc1: {  	v3 =	vadd.s32 v1, v3;
	_ =	sdelay $0x1  }
0xc2: {  	s0 =	simm.s32 $0xD800  }
0xc3: {  	[tilespmem:s0], [sflag:$0x4] =	stream.indirect_vreg.gather [hbm4b:s1+s3], $0x80, v4, vm0, $0xb8;
	[tilespmem:$0x1C800] =	vst v63  }
0xc4: {  	s0 =	simm.s32 $0xE000  }
0xc5: {  	[tilespmem:s0], [sflag:$0x4] =	stream.indirect_vreg.gather [hbm4b:s1+s3], $0x80, v3, vm0, $0xb8;
	[tilespmem:$0x1C800] =	vst v63  }
0xc6: {  	v3 =	vld [tilespmem:$0xE0];
	_ =	sdelay $0x4  }
0xc7: {  	v62 =	vshll.u32 v3, $0x1  }
0xc8: {  	v3 =	vand.u32 $0x7, v3;
	v4 =	vand.u32 $0xFFFFFFF0, v62  }
0xc9: {  	v3 =	vor.u32 v3, v4  }
0xca: {  	v4 =	vperm.xlane v3, v0;
	_ =	sdelay $0x1  }
0xcb: {  	v3 =	vperm.xlane v3, v2;
	v4 =	vadd.s32 v1, v4;
	_ =	sdelay $0x1  }
0xcc: {  	v3 =	vadd.s32 v1, v3;
	_ =	sdelay $0x1  }
0xcd: {  	s0 =	simm.s32 $0xE800  }
0xce: {  	[tilespmem:s0], [sflag:$0x4] =	stream.indirect_vreg.gather [hbm4b:s1+s3], $0x80, v4, vm0, $0xb8;
	[tilespmem:$0x1C800] =	vst v63  }
0xcf: {  	s0 =	simm.s32 $0xF000  }
0xd0: {  	[tilespmem:s0], [sflag:$0x4] =	stream.indirect_vreg.gather [hbm4b:s1+s3], $0x80, v3, vm0, $0xb8;
	[tilespmem:$0x1C800] =	vst v63  }
0xd1: {  	v3 =	vld [tilespmem:$0xF0];
	_ =	sdelay $0x4  }
0xd2: {  	v63 =	vshll.u32 v3, $0x1  }
0xd3: {  	v3 =	vand.u32 $0x7, v3;
	v4 =	vand.u32 $0xFFFFFFF0, v63  }
0xd4: {  	v3 =	vor.u32 v3, v4  }
0xd5: {  	v4 =	vperm.xlane v3, v0;
	_ =	sdelay $0x1  }
0xd6: {  	v3 =	vperm.xlane v3, v2;
	v4 =	vadd.s32 v1, v4;
	_ =	sdelay $0x1  }
0xd7: {  	v3 =	vadd.s32 v1, v3;
	_ =	sdelay $0x1  }
0xd8: {  	s0 =	simm.s32 $0xF800  }
0xd9: {  	[tilespmem:s0], [sflag:$0x4] =	stream.indirect_vreg.gather [hbm4b:s1+s3], $0x80, v4, vm0, $0xb8;
	[tilespmem:$0x1C800] =	vst v63  }
0xda: {  	s0 =	simm.s32 $0x10000  }
0xdb: {  	[tilespmem:s0], [sflag:$0x4] =	stream.indirect_vreg.gather [hbm4b:s1+s3], $0x80, v3, vm0, $0xb8;
	[tilespmem:$0x1C800] =	vst v63  }
0xdc: {  	_ =	swait.ge [sflag:s12], $0x4000  }
0xdd: {  	s0 =	sld [smem:$0x7FC]  }
0xde: {  	[sflag:s12] =	ssyncset.done $0x0  }
0xdf: {  	[sflag:s12] =	ssyncadd.s32 $0xFFFFC000  }
0xe0: {  	[hbm4b:s0+s3] =	stream.linear.scatter [tilespmem:s4], [sflag:$0x8], $0x4000, $0x38;
	[tilespmem:$0x1C800] =	vst v63  }
0xe1: {  	v3 =	vld [tilespmem:$0x100];
	_ =	sdelay $0x4  }
0xe2: {  	v8 =	vshll.u32 v3, $0x1  }
0xe3: {  	v3 =	vand.u32 $0x7, v3;
	v4 =	vand.u32 $0xFFFFFFF0, v8  }
0xe4: {  	v3 =	vor.u32 v3, v4  }
0xe5: {  	v4 =	vperm.xlane v3, v0;
	_ =	sdelay $0x1  }
0xe6: {  	v3 =	vperm.xlane v3, v2;
	v4 =	vadd.s32 v1, v4;
	_ =	sdelay $0x1  }
0xe7: {  	v3 =	vadd.s32 v1, v3;
	_ =	sdelay $0x2  }
0xe8: {  	[tilespmem:s16], [sflag:$0x5] =	stream.indirect_vreg.gather [hbm4b:s1+s3], $0x80, v4, vm0, $0xb8;
	[tilespmem:$0x1C800] =	vst v63  }
0xe9: {  	s0 =	simm.s32 $0x11000  }
0xea: {  	[tilespmem:s0], [sflag:$0x5] =	stream.indirect_vreg.gather [hbm4b:s1+s3], $0x80, v3, vm0, $0xb8;
	[tilespmem:$0x1C800] =	vst v63  }
0xeb: {  	v3 =	vld [tilespmem:$0x110];
	_ =	sdelay $0x4  }
0xec: {  	v9 =	vshll.u32 v3, $0x1  }
0xed: {  	v3 =	vand.u32 $0x7, v3;
	v4 =	vand.u32 $0xFFFFFFF0, v9  }
0xee: {  	v3 =	vor.u32 v3, v4  }
0xef: {  	v4 =	vperm.xlane v3, v0;
	_ =	sdelay $0x1  }
0xf0: {  	v3 =	vperm.xlane v3, v2;
	v4 =	vadd.s32 v1, v4;
	_ =	sdelay $0x1  }
0xf1: {  	v3 =	vadd.s32 v1, v3;
	_ =	sdelay $0x1  }
0xf2: {  	s0 =	simm.s32 $0x11800  }
0xf3: {  	[tilespmem:s0], [sflag:$0x5] =	stream.indirect_vreg.gather [hbm4b:s1+s3], $0x80, v4, vm0, $0xb8;
	[tilespmem:$0x1C800] =	vst v63  }
0xf4: {  	s0 =	simm.s32 $0x12000  }
0xf5: {  	[tilespmem:s0], [sflag:$0x5] =	stream.indirect_vreg.gather [hbm4b:s1+s3], $0x80, v3, vm0, $0xb8;
	[tilespmem:$0x1C800] =	vst v63  }
0xf6: {  	v3 =	vld [tilespmem:$0x120];
	_ =	sdelay $0x4  }
0xf7: {  	v10 =	vshll.u32 v3, $0x1  }
0xf8: {  	v3 =	vand.u32 $0x7, v3;
	v4 =	vand.u32 $0xFFFFFFF0, v10  }
0xf9: {  	v3 =	vor.u32 v3, v4  }
0xfa: {  	v4 =	vperm.xlane v3, v0;
	_ =	sdelay $0x1  }
0xfb: {  	v3 =	vperm.xlane v3, v2;
	v4 =	vadd.s32 v1, v4;
	_ =	sdelay $0x1  }
0xfc: {  	v3 =	vadd.s32 v1, v3;
	_ =	sdelay $0x1  }
0xfd: {  	s0 =	simm.s32 $0x12800  }
0xfe: {  	[tilespmem:s0], [sflag:$0x5] =	stream.indirect_vreg.gather [hbm4b:s1+s3], $0x80, v4, vm0, $0xb8;
	[tilespmem:$0x1C800] =	vst v63  }
0xff: {  	s0 =	simm.s32 $0x13000  }
0x100: {  	[tilespmem:s0], [sflag:$0x5] =	stream.indirect_vreg.gather [hbm4b:s1+s3], $0x80, v3, vm0, $0xb8;
	[tilespmem:$0x1C800] =	vst v63  }
0x101: {  	v3 =	vld [tilespmem:$0x130];
	_ =	sdelay $0x4  }
0x102: {  	v11 =	vshll.u32 v3, $0x1  }
0x103: {  	v3 =	vand.u32 $0x7, v3;
	v4 =	vand.u32 $0xFFFFFFF0, v11  }
0x104: {  	v3 =	vor.u32 v3, v4  }
0x105: {  	v4 =	vperm.xlane v3, v0;
	_ =	sdelay $0x1  }
0x106: {  	v3 =	vperm.xlane v3, v2;
	v4 =	vadd.s32 v1, v4;
	_ =	sdelay $0x1  }
0x107: {  	v3 =	vadd.s32 v1, v3;
	_ =	sdelay $0x1  }
0x108: {  	s0 =	simm.s32 $0x13800  }
0x109: {  	[tilespmem:s0], [sflag:$0x5] =	stream.indirect_vreg.gather [hbm4b:s1+s3], $0x80, v4, vm0, $0xb8;
	[tilespmem:$0x1C800] =	vst v63  }
0x10a: {  	s0 =	simm.s32 $0x14000  }
0x10b: {  	[tilespmem:s0], [sflag:$0x5] =	stream.indirect_vreg.gather [hbm4b:s1+s3], $0x80, v3, vm0, $0xb8;
	[tilespmem:$0x1C800] =	vst v63  }
0x10c: {  	_ =	swait.ge [sflag:s14], $0x4000  }
0x10d: {  	[sflag:s14] =	ssyncset.done $0x0  }
0x10e: {  	s0 =	rddreg [dreg:$0x5];
	[sflag:s14] =	ssyncadd.s32 $0xFFFFC000  }
0x10f: {  	[hbm4b:s0+s3] =	stream.linear.scatter [tilespmem:s15], [sflag:$0x9], $0x4000, $0x38;
	[tilespmem:$0x1C800] =	vst v63  }
0x110: {  	v3 =	vld [tilespmem:$0x140];
	_ =	sdelay $0x4  }
0x111: {  	v12 =	vshll.u32 v3, $0x1  }
0x112: {  	v3 =	vand.u32 $0x7, v3;
	v4 =	vand.u32 $0xFFFFFFF0, v12  }
0x113: {  	v3 =	vor.u32 v3, v4  }
0x114: {  	v4 =	vperm.xlane v3, v0;
	_ =	sdelay $0x1  }
0x115: {  	v3 =	vperm.xlane v3, v2;
	v4 =	vadd.s32 v1, v4;
	_ =	sdelay $0x1  }
0x116: {  	v3 =	vadd.s32 v1, v3;
	_ =	sdelay $0x2  }
0x117: {  	[tilespmem:s18], [sflag:$0x6] =	stream.indirect_vreg.gather [hbm4b:s1+s3], $0x80, v4, vm0, $0xb8;
	[tilespmem:$0x1C800] =	vst v63  }
0x118: {  	s0 =	simm.s32 $0x15000  }
0x119: {  	[tilespmem:s0], [sflag:$0x6] =	stream.indirect_vreg.gather [hbm4b:s1+s3], $0x80, v3, vm0, $0xb8;
	[tilespmem:$0x1C800] =	vst v63  }
0x11a: {  	v3 =	vld [tilespmem:$0x150];
	_ =	sdelay $0x4  }
0x11b: {  	v13 =	vshll.u32 v3, $0x1  }
0x11c: {  	v3 =	vand.u32 $0x7, v3;
	v4 =	vand.u32 $0xFFFFFFF0, v13  }
0x11d: {  	v3 =	vor.u32 v3, v4  }
0x11e: {  	v4 =	vperm.xlane v3, v0;
	_ =	sdelay $0x1  }
0x11f: {  	v3 =	vperm.xlane v3, v2;
	v4 =	vadd.s32 v1, v4;
	_ =	sdelay $0x1  }
0x120: {  	v3 =	vadd.s32 v1, v3;
	_ =	sdelay $0x1  }
0x121: {  	s0 =	simm.s32 $0x15800  }
0x122: {  	[tilespmem:s0], [sflag:$0x6] =	stream.indirect_vreg.gather [hbm4b:s1+s3], $0x80, v4, vm0, $0xb8;
	[tilespmem:$0x1C800] =	vst v63  }
0x123: {  	s0 =	simm.s32 $0x16000  }
0x124: {  	[tilespmem:s0], [sflag:$0x6] =	stream.indirect_vreg.gather [hbm4b:s1+s3], $0x80, v3, vm0, $0xb8;
	[tilespmem:$0x1C800] =	vst v63  }
0x125: {  	v3 =	vld [tilespmem:$0x160];
	_ =	sdelay $0x4  }
0x126: {  	v14 =	vshll.u32 v3, $0x1  }
0x127: {  	v3 =	vand.u32 $0x7, v3;
	v4 =	vand.u32 $0xFFFFFFF0, v14  }
0x128: {  	v3 =	vor.u32 v3, v4  }
0x129: {  	v4 =	vperm.xlane v3, v0;
	_ =	sdelay $0x1  }
0x12a: {  	v3 =	vperm.xlane v3, v2;
	v4 =	vadd.s32 v1, v4;
	_ =	sdelay $0x1  }
0x12b: {  	v3 =	vadd.s32 v1, v3;
	_ =	sdelay $0x1  }
0x12c: {  	s0 =	simm.s32 $0x16800  }
0x12d: {  	[tilespmem:s0], [sflag:$0x6] =	stream.indirect_vreg.gather [hbm4b:s1+s3], $0x80, v4, vm0, $0xb8;
	[tilespmem:$0x1C800] =	vst v63  }
0x12e: {  	s0 =	simm.s32 $0x17000  }
0x12f: {  	[tilespmem:s0], [sflag:$0x6] =	stream.indirect_vreg.gather [hbm4b:s1+s3], $0x80, v3, vm0, $0xb8;
	[tilespmem:$0x1C800] =	vst v63  }
0x130: {  	v3 =	vld [tilespmem:$0x170];
	_ =	sdelay $0x4  }
0x131: {  	v15 =	vshll.u32 v3, $0x1  }
0x132: {  	v3 =	vand.u32 $0x7, v3;
	v4 =	vand.u32 $0xFFFFFFF0, v15  }
0x133: {  	v3 =	vor.u32 v3, v4  }
0x134: {  	v4 =	vperm.xlane v3, v0;
	_ =	sdelay $0x1  }
0x135: {  	v3 =	vperm.xlane v3, v2;
	v4 =	vadd.s32 v1, v4;
	_ =	sdelay $0x1  }
0x136: {  	v3 =	vadd.s32 v1, v3;
	_ =	sdelay $0x1  }
0x137: {  	s0 =	simm.s32 $0x17800  }
0x138: {  	[tilespmem:s0], [sflag:$0x6] =	stream.indirect_vreg.gather [hbm4b:s1+s3], $0x80, v4, vm0, $0xb8;
	[tilespmem:$0x1C800] =	vst v63  }
0x139: {  	s0 =	simm.s32 $0x18000  }
0x13a: {  	[tilespmem:s0], [sflag:$0x6] =	stream.indirect_vreg.gather [hbm4b:s1+s3], $0x80, v3, vm0, $0xb8;
	[tilespmem:$0x1C800] =	vst v63  }
0x13b: {  	_ =	swait.ge [sflag:s17], $0x4000  }
0x13c: {  	[sflag:s17] =	ssyncset.done $0x0  }
0x13d: {  	s0 =	rddreg [dreg:$0x6];
	[sflag:s17] =	ssyncadd.s32 $0xFFFFC000  }
0x13e: {  	[hbm4b:s0+s3] =	stream.linear.scatter [tilespmem:s23], [sflag:$0xA], $0x4000, $0x38;
	[tilespmem:$0x1C800] =	vst v63  }
0x13f: {  	v3 =	vld [tilespmem:$0x180];
	_ =	sdelay $0x4  }
0x140: {  	v16 =	vshll.u32 v3, $0x1  }
0x141: {  	v3 =	vand.u32 $0x7, v3;
	v4 =	vand.u32 $0xFFFFFFF0, v16  }
0x142: {  	v3 =	vor.u32 v3, v4  }
0x143: {  	v4 =	vperm.xlane v3, v0;
	_ =	sdelay $0x1  }
0x144: {  	v3 =	vperm.xlane v3, v2;
	v4 =	vadd.s32 v1, v4;
	_ =	sdelay $0x1  }
0x145: {  	v3 =	vadd.s32 v1, v3;
	_ =	sdelay $0x2  }
0x146: {  	[tilespmem:s7], [sflag:$0x7] =	stream.indirect_vreg.gather [hbm4b:s1+s3], $0x80, v4, vm0, $0xb8;
	[tilespmem:$0x1C800] =	vst v63  }
0x147: {  	s0 =	simm.s32 $0x19000  }
0x148: {  	[tilespmem:s0], [sflag:$0x7] =	stream.indirect_vreg.gather [hbm4b:s1+s3], $0x80, v3, vm0, $0xb8;
	[tilespmem:$0x1C800] =	vst v63  }
0x149: {  	v3 =	vld [tilespmem:$0x190];
	_ =	sdelay $0x4  }
0x14a: {  	v17 =	vshll.u32 v3, $0x1  }
0x14b: {  	v3 =	vand.u32 $0x7, v3;
	v4 =	vand.u32 $0xFFFFFFF0, v17  }
0x14c: {  	v3 =	vor.u32 v3, v4  }
0x14d: {  	v4 =	vperm.xlane v3, v0;
	_ =	sdelay $0x1  }
0x14e: {  	v3 =	vperm.xlane v3, v2;
	v4 =	vadd.s32 v1, v4;
	_ =	sdelay $0x1  }
0x14f: {  	v3 =	vadd.s32 v1, v3;
	_ =	sdelay $0x1  }
0x150: {  	s0 =	simm.s32 $0x19800  }
0x151: {  	[tilespmem:s0], [sflag:$0x7] =	stream.indirect_vreg.gather [hbm4b:s1+s3], $0x80, v4, vm0, $0xb8;
	[tilespmem:$0x1C800] =	vst v63  }
0x152: {  	s0 =	simm.s32 $0x1A000  }
0x153: {  	[tilespmem:s0], [sflag:$0x7] =	stream.indirect_vreg.gather [hbm4b:s1+s3], $0x80, v3, vm0, $0xb8;
	[tilespmem:$0x1C800] =	vst v63  }
0x154: {  	v3 =	vld [tilespmem:$0x1A0];
	_ =	sdelay $0x4  }
0x155: {  	v18 =	vshll.u32 v3, $0x1  }
0x156: {  	v3 =	vand.u32 $0x7, v3;
	v4 =	vand.u32 $0xFFFFFFF0, v18  }
0x157: {  	v3 =	vor.u32 v3, v4  }
0x158: {  	v4 =	vperm.xlane v3, v0;
	_ =	sdelay $0x1  }
0x159: {  	v3 =	vperm.xlane v3, v2;
	v4 =	vadd.s32 v1, v4;
	_ =	sdelay $0x1  }
0x15a: {  	v3 =	vadd.s32 v1, v3;
	_ =	sdelay $0x1  }
0x15b: {  	s0 =	simm.s32 $0x1A800  }
0x15c: {  	[tilespmem:s0], [sflag:$0x7] =	stream.indirect_vreg.gather [hbm4b:s1+s3], $0x80, v4, vm0, $0xb8;
	[tilespmem:$0x1C800] =	vst v63  }
0x15d: {  	s0 =	simm.s32 $0x1B000  }
0x15e: {  	[tilespmem:s0], [sflag:$0x7] =	stream.indirect_vreg.gather [hbm4b:s1+s3], $0x80, v3, vm0, $0xb8;
	[tilespmem:$0x1C800] =	vst v63  }
0x15f: {  	v3 =	vld [tilespmem:$0x1B0];
	_ =	sdelay $0x4  }
0x160: {  	v19 =	vshll.u32 v3, $0x1  }
0x161: {  	v3 =	vand.u32 $0x7, v3;
	v4 =	vand.u32 $0xFFFFFFF0, v19  }
0x162: {  	v3 =	vor.u32 v3, v4  }
0x163: {  	v4 =	vperm.xlane v3, v0;
	_ =	sdelay $0x1  }
0x164: {  	v3 =	vperm.xlane v3, v2;
	v4 =	vadd.s32 v1, v4;
	_ =	sdelay $0x1  }
0x165: {  	v3 =	vadd.s32 v1, v3;
	_ =	sdelay $0x1  }
0x166: {  	s0 =	simm.s32 $0x1B800  }
0x167: {  	[tilespmem:s0], [sflag:$0x7] =	stream.indirect_vreg.gather [hbm4b:s1+s3], $0x80, v4, vm0, $0xb8;
	[tilespmem:$0x1C800] =	vst v63  }
0x168: {  	s0 =	simm.s32 $0x1C000  }
0x169: {  	[tilespmem:s0], [sflag:$0x7] =	stream.indirect_vreg.gather [hbm4b:s1+s3], $0x80, v3, vm0, $0xb8;
	[tilespmem:$0x1C800] =	vst v63  }
0x16a: {  	_ =	swait.ge [sflag:s19], $0x4000  }
0x16b: {  	[sflag:s19] =	ssyncset.done $0x0  }
0x16c: {  	s0 =	rddreg [dreg:$0x7];
	[sflag:s19] =	ssyncadd.s32 $0xFFFFC000  }
0x16d: {  	[hbm4b:s0+s3] =	stream.linear.scatter [tilespmem:s2], [sflag:$0xB], $0x4000, $0x38;
	[tilespmem:$0x1C800] =	vst v63  }
0x16e: {  	_ =	swait.ge [sflag:s20], $0x4000  }
0x16f: {  	[sflag:s20] =	ssyncset.done $0x0  }
0x170: {  	[sflag:s20] =	ssyncadd.s32 $0xFFFFC000  }
0x171: {  	v3 =	vld [tilespmem:$0x1C0];
	_ =	sdelay $0x4  }
0x172: {  	v20 =	vshll.u32 v3, $0x1  }
0x173: {  	v3 =	vand.u32 $0x7, v3;
	v4 =	vand.u32 $0xFFFFFFF0, v20  }
0x174: {  	v3 =	vor.u32 v3, v4  }
0x175: {  	v4 =	vperm.xlane v3, v0;
	_ =	sdelay $0x1  }
0x176: {  	v3 =	vperm.xlane v3, v2;
	v4 =	vadd.s32 v1, v4;
	_ =	sdelay $0x1  }
0x177: {  	v3 =	vadd.s32 v1, v3;
	_ =	sdelay $0x2  }
0x178: {  	[tilespmem:s4], [sflag:$0x1] =	stream.indirect_vreg.gather [hbm4b:s1+s3], $0x80, v4, vm0, $0xb8;
	[tilespmem:$0x1C800] =	vst v63  }
0x179: {  	s6 =	simm.s32 $0x1000  }
0x17a: {  	[tilespmem:s6], [sflag:$0x1] =	stream.indirect_vreg.gather [hbm4b:s1+s3], $0x80, v3, vm0, $0xb8;
	[tilespmem:$0x1C800] =	vst v63  }
0x17b: {  	v3 =	vld [tilespmem:$0x1D0];
	_ =	sdelay $0x4  }
0x17c: {  	v21 =	vshll.u32 v3, $0x1  }
0x17d: {  	v3 =	vand.u32 $0x7, v3;
	v4 =	vand.u32 $0xFFFFFFF0, v21  }
0x17e: {  	v3 =	vor.u32 v3, v4  }
0x17f: {  	v4 =	vperm.xlane v3, v0;
	_ =	sdelay $0x1  }
0x180: {  	v3 =	vperm.xlane v3, v2;
	v4 =	vadd.s32 v1, v4;
	_ =	sdelay $0x1  }
0x181: {  	v3 =	vadd.s32 v1, v3;
	_ =	sdelay $0x1  }
0x182: {  	s6 =	simm.s32 $0x1800  }
0x183: {  	[tilespmem:s6], [sflag:$0x1] =	stream.indirect_vreg.gather [hbm4b:s1+s3], $0x80, v4, vm0, $0xb8;
	[tilespmem:$0x1C800] =	vst v63  }
0x184: {  	s8 =	simm.s32 $0x2000  }
0x185: {  	[tilespmem:s8], [sflag:$0x1] =	stream.indirect_vreg.gather [hbm4b:s1+s3], $0x80, v3, vm0, $0xb8;
	[tilespmem:$0x1C800] =	vst v63  }
0x186: {  	v3 =	vld [tilespmem:$0x1E0];
	_ =	sdelay $0x4  }
0x187: {  	v22 =	vshll.u32 v3, $0x1  }
0x188: {  	v3 =	vand.u32 $0x7, v3;
	v4 =	vand.u32 $0xFFFFFFF0, v22  }
0x189: {  	v3 =	vor.u32 v3, v4  }
0x18a: {  	v4 =	vperm.xlane v3, v0;
	_ =	sdelay $0x1  }
0x18b: {  	v3 =	vperm.xlane v3, v2;
	v4 =	vadd.s32 v1, v4;
	_ =	sdelay $0x1  }
0x18c: {  	v3 =	vadd.s32 v1, v3;
	_ =	sdelay $0x1  }
0x18d: {  	s11 =	simm.s32 $0x2800  }
0x18e: {  	[tilespmem:s11], [sflag:$0x1] =	stream.indirect_vreg.gather [hbm4b:s1+s3], $0x80, v4, vm0, $0xb8;
	[tilespmem:$0x1C800] =	vst v63  }
0x18f: {  	s9 =	simm.s32 $0x3000  }
0x190: {  	[tilespmem:s9], [sflag:$0x1] =	stream.indirect_vreg.gather [hbm4b:s1+s3], $0x80, v3, vm0, $0xb8;
	[tilespmem:$0x1C800] =	vst v63  }
0x191: {  	v3 =	vld [tilespmem:$0x1F0];
	_ =	sdelay $0x4  }
0x192: {  	v23 =	vshll.u32 v3, $0x1  }
0x193: {  	v3 =	vand.u32 $0x7, v3;
	v4 =	vand.u32 $0xFFFFFFF0, v23  }
0x194: {  	v3 =	vor.u32 v3, v4  }
0x195: {  	v4 =	vperm.xlane v3, v0;
	_ =	sdelay $0x1  }
0x196: {  	v3 =	vperm.xlane v3, v2;
	v4 =	vadd.s32 v1, v4;
	_ =	sdelay $0x1  }
0x197: {  	v3 =	vadd.s32 v1, v3;
	_ =	sdelay $0x1  }
0x198: {  	s13 =	simm.s32 $0x3800  }
0x199: {  	[tilespmem:s13], [sflag:$0x1] =	stream.indirect_vreg.gather [hbm4b:s1+s3], $0x80, v4, vm0, $0xb8;
	[tilespmem:$0x1C800] =	vst v63  }
0x19a: {  	s10 =	simm.s32 $0x4000  }
0x19b: {  	[tilespmem:s10], [sflag:$0x1] =	stream.indirect_vreg.gather [hbm4b:s1+s3], $0x80, v3, vm0, $0xb8;
	[tilespmem:$0x1C800] =	vst v63  }
0x19c: {  	_ =	swait.ge [sflag:s21], $0x4000  }
0x19d: {  	[sflag:s21] =	ssyncset.done $0x0  }
0x19e: {  	s10 =	rddreg [dreg:$0x8];
	[sflag:s21] =	ssyncadd.s32 $0xFFFFC000  }
0x19f: {  	[hbm4b:s10+s3] =	stream.linear.scatter [tilespmem:s16], [sflag:$0xC], $0x4000, $0x38;
	[tilespmem:$0x1C800] =	vst v63  }
0x1a0: {  	_ =	swait.ge [sflag:s22], $0x4000  }
0x1a1: {  	[sflag:s22] =	ssyncset.done $0x0  }
0x1a2: {  	[sflag:s22] =	ssyncadd.s32 $0xFFFFC000  }
0x1a3: {  	v3 =	vld [tilespmem:$0x200];
	_ =	sdelay $0x4  }
0x1a4: {  	v24 =	vshll.u32 v3, $0x1  }
0x1a5: {  	v3 =	vand.u32 $0x7, v3;
	v4 =	vand.u32 $0xFFFFFFF0, v24  }
0x1a6: {  	v3 =	vor.u32 v3, v4  }
0x1a7: {  	v4 =	vperm.xlane v3, v0;
	_ =	sdelay $0x1  }
0x1a8: {  	v3 =	vperm.xlane v3, v2;
	v4 =	vadd.s32 v1, v4;
	_ =	sdelay $0x1  }
0x1a9: {  	v3 =	vadd.s32 v1, v3;
	_ =	sdelay $0x2  }
0x1aa: {  	[tilespmem:s15], [sflag:$0x2] =	stream.indirect_vreg.gather [hbm4b:s1+s3], $0x80, v4, vm0, $0xb8;
	[tilespmem:$0x1C800] =	vst v63  }
0x1ab: {  	s11 =	simm.s32 $0x5000  }
0x1ac: {  	[tilespmem:s11], [sflag:$0x2] =	stream.indirect_vreg.gather [hbm4b:s1+s3], $0x80, v3, vm0, $0xb8;
	[tilespmem:$0x1C800] =	vst v63  }
0x1ad: {  	v3 =	vld [tilespmem:$0x210];
	_ =	sdelay $0x4  }
0x1ae: {  	v25 =	vshll.u32 v3, $0x1  }
0x1af: {  	v3 =	vand.u32 $0x7, v3;
	v4 =	vand.u32 $0xFFFFFFF0, v25  }
0x1b0: {  	v3 =	vor.u32 v3, v4  }
0x1b1: {  	v4 =	vperm.xlane v3, v0;
	_ =	sdelay $0x1  }
0x1b2: {  	v3 =	vperm.xlane v3, v2;
	v4 =	vadd.s32 v1, v4;
	_ =	sdelay $0x1  }
0x1b3: {  	v3 =	vadd.s32 v1, v3;
	_ =	sdelay $0x1  }
0x1b4: {  	s13 =	simm.s32 $0x5800  }
0x1b5: {  	[tilespmem:s13], [sflag:$0x2] =	stream.indirect_vreg.gather [hbm4b:s1+s3], $0x80, v4, vm0, $0xb8;
	[tilespmem:$0x1C800] =	vst v63  }
0x1b6: {  	s6 =	simm.s32 $0x6000  }
0x1b7: {  	[tilespmem:s6], [sflag:$0x2] =	stream.indirect_vreg.gather [hbm4b:s1+s3], $0x80, v3, vm0, $0xb8;
	[tilespmem:$0x1C800] =	vst v63  }
0x1b8: {  	v3 =	vld [tilespmem:$0x220];
	_ =	sdelay $0x4  }
0x1b9: {  	v26 =	vshll.u32 v3, $0x1  }
0x1ba: {  	v3 =	vand.u32 $0x7, v3;
	v4 =	vand.u32 $0xFFFFFFF0, v26  }
0x1bb: {  	v3 =	vor.u32 v3, v4  }
0x1bc: {  	v4 =	vperm.xlane v3, v0;
	_ =	sdelay $0x1  }
0x1bd: {  	v3 =	vperm.xlane v3, v2;
	v4 =	vadd.s32 v1, v4;
	_ =	sdelay $0x1  }
0x1be: {  	v3 =	vadd.s32 v1, v3;
	_ =	sdelay $0x1  }
0x1bf: {  	s8 =	simm.s32 $0x6800  }
0x1c0: {  	[tilespmem:s8], [sflag:$0x2] =	stream.indirect_vreg.gather [hbm4b:s1+s3], $0x80, v4, vm0, $0xb8;
	[tilespmem:$0x1C800] =	vst v63  }
0x1c1: {  	s9 =	simm.s32 $0x7000  }
0x1c2: {  	[tilespmem:s9], [sflag:$0x2] =	stream.indirect_vreg.gather [hbm4b:s1+s3], $0x80, v3, vm0, $0xb8;
	[tilespmem:$0x1C800] =	vst v63  }
0x1c3: {  	v3 =	vld [tilespmem:$0x230];
	_ =	sdelay $0x4  }
0x1c4: {  	v27 =	vshll.u32 v3, $0x1  }
0x1c5: {  	v3 =	vand.u32 $0x7, v3;
	v4 =	vand.u32 $0xFFFFFFF0, v27  }
0x1c6: {  	v3 =	vor.u32 v3, v4  }
0x1c7: {  	v4 =	vperm.xlane v3, v0;
	_ =	sdelay $0x1  }
0x1c8: {  	v3 =	vperm.xlane v3, v2;
	v4 =	vadd.s32 v1, v4;
	_ =	sdelay $0x1  }
0x1c9: {  	v3 =	vadd.s32 v1, v3;
	_ =	sdelay $0x1  }
0x1ca: {  	s10 =	simm.s32 $0x7800  }
0x1cb: {  	[tilespmem:s10], [sflag:$0x2] =	stream.indirect_vreg.gather [hbm4b:s1+s3], $0x80, v4, vm0, $0xb8;
	[tilespmem:$0x1C800] =	vst v63  }
0x1cc: {  	s11 =	simm.s32 $0x8000  }
0x1cd: {  	[tilespmem:s11], [sflag:$0x2] =	stream.indirect_vreg.gather [hbm4b:s1+s3], $0x80, v3, vm0, $0xb8;
	[tilespmem:$0x1C800] =	vst v63  }
0x1ce: {  	_ =	swait.ge [sflag:s24], $0x4000  }
0x1cf: {  	[sflag:s24] =	ssyncset.done $0x0  }
0x1d0: {  	s13 =	rddreg [dreg:$0x9];
	[sflag:s24] =	ssyncadd.s32 $0xFFFFC000  }
0x1d1: {  	[hbm4b:s13+s3] =	stream.linear.scatter [tilespmem:s18], [sflag:$0xD], $0x4000, $0x38;
	[tilespmem:$0x1C800] =	vst v63  }
0x1d2: {  	_ =	swait.ge [sflag:s25], $0x4000  }
0x1d3: {  	[sflag:s25] =	ssyncset.done $0x0  }
0x1d4: {  	[sflag:s25] =	ssyncadd.s32 $0xFFFFC000  }
0x1d5: {  	v3 =	vld [tilespmem:$0x240];
	_ =	sdelay $0x4  }
0x1d6: {  	v28 =	vshll.u32 v3, $0x1  }
0x1d7: {  	v3 =	vand.u32 $0x7, v3;
	v4 =	vand.u32 $0xFFFFFFF0, v28  }
0x1d8: {  	v3 =	vor.u32 v3, v4  }
0x1d9: {  	v4 =	vperm.xlane v3, v0;
	_ =	sdelay $0x1  }
0x1da: {  	v3 =	vperm.xlane v3, v2;
	v4 =	vadd.s32 v1, v4;
	_ =	sdelay $0x1  }
0x1db: {  	v3 =	vadd.s32 v1, v3;
	_ =	sdelay $0x2  }
0x1dc: {  	[tilespmem:s23], [sflag:$0x3] =	stream.indirect_vreg.gather [hbm4b:s1+s3], $0x80, v4, vm0, $0xb8;
	[tilespmem:$0x1C800] =	vst v63  }
0x1dd: {  	s6 =	simm.s32 $0x9000  }
0x1de: {  	[tilespmem:s6], [sflag:$0x3] =	stream.indirect_vreg.gather [hbm4b:s1+s3], $0x80, v3, vm0, $0xb8;
	[tilespmem:$0x1C800] =	vst v63  }
0x1df: {  	v3 =	vld [tilespmem:$0x250];
	_ =	sdelay $0x4  }
0x1e0: {  	v29 =	vshll.u32 v3, $0x1  }
0x1e1: {  	v3 =	vand.u32 $0x7, v3;
	v4 =	vand.u32 $0xFFFFFFF0, v29  }
0x1e2: {  	v3 =	vor.u32 v3, v4  }
0x1e3: {  	v4 =	vperm.xlane v3, v0;
	_ =	sdelay $0x1  }
0x1e4: {  	v3 =	vperm.xlane v3, v2;
	v4 =	vadd.s32 v1, v4;
	_ =	sdelay $0x1  }
0x1e5: {  	v3 =	vadd.s32 v1, v3;
	_ =	sdelay $0x1  }
0x1e6: {  	s8 =	simm.s32 $0x9800  }
0x1e7: {  	[tilespmem:s8], [sflag:$0x3] =	stream.indirect_vreg.gather [hbm4b:s1+s3], $0x80, v4, vm0, $0xb8;
	[tilespmem:$0x1C800] =	vst v63  }
0x1e8: {  	s9 =	simm.s32 $0xA000  }
0x1e9: {  	[tilespmem:s9], [sflag:$0x3] =	stream.indirect_vreg.gather [hbm4b:s1+s3], $0x80, v3, vm0, $0xb8;
	[tilespmem:$0x1C800] =	vst v63  }
0x1ea: {  	v3 =	vld [tilespmem:$0x260];
	_ =	sdelay $0x4  }
0x1eb: {  	v30 =	vshll.u32 v3, $0x1  }
0x1ec: {  	v3 =	vand.u32 $0x7, v3;
	v4 =	vand.u32 $0xFFFFFFF0, v30  }
0x1ed: {  	v3 =	vor.u32 v3, v4  }
0x1ee: {  	v4 =	vperm.xlane v3, v0;
	_ =	sdelay $0x1  }
0x1ef: {  	v3 =	vperm.xlane v3, v2;
	v4 =	vadd.s32 v1, v4;
	_ =	sdelay $0x1  }
0x1f0: {  	v3 =	vadd.s32 v1, v3;
	_ =	sdelay $0x1  }
0x1f1: {  	s10 =	simm.s32 $0xA800  }
0x1f2: {  	[tilespmem:s10], [sflag:$0x3] =	stream.indirect_vreg.gather [hbm4b:s1+s3], $0x80, v4, vm0, $0xb8;
	[tilespmem:$0x1C800] =	vst v63  }
0x1f3: {  	s11 =	simm.s32 $0xB000  }
0x1f4: {  	[tilespmem:s11], [sflag:$0x3] =	stream.indirect_vreg.gather [hbm4b:s1+s3], $0x80, v3, vm0, $0xb8;
	[tilespmem:$0x1C800] =	vst v63  }
0x1f5: {  	v3 =	vld [tilespmem:$0x270];
	_ =	sdelay $0x4  }
0x1f6: {  	v31 =	vshll.u32 v3, $0x1  }
0x1f7: {  	v3 =	vand.u32 $0x7, v3;
	v4 =	vand.u32 $0xFFFFFFF0, v31  }
0x1f8: {  	v3 =	vor.u32 v3, v4  }
0x1f9: {  	v4 =	vperm.xlane v3, v0;
	_ =	sdelay $0x1  }
0x1fa: {  	v3 =	vperm.xlane v3, v2;
	v4 =	vadd.s32 v1, v4;
	_ =	sdelay $0x1  }
0x1fb: {  	v3 =	vadd.s32 v1, v3;
	_ =	sdelay $0x1  }
0x1fc: {  	s13 =	simm.s32 $0xB800  }
0x1fd: {  	[tilespmem:s13], [sflag:$0x3] =	stream.indirect_vreg.gather [hbm4b:s1+s3], $0x80, v4, vm0, $0xb8;
	[tilespmem:$0x1C800] =	vst v63  }
0x1fe: {  	s6 =	simm.s32 $0xC000  }
0x1ff: {  	[tilespmem:s6], [sflag:$0x3] =	stream.indirect_vreg.gather [hbm4b:s1+s3], $0x80, v3, vm0, $0xb8;
	[tilespmem:$0x1C800] =	vst v63  }
0x200: {  	_ =	swait.ge [sflag:s26], $0x4000  }
0x201: {  	[sflag:s26] =	ssyncset.done $0x0  }
0x202: {  	s8 =	rddreg [dreg:$0xa];
	[sflag:s26] =	ssyncadd.s32 $0xFFFFC000  }
0x203: {  	[hbm4b:s8+s3] =	stream.linear.scatter [tilespmem:s7], [sflag:$0xE], $0x4000, $0x38;
	[tilespmem:$0x1C800] =	vst v63  }
0x204: {  	_ =	swait.ge [sflag:s28], $0x4000  }
0x205: {  	[sflag:s28] =	ssyncset.done $0x0  }
0x206: {  	[sflag:s28] =	ssyncadd.s32 $0xFFFFC000  }
0x207: {  	v3 =	vld [tilespmem:$0x280];
	_ =	sdelay $0x4  }
0x208: {  	v32 =	vshll.u32 v3, $0x1  }
0x209: {  	v3 =	vand.u32 $0x7, v3;
	v4 =	vand.u32 $0xFFFFFFF0, v32  }
0x20a: {  	v3 =	vor.u32 v3, v4  }
0x20b: {  	v4 =	vperm.xlane v3, v0;
	_ =	sdelay $0x1  }
0x20c: {  	v3 =	vperm.xlane v3, v2;
	v4 =	vadd.s32 v1, v4;
	_ =	sdelay $0x1  }
0x20d: {  	v3 =	vadd.s32 v1, v3;
	_ =	sdelay $0x2  }
0x20e: {  	[tilespmem:s2], [sflag:$0x4] =	stream.indirect_vreg.gather [hbm4b:s1+s3], $0x80, v4, vm0, $0xb8;
	[tilespmem:$0x1C800] =	vst v63  }
0x20f: {  	s9 =	simm.s32 $0xD000  }
0x210: {  	[tilespmem:s9], [sflag:$0x4] =	stream.indirect_vreg.gather [hbm4b:s1+s3], $0x80, v3, vm0, $0xb8;
	[tilespmem:$0x1C800] =	vst v63  }
0x211: {  	v3 =	vld [tilespmem:$0x290];
	_ =	sdelay $0x4  }
0x212: {  	v33 =	vshll.u32 v3, $0x1  }
0x213: {  	v3 =	vand.u32 $0x7, v3;
	v4 =	vand.u32 $0xFFFFFFF0, v33  }
0x214: {  	v3 =	vor.u32 v3, v4  }
0x215: {  	v4 =	vperm.xlane v3, v0;
	_ =	sdelay $0x1  }
0x216: {  	v3 =	vperm.xlane v3, v2;
	v4 =	vadd.s32 v1, v4;
	_ =	sdelay $0x1  }
0x217: {  	v3 =	vadd.s32 v1, v3;
	_ =	sdelay $0x1  }
0x218: {  	s10 =	simm.s32 $0xD800  }
0x219: {  	[tilespmem:s10], [sflag:$0x4] =	stream.indirect_vreg.gather [hbm4b:s1+s3], $0x80, v4, vm0, $0xb8;
	[tilespmem:$0x1C800] =	vst v63  }
0x21a: {  	s11 =	simm.s32 $0xE000  }
0x21b: {  	[tilespmem:s11], [sflag:$0x4] =	stream.indirect_vreg.gather [hbm4b:s1+s3], $0x80, v3, vm0, $0xb8;
	[tilespmem:$0x1C800] =	vst v63  }
0x21c: {  	v3 =	vld [tilespmem:$0x2A0];
	_ =	sdelay $0x4  }
0x21d: {  	v34 =	vshll.u32 v3, $0x1  }
0x21e: {  	v3 =	vand.u32 $0x7, v3;
	v4 =	vand.u32 $0xFFFFFFF0, v34  }
0x21f: {  	v3 =	vor.u32 v3, v4  }
0x220: {  	v4 =	vperm.xlane v3, v0;
	_ =	sdelay $0x1  }
0x221: {  	v3 =	vperm.xlane v3, v2;
	v4 =	vadd.s32 v1, v4;
	_ =	sdelay $0x1  }
0x222: {  	v3 =	vadd.s32 v1, v3;
	_ =	sdelay $0x1  }
0x223: {  	s13 =	simm.s32 $0xE800  }
0x224: {  	[tilespmem:s13], [sflag:$0x4] =	stream.indirect_vreg.gather [hbm4b:s1+s3], $0x80, v4, vm0, $0xb8;
	[tilespmem:$0x1C800] =	vst v63  }
0x225: {  	s10 =	simm.s32 $0xF000  }
0x226: {  	[tilespmem:s10], [sflag:$0x4] =	stream.indirect_vreg.gather [hbm4b:s1+s3], $0x80, v3, vm0, $0xb8;
	[tilespmem:$0x1C800] =	vst v63  }
0x227: {  	v3 =	vld [tilespmem:$0x2B0];
	_ =	sdelay $0x4  }
0x228: {  	v35 =	vshll.u32 v3, $0x1  }
0x229: {  	v3 =	vand.u32 $0x7, v3;
	v4 =	vand.u32 $0xFFFFFFF0, v35  }
0x22a: {  	v3 =	vor.u32 v3, v4  }
0x22b: {  	v4 =	vperm.xlane v3, v0;
	_ =	sdelay $0x1  }
0x22c: {  	v3 =	vperm.xlane v3, v2;
	v4 =	vadd.s32 v1, v4;
	_ =	sdelay $0x1  }
0x22d: {  	v3 =	vadd.s32 v1, v3;
	_ =	sdelay $0x1  }
0x22e: {  	s13 =	simm.s32 $0xF800  }
0x22f: {  	[tilespmem:s13], [sflag:$0x4] =	stream.indirect_vreg.gather [hbm4b:s1+s3], $0x80, v4, vm0, $0xb8;
	[tilespmem:$0x1C800] =	vst v63  }
0x230: {  	s0 =	simm.s32 $0x10000  }
0x231: {  	[tilespmem:s0], [sflag:$0x4] =	stream.indirect_vreg.gather [hbm4b:s1+s3], $0x80, v3, vm0, $0xb8;
	[tilespmem:$0x1C800] =	vst v63  }
0x232: {  	_ =	swait.ge [sflag:s12], $0x4000  }
0x233: {  	[sflag:s12] =	ssyncset.done $0x0  }
0x234: {  	s0 =	rddreg [dreg:$0xb];
	[sflag:s12] =	ssyncadd.s32 $0xFFFFC000  }
0x235: {  	[hbm4b:s0+s3] =	stream.linear.scatter [tilespmem:s4], [sflag:$0x8], $0x4000, $0x38;
	[tilespmem:$0x1C800] =	vst v63  }
0x236: {  	_ =	swait.ge [sflag:s29], $0x4000  }
0x237: {  	[sflag:s29] =	ssyncset.done $0x0  }
0x238: {  	[sflag:s29] =	ssyncadd.s32 $0xFFFFC000  }
0x239: {  	v3 =	vld [tilespmem:$0x2C0];
	_ =	sdelay $0x4  }
0x23a: {  	v36 =	vshll.u32 v3, $0x1  }
0x23b: {  	v3 =	vand.u32 $0x7, v3;
	v4 =	vand.u32 $0xFFFFFFF0, v36  }
0x23c: {  	v3 =	vor.u32 v3, v4  }
0x23d: {  	v4 =	vperm.xlane v3, v0;
	_ =	sdelay $0x1  }
0x23e: {  	v3 =	vperm.xlane v3, v2;
	v4 =	vadd.s32 v1, v4;
	_ =	sdelay $0x1  }
0x23f: {  	v3 =	vadd.s32 v1, v3;
	_ =	sdelay $0x2  }
0x240: {  	[tilespmem:s16], [sflag:$0x5] =	stream.indirect_vreg.gather [hbm4b:s1+s3], $0x80, v4, vm0, $0xb8;
	[tilespmem:$0x1C800] =	vst v63  }
0x241: {  	s0 =	simm.s32 $0x11000  }
0x242: {  	[tilespmem:s0], [sflag:$0x5] =	stream.indirect_vreg.gather [hbm4b:s1+s3], $0x80, v3, vm0, $0xb8;
	[tilespmem:$0x1C800] =	vst v63  }
0x243: {  	v3 =	vld [tilespmem:$0x2D0];
	_ =	sdelay $0x4  }
0x244: {  	v37 =	vshll.u32 v3, $0x1  }
0x245: {  	v3 =	vand.u32 $0x7, v3;
	v4 =	vand.u32 $0xFFFFFFF0, v37  }
0x246: {  	v3 =	vor.u32 v3, v4  }
0x247: {  	v4 =	vperm.xlane v3, v0;
	_ =	sdelay $0x1  }
0x248: {  	v3 =	vperm.xlane v3, v2;
	v4 =	vadd.s32 v1, v4;
	_ =	sdelay $0x1  }
0x249: {  	v3 =	vadd.s32 v1, v3;
	_ =	sdelay $0x1  }
0x24a: {  	s0 =	simm.s32 $0x11800  }
0x24b: {  	[tilespmem:s0], [sflag:$0x5] =	stream.indirect_vreg.gather [hbm4b:s1+s3], $0x80, v4, vm0, $0xb8;
	[tilespmem:$0x1C800] =	vst v63  }
0x24c: {  	s0 =	simm.s32 $0x12000  }
0x24d: {  	[tilespmem:s0], [sflag:$0x5] =	stream.indirect_vreg.gather [hbm4b:s1+s3], $0x80, v3, vm0, $0xb8;
	[tilespmem:$0x1C800] =	vst v63  }
0x24e: {  	v3 =	vld [tilespmem:$0x2E0];
	_ =	sdelay $0x4  }
0x24f: {  	v38 =	vshll.u32 v3, $0x1  }
0x250: {  	v3 =	vand.u32 $0x7, v3;
	v4 =	vand.u32 $0xFFFFFFF0, v38  }
0x251: {  	v3 =	vor.u32 v3, v4  }
0x252: {  	v4 =	vperm.xlane v3, v0;
	_ =	sdelay $0x1  }
0x253: {  	v3 =	vperm.xlane v3, v2;
	v4 =	vadd.s32 v1, v4;
	_ =	sdelay $0x1  }
0x254: {  	v3 =	vadd.s32 v1, v3;
	_ =	sdelay $0x1  }
0x255: {  	s0 =	simm.s32 $0x12800  }
0x256: {  	[tilespmem:s0], [sflag:$0x5] =	stream.indirect_vreg.gather [hbm4b:s1+s3], $0x80, v4, vm0, $0xb8;
	[tilespmem:$0x1C800] =	vst v63  }
0x257: {  	s0 =	simm.s32 $0x13000  }
0x258: {  	[tilespmem:s0], [sflag:$0x5] =	stream.indirect_vreg.gather [hbm4b:s1+s3], $0x80, v3, vm0, $0xb8;
	[tilespmem:$0x1C800] =	vst v63  }
0x259: {  	v3 =	vld [tilespmem:$0x2F0];
	_ =	sdelay $0x4  }
0x25a: {  	v39 =	vshll.u32 v3, $0x1  }
0x25b: {  	v3 =	vand.u32 $0x7, v3;
	v4 =	vand.u32 $0xFFFFFFF0, v39  }
0x25c: {  	v3 =	vor.u32 v3, v4  }
0x25d: {  	v4 =	vperm.xlane v3, v0;
	_ =	sdelay $0x1  }
0x25e: {  	v3 =	vperm.xlane v3, v2;
	v4 =	vadd.s32 v1, v4;
	_ =	sdelay $0x1  }
0x25f: {  	v3 =	vadd.s32 v1, v3;
	_ =	sdelay $0x1  }
0x260: {  	s0 =	simm.s32 $0x13800  }
0x261: {  	[tilespmem:s0], [sflag:$0x5] =	stream.indirect_vreg.gather [hbm4b:s1+s3], $0x80, v4, vm0, $0xb8;
	[tilespmem:$0x1C800] =	vst v63  }
0x262: {  	s0 =	simm.s32 $0x14000  }
0x263: {  	[tilespmem:s0], [sflag:$0x5] =	stream.indirect_vreg.gather [hbm4b:s1+s3], $0x80, v3, vm0, $0xb8;
	[tilespmem:$0x1C800] =	vst v63  }
0x264: {  	_ =	swait.ge [sflag:s14], $0x4000  }
0x265: {  	[sflag:s14] =	ssyncset.done $0x0  }
0x266: {  	s0 =	rddreg [dreg:$0xc];
	[sflag:s14] =	ssyncadd.s32 $0xFFFFC000  }
0x267: {  	[hbm4b:s0+s3] =	stream.linear.scatter [tilespmem:s15], [sflag:$0x9], $0x4000, $0x38;
	[tilespmem:$0x1C800] =	vst v63  }
0x268: {  	_ =	swait.ge [sflag:s30], $0x4000  }
0x269: {  	[sflag:s30] =	ssyncset.done $0x0  }
0x26a: {  	[sflag:s30] =	ssyncadd.s32 $0xFFFFC000  }
0x26b: {  	v3 =	vld [tilespmem:$0x300];
	_ =	sdelay $0x4  }
0x26c: {  	v40 =	vshll.u32 v3, $0x1  }
0x26d: {  	v3 =	vand.u32 $0x7, v3;
	v4 =	vand.u32 $0xFFFFFFF0, v40  }
0x26e: {  	v3 =	vor.u32 v3, v4  }
0x26f: {  	v4 =	vperm.xlane v3, v0;
	_ =	sdelay $0x1  }
0x270: {  	v3 =	vperm.xlane v3, v2;
	v4 =	vadd.s32 v1, v4;
	_ =	sdelay $0x1  }
0x271: {  	v3 =	vadd.s32 v1, v3;
	_ =	sdelay $0x2  }
0x272: {  	[tilespmem:s18], [sflag:$0x6] =	stream.indirect_vreg.gather [hbm4b:s1+s3], $0x80, v4, vm0, $0xb8;
	[tilespmem:$0x1C800] =	vst v63  }
0x273: {  	s0 =	simm.s32 $0x15000  }
0x274: {  	[tilespmem:s0], [sflag:$0x6] =	stream.indirect_vreg.gather [hbm4b:s1+s3], $0x80, v3, vm0, $0xb8;
	[tilespmem:$0x1C800] =	vst v63  }
0x275: {  	v3 =	vld [tilespmem:$0x310];
	_ =	sdelay $0x4  }
0x276: {  	v41 =	vshll.u32 v3, $0x1  }
0x277: {  	v3 =	vand.u32 $0x7, v3;
	v4 =	vand.u32 $0xFFFFFFF0, v41  }
0x278: {  	v3 =	vor.u32 v3, v4  }
0x279: {  	v4 =	vperm.xlane v3, v0;
	_ =	sdelay $0x1  }
0x27a: {  	v3 =	vperm.xlane v3, v2;
	v4 =	vadd.s32 v1, v4;
	_ =	sdelay $0x1  }
0x27b: {  	v3 =	vadd.s32 v1, v3;
	_ =	sdelay $0x1  }
0x27c: {  	s0 =	simm.s32 $0x15800  }
0x27d: {  	[tilespmem:s0], [sflag:$0x6] =	stream.indirect_vreg.gather [hbm4b:s1+s3], $0x80, v4, vm0, $0xb8;
	[tilespmem:$0x1C800] =	vst v63  }
0x27e: {  	s0 =	simm.s32 $0x16000  }
0x27f: {  	[tilespmem:s0], [sflag:$0x6] =	stream.indirect_vreg.gather [hbm4b:s1+s3], $0x80, v3, vm0, $0xb8;
	[tilespmem:$0x1C800] =	vst v63  }
0x280: {  	v3 =	vld [tilespmem:$0x320];
	_ =	sdelay $0x4  }
0x281: {  	v42 =	vshll.u32 v3, $0x1  }
0x282: {  	v3 =	vand.u32 $0x7, v3;
	v4 =	vand.u32 $0xFFFFFFF0, v42  }
0x283: {  	v3 =	vor.u32 v3, v4  }
0x284: {  	v4 =	vperm.xlane v3, v0;
	_ =	sdelay $0x1  }
0x285: {  	v3 =	vperm.xlane v3, v2;
	v4 =	vadd.s32 v1, v4;
	_ =	sdelay $0x1  }
0x286: {  	v3 =	vadd.s32 v1, v3;
	_ =	sdelay $0x1  }
0x287: {  	s0 =	simm.s32 $0x16800  }
0x288: {  	[tilespmem:s0], [sflag:$0x6] =	stream.indirect_vreg.gather [hbm4b:s1+s3], $0x80, v4, vm0, $0xb8;
	[tilespmem:$0x1C800] =	vst v63  }
0x289: {  	s0 =	simm.s32 $0x17000  }
0x28a: {  	[tilespmem:s0], [sflag:$0x6] =	stream.indirect_vreg.gather [hbm4b:s1+s3], $0x80, v3, vm0, $0xb8;
	[tilespmem:$0x1C800] =	vst v63  }
0x28b: {  	v3 =	vld [tilespmem:$0x330];
	_ =	sdelay $0x4  }
0x28c: {  	v43 =	vshll.u32 v3, $0x1  }
0x28d: {  	v3 =	vand.u32 $0x7, v3;
	v4 =	vand.u32 $0xFFFFFFF0, v43  }
0x28e: {  	v3 =	vor.u32 v3, v4  }
0x28f: {  	v4 =	vperm.xlane v3, v0;
	_ =	sdelay $0x1  }
0x290: {  	v3 =	vperm.xlane v3, v2;
	v4 =	vadd.s32 v1, v4;
	_ =	sdelay $0x1  }
0x291: {  	v3 =	vadd.s32 v1, v3;
	_ =	sdelay $0x1  }
0x292: {  	s0 =	simm.s32 $0x17800  }
0x293: {  	[tilespmem:s0], [sflag:$0x6] =	stream.indirect_vreg.gather [hbm4b:s1+s3], $0x80, v4, vm0, $0xb8;
	[tilespmem:$0x1C800] =	vst v63  }
0x294: {  	s0 =	simm.s32 $0x18000  }
0x295: {  	[tilespmem:s0], [sflag:$0x6] =	stream.indirect_vreg.gather [hbm4b:s1+s3], $0x80, v3, vm0, $0xb8;
	[tilespmem:$0x1C800] =	vst v63  }
0x296: {  	_ =	swait.ge [sflag:s17], $0x4000  }
0x297: {  	[sflag:s17] =	ssyncset.done $0x0  }
0x298: {  	s0 =	rddreg [dreg:$0xd];
	[sflag:s17] =	ssyncadd.s32 $0xFFFFC000  }
0x299: {  	[hbm4b:s0+s3] =	stream.linear.scatter [tilespmem:s23], [sflag:$0xA], $0x4000, $0x38;
	[tilespmem:$0x1C800] =	vst v63  }
0x29a: {  	_ =	swait.ge [sflag:s31], $0x4000  }
0x29b: {  	[sflag:s31] =	ssyncset.done $0x0  }
0x29c: {  	[sflag:s31] =	ssyncadd.s32 $0xFFFFC000  }
0x29d: {  	v3 =	vld [tilespmem:$0x340];
	_ =	sdelay $0x4  }
0x29e: {  	v44 =	vshll.u32 v3, $0x1  }
0x29f: {  	v3 =	vand.u32 $0x7, v3;
	v4 =	vand.u32 $0xFFFFFFF0, v44  }
0x2a0: {  	v3 =	vor.u32 v3, v4  }
0x2a1: {  	v4 =	vperm.xlane v3, v0;
	_ =	sdelay $0x1  }
0x2a2: {  	v3 =	vperm.xlane v3, v2;
	v4 =	vadd.s32 v1, v4;
	_ =	sdelay $0x1  }
0x2a3: {  	v3 =	vadd.s32 v1, v3;
	_ =	sdelay $0x2  }
0x2a4: {  	[tilespmem:s7], [sflag:$0x7] =	stream.indirect_vreg.gather [hbm4b:s1+s3], $0x80, v4, vm0, $0xb8;
	[tilespmem:$0x1C800] =	vst v63  }
0x2a5: {  	s0 =	simm.s32 $0x19000  }
0x2a6: {  	[tilespmem:s0], [sflag:$0x7] =	stream.indirect_vreg.gather [hbm4b:s1+s3], $0x80, v3, vm0, $0xb8;
	[tilespmem:$0x1C800] =	vst v63  }
0x2a7: {  	v3 =	vld [tilespmem:$0x350];
	_ =	sdelay $0x4  }
0x2a8: {  	v45 =	vshll.u32 v3, $0x1  }
0x2a9: {  	v3 =	vand.u32 $0x7, v3;
	v4 =	vand.u32 $0xFFFFFFF0, v45  }
0x2aa: {  	v3 =	vor.u32 v3, v4  }
0x2ab: {  	v4 =	vperm.xlane v3, v0;
	_ =	sdelay $0x1  }
0x2ac: {  	v3 =	vperm.xlane v3, v2;
	v4 =	vadd.s32 v1, v4;
	_ =	sdelay $0x1  }
0x2ad: {  	v3 =	vadd.s32 v1, v3;
	_ =	sdelay $0x1  }
0x2ae: {  	s0 =	simm.s32 $0x19800  }
0x2af: {  	[tilespmem:s0], [sflag:$0x7] =	stream.indirect_vreg.gather [hbm4b:s1+s3], $0x80, v4, vm0, $0xb8;
	[tilespmem:$0x1C800] =	vst v63  }
0x2b0: {  	s0 =	simm.s32 $0x1A000  }
0x2b1: {  	[tilespmem:s0], [sflag:$0x7] =	stream.indirect_vreg.gather [hbm4b:s1+s3], $0x80, v3, vm0, $0xb8;
	[tilespmem:$0x1C800] =	vst v63  }
0x2b2: {  	v3 =	vld [tilespmem:$0x360];
	_ =	sdelay $0x4  }
0x2b3: {  	v46 =	vshll.u32 v3, $0x1  }
0x2b4: {  	v3 =	vand.u32 $0x7, v3;
	v4 =	vand.u32 $0xFFFFFFF0, v46  }
0x2b5: {  	v3 =	vor.u32 v3, v4  }
0x2b6: {  	v4 =	vperm.xlane v3, v0;
	_ =	sdelay $0x1  }
0x2b7: {  	v3 =	vperm.xlane v3, v2;
	v4 =	vadd.s32 v1, v4;
	_ =	sdelay $0x1  }
0x2b8: {  	v3 =	vadd.s32 v1, v3;
	_ =	sdelay $0x1  }
0x2b9: {  	s0 =	simm.s32 $0x1A800  }
0x2ba: {  	[tilespmem:s0], [sflag:$0x7] =	stream.indirect_vreg.gather [hbm4b:s1+s3], $0x80, v4, vm0, $0xb8;
	[tilespmem:$0x1C800] =	vst v63  }
0x2bb: {  	s0 =	simm.s32 $0x1B000  }
0x2bc: {  	[tilespmem:s0], [sflag:$0x7] =	stream.indirect_vreg.gather [hbm4b:s1+s3], $0x80, v3, vm0, $0xb8;
	[tilespmem:$0x1C800] =	vst v63  }
0x2bd: {  	v3 =	vld [tilespmem:$0x370];
	_ =	sdelay $0x4  }
0x2be: {  	v47 =	vshll.u32 v3, $0x1  }
0x2bf: {  	v3 =	vand.u32 $0x7, v3;
	v4 =	vand.u32 $0xFFFFFFF0, v47  }
0x2c0: {  	v3 =	vor.u32 v3, v4  }
0x2c1: {  	v4 =	vperm.xlane v3, v0;
	_ =	sdelay $0x1  }
0x2c2: {  	v3 =	vperm.xlane v3, v2;
	v4 =	vadd.s32 v1, v4;
	_ =	sdelay $0x1  }
0x2c3: {  	v3 =	vadd.s32 v1, v3;
	_ =	sdelay $0x1  }
0x2c4: {  	s0 =	simm.s32 $0x1B800  }
0x2c5: {  	[tilespmem:s0], [sflag:$0x7] =	stream.indirect_vreg.gather [hbm4b:s1+s3], $0x80, v4, vm0, $0xb8;
	[tilespmem:$0x1C800] =	vst v63  }
0x2c6: {  	s0 =	simm.s32 $0x1C000  }
0x2c7: {  	[tilespmem:s0], [sflag:$0x7] =	stream.indirect_vreg.gather [hbm4b:s1+s3], $0x80, v3, vm0, $0xb8;
	[tilespmem:$0x1C800] =	vst v63  }
0x2c8: {  	_ =	swait.ge [sflag:s19], $0x4000  }
0x2c9: {  	[sflag:s19] =	ssyncset.done $0x0  }
0x2ca: {  	s0 =	rddreg [dreg:$0xe];
	[sflag:s19] =	ssyncadd.s32 $0xFFFFC000  }
0x2cb: {  	[hbm4b:s0+s3] =	stream.linear.scatter [tilespmem:s2], [sflag:$0xB], $0x4000, $0x38;
	[tilespmem:$0x1C800] =	vst v63  }
0x2cc: {  	_ =	swait.ge [sflag:s20], $0x4000  }
0x2cd: {  	[sflag:s20] =	ssyncset.done $0x0  }
0x2ce: {  	[sflag:s20] =	ssyncadd.s32 $0xFFFFC000  }
0x2cf: {  	v3 =	vld [tilespmem:$0x380];
	_ =	sdelay $0x4  }
0x2d0: {  	v48 =	vshll.u32 v3, $0x1  }
0x2d1: {  	v3 =	vand.u32 $0x7, v3;
	v4 =	vand.u32 $0xFFFFFFF0, v48  }
0x2d2: {  	v3 =	vor.u32 v3, v4  }
0x2d3: {  	v4 =	vperm.xlane v3, v0;
	_ =	sdelay $0x1  }
0x2d4: {  	v3 =	vperm.xlane v3, v2;
	v4 =	vadd.s32 v1, v4;
	_ =	sdelay $0x1  }
0x2d5: {  	v3 =	vadd.s32 v1, v3;
	_ =	sdelay $0x2  }
0x2d6: {  	[tilespmem:s4], [sflag:$0x1] =	stream.indirect_vreg.gather [hbm4b:s1+s3], $0x80, v4, vm0, $0xb8;
	[tilespmem:$0x1C800] =	vst v63  }
0x2d7: {  	s0 =	simm.s32 $0x1000  }
0x2d8: {  	[tilespmem:s0], [sflag:$0x1] =	stream.indirect_vreg.gather [hbm4b:s1+s3], $0x80, v3, vm0, $0xb8;
	[tilespmem:$0x1C800] =	vst v63  }
0x2d9: {  	v3 =	vld [tilespmem:$0x390];
	_ =	sdelay $0x4  }
0x2da: {  	v49 =	vshll.u32 v3, $0x1  }
0x2db: {  	v3 =	vand.u32 $0x7, v3;
	v4 =	vand.u32 $0xFFFFFFF0, v49  }
0x2dc: {  	v3 =	vor.u32 v3, v4  }
0x2dd: {  	v4 =	vperm.xlane v3, v0;
	_ =	sdelay $0x1  }
0x2de: {  	v3 =	vperm.xlane v3, v2;
	v4 =	vadd.s32 v1, v4;
	_ =	sdelay $0x1  }
0x2df: {  	v3 =	vadd.s32 v1, v3;
	_ =	sdelay $0x1  }
0x2e0: {  	s0 =	simm.s32 $0x1800  }
0x2e1: {  	[tilespmem:s0], [sflag:$0x1] =	stream.indirect_vreg.gather [hbm4b:s1+s3], $0x80, v4, vm0, $0xb8;
	[tilespmem:$0x1C800] =	vst v63  }
0x2e2: {  	s0 =	simm.s32 $0x2000  }
0x2e3: {  	[tilespmem:s0], [sflag:$0x1] =	stream.indirect_vreg.gather [hbm4b:s1+s3], $0x80, v3, vm0, $0xb8;
	[tilespmem:$0x1C800] =	vst v63  }
0x2e4: {  	v3 =	vld [tilespmem:$0x3A0];
	_ =	sdelay $0x4  }
0x2e5: {  	v50 =	vshll.u32 v3, $0x1  }
0x2e6: {  	v3 =	vand.u32 $0x7, v3;
	v4 =	vand.u32 $0xFFFFFFF0, v50  }
0x2e7: {  	v3 =	vor.u32 v3, v4  }
0x2e8: {  	v4 =	vperm.xlane v3, v0;
	_ =	sdelay $0x1  }
0x2e9: {  	v3 =	vperm.xlane v3, v2;
	v4 =	vadd.s32 v1, v4;
	_ =	sdelay $0x1  }
0x2ea: {  	v3 =	vadd.s32 v1, v3;
	_ =	sdelay $0x1  }
0x2eb: {  	s0 =	simm.s32 $0x2800  }
0x2ec: {  	[tilespmem:s0], [sflag:$0x1] =	stream.indirect_vreg.gather [hbm4b:s1+s3], $0x80, v4, vm0, $0xb8;
	[tilespmem:$0x1C800] =	vst v63  }
0x2ed: {  	s0 =	simm.s32 $0x3000  }
0x2ee: {  	[tilespmem:s0], [sflag:$0x1] =	stream.indirect_vreg.gather [hbm4b:s1+s3], $0x80, v3, vm0, $0xb8;
	[tilespmem:$0x1C800] =	vst v63  }
0x2ef: {  	v3 =	vld [tilespmem:$0x3B0];
	_ =	sdelay $0x4  }
0x2f0: {  	v51 =	vshll.u32 v3, $0x1  }
0x2f1: {  	v3 =	vand.u32 $0x7, v3;
	v4 =	vand.u32 $0xFFFFFFF0, v51  }
0x2f2: {  	v3 =	vor.u32 v3, v4  }
0x2f3: {  	v4 =	vperm.xlane v3, v0;
	_ =	sdelay $0x1  }
0x2f4: {  	v3 =	vperm.xlane v3, v2;
	v4 =	vadd.s32 v1, v4;
	_ =	sdelay $0x1  }
0x2f5: {  	v3 =	vadd.s32 v1, v3;
	_ =	sdelay $0x1  }
0x2f6: {  	s0 =	simm.s32 $0x3800  }
0x2f7: {  	[tilespmem:s0], [sflag:$0x1] =	stream.indirect_vreg.gather [hbm4b:s1+s3], $0x80, v4, vm0, $0xb8;
	[tilespmem:$0x1C800] =	vst v63  }
0x2f8: {  	s0 =	simm.s32 $0x4000  }
0x2f9: {  	[tilespmem:s0], [sflag:$0x1] =	stream.indirect_vreg.gather [hbm4b:s1+s3], $0x80, v3, vm0, $0xb8;
	[tilespmem:$0x1C800] =	vst v63  }
0x2fa: {  	_ =	swait.ge [sflag:s21], $0x4000  }
0x2fb: {  	[sflag:s21] =	ssyncset.done $0x0  }
0x2fc: {  	s0 =	rddreg [dreg:$0xf];
	[sflag:s21] =	ssyncadd.s32 $0xFFFFC000  }
0x2fd: {  	[hbm4b:s0+s3] =	stream.linear.scatter [tilespmem:s16], [sflag:$0xC], $0x4000, $0x38;
	[tilespmem:$0x1C800] =	vst v63  }
0x2fe: {  	_ =	swait.ge [sflag:s22], $0x4000  }
0x2ff: {  	[sflag:s22] =	ssyncset.done $0x0  }
0x300: {  	[sflag:s22] =	ssyncadd.s32 $0xFFFFC000  }
0x301: {  	v3 =	vld [tilespmem:$0x3C0];
	_ =	sdelay $0x4  }
0x302: {  	v52 =	vshll.u32 v3, $0x1  }
0x303: {  	v3 =	vand.u32 $0x7, v3;
	v4 =	vand.u32 $0xFFFFFFF0, v52  }
0x304: {  	v3 =	vor.u32 v3, v4  }
0x305: {  	v4 =	vperm.xlane v3, v0;
	_ =	sdelay $0x1  }
0x306: {  	v3 =	vperm.xlane v3, v2;
	v4 =	vadd.s32 v1, v4;
	_ =	sdelay $0x1  }
0x307: {  	v3 =	vadd.s32 v1, v3;
	_ =	sdelay $0x2  }
0x308: {  	[tilespmem:s15], [sflag:$0x2] =	stream.indirect_vreg.gather [hbm4b:s1+s3], $0x80, v4, vm0, $0xb8;
	[tilespmem:$0x1C800] =	vst v63  }
0x309: {  	s0 =	simm.s32 $0x5000  }
0x30a: {  	[tilespmem:s0], [sflag:$0x2] =	stream.indirect_vreg.gather [hbm4b:s1+s3], $0x80, v3, vm0, $0xb8;
	[tilespmem:$0x1C800] =	vst v63  }
0x30b: {  	v3 =	vld [tilespmem:$0x3D0];
	_ =	sdelay $0x4  }
0x30c: {  	v53 =	vshll.u32 v3, $0x1  }
0x30d: {  	v3 =	vand.u32 $0x7, v3;
	v4 =	vand.u32 $0xFFFFFFF0, v53  }
0x30e: {  	v3 =	vor.u32 v3, v4  }
0x30f: {  	v4 =	vperm.xlane v3, v0;
	_ =	sdelay $0x1  }
0x310: {  	v3 =	vperm.xlane v3, v2;
	v4 =	vadd.s32 v1, v4;
	_ =	sdelay $0x1  }
0x311: {  	v3 =	vadd.s32 v1, v3;
	_ =	sdelay $0x1  }
0x312: {  	s0 =	simm.s32 $0x5800  }
0x313: {  	[tilespmem:s0], [sflag:$0x2] =	stream.indirect_vreg.gather [hbm4b:s1+s3], $0x80, v4, vm0, $0xb8;
	[tilespmem:$0x1C800] =	vst v63  }
0x314: {  	s0 =	simm.s32 $0x6000  }
0x315: {  	[tilespmem:s0], [sflag:$0x2] =	stream.indirect_vreg.gather [hbm4b:s1+s3], $0x80, v3, vm0, $0xb8;
	[tilespmem:$0x1C800] =	vst v63  }
0x316: {  	v3 =	vld [tilespmem:$0x3E0];
	_ =	sdelay $0x4  }
0x317: {  	v54 =	vshll.u32 v3, $0x1  }
0x318: {  	v3 =	vand.u32 $0x7, v3;
	v4 =	vand.u32 $0xFFFFFFF0, v54  }
0x319: {  	v3 =	vor.u32 v3, v4  }
0x31a: {  	v4 =	vperm.xlane v3, v0;
	_ =	sdelay $0x1  }
0x31b: {  	v3 =	vperm.xlane v3, v2;
	v4 =	vadd.s32 v1, v4;
	_ =	sdelay $0x1  }
0x31c: {  	v3 =	vadd.s32 v1, v3;
	_ =	sdelay $0x1  }
0x31d: {  	s0 =	simm.s32 $0x6800  }
0x31e: {  	[tilespmem:s0], [sflag:$0x2] =	stream.indirect_vreg.gather [hbm4b:s1+s3], $0x80, v4, vm0, $0xb8;
	[tilespmem:$0x1C800] =	vst v63  }
0x31f: {  	s0 =	simm.s32 $0x7000  }
0x320: {  	[tilespmem:s0], [sflag:$0x2] =	stream.indirect_vreg.gather [hbm4b:s1+s3], $0x80, v3, vm0, $0xb8;
	[tilespmem:$0x1C800] =	vst v63  }
0x321: {  	v3 =	vld [tilespmem:$0x3F0];
	_ =	sdelay $0x4  }
0x322: {  	v55 =	vshll.u32 v3, $0x1  }
0x323: {  	v3 =	vand.u32 $0x7, v3;
	v4 =	vand.u32 $0xFFFFFFF0, v55  }
0x324: {  	v3 =	vor.u32 v3, v4  }
0x325: {  	v4 =	vperm.xlane v3, v0;
	_ =	sdelay $0x1  }
0x326: {  	v3 =	vperm.xlane v3, v2;
	v4 =	vadd.s32 v1, v4;
	_ =	sdelay $0x1  }
0x327: {  	v3 =	vadd.s32 v1, v3;
	_ =	sdelay $0x1  }
0x328: {  	s0 =	simm.s32 $0x7800  }
0x329: {  	[tilespmem:s0], [sflag:$0x2] =	stream.indirect_vreg.gather [hbm4b:s1+s3], $0x80, v4, vm0, $0xb8;
	[tilespmem:$0x1C800] =	vst v63  }
0x32a: {  	s0 =	simm.s32 $0x8000  }
0x32b: {  	[tilespmem:s0], [sflag:$0x2] =	stream.indirect_vreg.gather [hbm4b:s1+s3], $0x80, v3, vm0, $0xb8;
	[tilespmem:$0x1C800] =	vst v63  }
0x32c: {  	_ =	swait.ge [sflag:s24], $0x4000  }
0x32d: {  	[sflag:s24] =	ssyncset.done $0x0  }
0x32e: {  	s0 =	rddreg [dreg:$0x10];
	[sflag:s24] =	ssyncadd.s32 $0xFFFFC000  }
0x32f: {  	[hbm4b:s0+s3] =	stream.linear.scatter [tilespmem:s18], [sflag:$0xD], $0x4000, $0x38;
	[tilespmem:$0x1C800] =	vst v63  }
0x330: {  	_ =	swait.ge [sflag:s25], $0x4000  }
0x331: {  	[sflag:s25] =	ssyncset.done $0x0  }
0x332: {  	[sflag:s25] =	ssyncadd.s32 $0xFFFFC000  }
0x333: {  	v3 =	vld [tilespmem:$0x400];
	_ =	sdelay $0x4  }
0x334: {  	v56 =	vshll.u32 v3, $0x1  }
0x335: {  	v3 =	vand.u32 $0x7, v3;
	v4 =	vand.u32 $0xFFFFFFF0, v56  }
0x336: {  	v3 =	vor.u32 v3, v4  }
0x337: {  	v4 =	vperm.xlane v3, v0;
	_ =	sdelay $0x1  }
0x338: {  	v3 =	vperm.xlane v3, v2;
	v4 =	vadd.s32 v1, v4;
	_ =	sdelay $0x1  }
0x339: {  	v3 =	vadd.s32 v1, v3;
	_ =	sdelay $0x2  }
0x33a: {  	[tilespmem:s23], [sflag:$0x3] =	stream.indirect_vreg.gather [hbm4b:s1+s3], $0x80, v4, vm0, $0xb8;
	[tilespmem:$0x1C800] =	vst v63  }
0x33b: {  	s0 =	simm.s32 $0x9000  }
0x33c: {  	[tilespmem:s0], [sflag:$0x3] =	stream.indirect_vreg.gather [hbm4b:s1+s3], $0x80, v3, vm0, $0xb8;
	[tilespmem:$0x1C800] =	vst v63  }
0x33d: {  	v3 =	vld [tilespmem:$0x410];
	_ =	sdelay $0x4  }
0x33e: {  	v57 =	vshll.u32 v3, $0x1  }
0x33f: {  	v3 =	vand.u32 $0x7, v3;
	v4 =	vand.u32 $0xFFFFFFF0, v57  }
0x340: {  	v3 =	vor.u32 v3, v4  }
0x341: {  	v4 =	vperm.xlane v3, v0;
	_ =	sdelay $0x1  }
0x342: {  	v3 =	vperm.xlane v3, v2;
	v4 =	vadd.s32 v1, v4;
	_ =	sdelay $0x1  }
0x343: {  	v3 =	vadd.s32 v1, v3;
	_ =	sdelay $0x1  }
0x344: {  	s0 =	simm.s32 $0x9800  }
0x345: {  	[tilespmem:s0], [sflag:$0x3] =	stream.indirect_vreg.gather [hbm4b:s1+s3], $0x80, v4, vm0, $0xb8;
	[tilespmem:$0x1C800] =	vst v63  }
0x346: {  	s0 =	simm.s32 $0xA000  }
0x347: {  	[tilespmem:s0], [sflag:$0x3] =	stream.indirect_vreg.gather [hbm4b:s1+s3], $0x80, v3, vm0, $0xb8;
	[tilespmem:$0x1C800] =	vst v63  }
0x348: {  	v3 =	vld [tilespmem:$0x420];
	_ =	sdelay $0x4  }
0x349: {  	v58 =	vshll.u32 v3, $0x1  }
0x34a: {  	v3 =	vand.u32 $0x7, v3;
	v4 =	vand.u32 $0xFFFFFFF0, v58  }
0x34b: {  	v3 =	vor.u32 v3, v4  }
0x34c: {  	v4 =	vperm.xlane v3, v0;
	_ =	sdelay $0x1  }
0x34d: {  	v3 =	vperm.xlane v3, v2;
	v4 =	vadd.s32 v1, v4;
	_ =	sdelay $0x1  }
0x34e: {  	v3 =	vadd.s32 v1, v3;
	_ =	sdelay $0x1  }
0x34f: {  	s0 =	simm.s32 $0xA800  }
0x350: {  	[tilespmem:s0], [sflag:$0x3] =	stream.indirect_vreg.gather [hbm4b:s1+s3], $0x80, v4, vm0, $0xb8;
	[tilespmem:$0x1C800] =	vst v63  }
0x351: {  	s0 =	simm.s32 $0xB000  }
0x352: {  	[tilespmem:s0], [sflag:$0x3] =	stream.indirect_vreg.gather [hbm4b:s1+s3], $0x80, v3, vm0, $0xb8;
	[tilespmem:$0x1C800] =	vst v63  }
0x353: {  	v3 =	vld [tilespmem:$0x430];
	_ =	sdelay $0x4  }
0x354: {  	v59 =	vshll.u32 v3, $0x1  }
0x355: {  	v3 =	vand.u32 $0x7, v3;
	v4 =	vand.u32 $0xFFFFFFF0, v59  }
0x356: {  	v3 =	vor.u32 v3, v4  }
0x357: {  	v4 =	vperm.xlane v3, v0;
	_ =	sdelay $0x1  }
0x358: {  	v3 =	vperm.xlane v3, v2;
	v4 =	vadd.s32 v1, v4;
	_ =	sdelay $0x1  }
0x359: {  	v3 =	vadd.s32 v1, v3;
	_ =	sdelay $0x1  }
0x35a: {  	s0 =	simm.s32 $0xB800  }
0x35b: {  	[tilespmem:s0], [sflag:$0x3] =	stream.indirect_vreg.gather [hbm4b:s1+s3], $0x80, v4, vm0, $0xb8;
	[tilespmem:$0x1C800] =	vst v63  }
0x35c: {  	s0 =	simm.s32 $0xC000  }
0x35d: {  	[tilespmem:s0], [sflag:$0x3] =	stream.indirect_vreg.gather [hbm4b:s1+s3], $0x80, v3, vm0, $0xb8;
	[tilespmem:$0x1C800] =	vst v63  }
0x35e: {  	_ =	swait.ge [sflag:s26], $0x4000  }
0x35f: {  	[sflag:s26] =	ssyncset.done $0x0  }
0x360: {  	s0 =	rddreg [dreg:$0x11];
	[sflag:s26] =	ssyncadd.s32 $0xFFFFC000  }
0x361: {  	[hbm4b:s0+s3] =	stream.linear.scatter [tilespmem:s7], [sflag:$0xE], $0x4000, $0x38;
	[tilespmem:$0x1C800] =	vst v63  }
0x362: {  	_ =	swait.ge [sflag:s28], $0x4000  }
0x363: {  	[sflag:s28] =	ssyncset.done $0x0  }
0x364: {  	[sflag:s28] =	ssyncadd.s32 $0xFFFFC000  }
0x365: {  	v3 =	vld [tilespmem:$0x440];
	_ =	sdelay $0x4  }
0x366: {  	v60 =	vshll.u32 v3, $0x1  }
0x367: {  	v3 =	vand.u32 $0x7, v3;
	v4 =	vand.u32 $0xFFFFFFF0, v60  }
0x368: {  	v3 =	vor.u32 v3, v4  }
0x369: {  	v4 =	vperm.xlane v3, v0;
	_ =	sdelay $0x1  }
0x36a: {  	v3 =	vperm.xlane v3, v2;
	v4 =	vadd.s32 v1, v4;
	_ =	sdelay $0x1  }
0x36b: {  	v3 =	vadd.s32 v1, v3;
	_ =	sdelay $0x2  }
0x36c: {  	[tilespmem:s2], [sflag:$0x4] =	stream.indirect_vreg.gather [hbm4b:s1+s3], $0x80, v4, vm0, $0xb8;
	[tilespmem:$0x1C800] =	vst v63  }
0x36d: {  	s6 =	simm.s32 $0xD000  }
0x36e: {  	[tilespmem:s6], [sflag:$0x4] =	stream.indirect_vreg.gather [hbm4b:s1+s3], $0x80, v3, vm0, $0xb8;
	[tilespmem:$0x1C800] =	vst v63  }
0x36f: {  	v3 =	vld [tilespmem:$0x450];
	_ =	sdelay $0x4  }
0x370: {  	v61 =	vshll.u32 v3, $0x1  }
0x371: {  	v3 =	vand.u32 $0x7, v3;
	v4 =	vand.u32 $0xFFFFFFF0, v61  }
0x372: {  	v3 =	vor.u32 v3, v4  }
0x373: {  	v4 =	vperm.xlane v3, v0;
	_ =	sdelay $0x1  }
0x374: {  	v3 =	vperm.xlane v3, v2;
	v4 =	vadd.s32 v1, v4;
	_ =	sdelay $0x1  }
0x375: {  	v3 =	vadd.s32 v1, v3;
	_ =	sdelay $0x1  }
0x376: {  	s9 =	simm.s32 $0xD800  }
0x377: {  	[tilespmem:s9], [sflag:$0x4] =	stream.indirect_vreg.gather [hbm4b:s1+s3], $0x80, v4, vm0, $0xb8;
	[tilespmem:$0x1C800] =	vst v63  }
0x378: {  	s8 =	simm.s32 $0xE000  }
0x379: {  	[tilespmem:s8], [sflag:$0x4] =	stream.indirect_vreg.gather [hbm4b:s1+s3], $0x80, v3, vm0, $0xb8;
	[tilespmem:$0x1C800] =	vst v63  }
0x37a: {  	v3 =	vld [tilespmem:$0x460];
	_ =	sdelay $0x4  }
0x37b: {  	v62 =	vshll.u32 v3, $0x1  }
0x37c: {  	v3 =	vand.u32 $0x7, v3;
	v4 =	vand.u32 $0xFFFFFFF0, v62  }
0x37d: {  	v3 =	vor.u32 v3, v4  }
0x37e: {  	v4 =	vperm.xlane v3, v0;
	_ =	sdelay $0x1  }
0x37f: {  	v3 =	vperm.xlane v3, v2;
	v4 =	vadd.s32 v1, v4;
	_ =	sdelay $0x1  }
0x380: {  	v3 =	vadd.s32 v1, v3;
	_ =	sdelay $0x1  }
0x381: {  	s11 =	simm.s32 $0xE800  }
0x382: {  	[tilespmem:s11], [sflag:$0x4] =	stream.indirect_vreg.gather [hbm4b:s1+s3], $0x80, v4, vm0, $0xb8;
	[tilespmem:$0x1C800] =	vst v63  }
0x383: {  	s10 =	simm.s32 $0xF000  }
0x384: {  	[tilespmem:s10], [sflag:$0x4] =	stream.indirect_vreg.gather [hbm4b:s1+s3], $0x80, v3, vm0, $0xb8;
	[tilespmem:$0x1C800] =	vst v63  }
0x385: {  	v3 =	vld [tilespmem:$0x470];
	_ =	sdelay $0x4  }
0x386: {  	v63 =	vshll.u32 v3, $0x1  }
0x387: {  	v3 =	vand.u32 $0x7, v3;
	v4 =	vand.u32 $0xFFFFFFF0, v63  }
0x388: {  	v3 =	vor.u32 v3, v4  }
0x389: {  	v4 =	vperm.xlane v3, v0;
	_ =	sdelay $0x1  }
0x38a: {  	v3 =	vperm.xlane v3, v2;
	v4 =	vadd.s32 v1, v4;
	_ =	sdelay $0x1  }
0x38b: {  	v3 =	vadd.s32 v1, v3;
	_ =	sdelay $0x1  }
0x38c: {  	s13 =	simm.s32 $0xF800  }
0x38d: {  	[tilespmem:s13], [sflag:$0x4] =	stream.indirect_vreg.gather [hbm4b:s1+s3], $0x80, v4, vm0, $0xb8;
	[tilespmem:$0x1C800] =	vst v63  }
0x38e: {  	s8 =	simm.s32 $0x10000  }
0x38f: {  	[tilespmem:s8], [sflag:$0x4] =	stream.indirect_vreg.gather [hbm4b:s1+s3], $0x80, v3, vm0, $0xb8;
	[tilespmem:$0x1C800] =	vst v63  }
0x390: {  	_ =	swait.ge [sflag:s12], $0x4000  }
0x391: {  	[sflag:s12] =	ssyncset.done $0x0  }
0x392: {  	s9 =	rddreg [dreg:$0x12];
	[sflag:s12] =	ssyncadd.s32 $0xFFFFC000  }
0x393: {  	[hbm4b:s9+s3] =	stream.linear.scatter [tilespmem:s4], [sflag:$0x8], $0x4000, $0x38;
	[tilespmem:$0x1C800] =	vst v63  }
0x394: {  	_ =	swait.ge [sflag:s29], $0x4000  }
0x395: {  	[sflag:s29] =	ssyncset.done $0x0  }
0x396: {  	[sflag:s29] =	ssyncadd.s32 $0xFFFFC000  }
0x397: {  	v3 =	vld [tilespmem:$0x480];
	_ =	sdelay $0x4  }
0x398: {  	v8 =	vshll.u32 v3, $0x1  }
0x399: {  	v3 =	vand.u32 $0x7, v3;
	v4 =	vand.u32 $0xFFFFFFF0, v8  }
0x39a: {  	v3 =	vor.u32 v3, v4  }
0x39b: {  	v4 =	vperm.xlane v3, v0;
	_ =	sdelay $0x1  }
0x39c: {  	v3 =	vperm.xlane v3, v2;
	v4 =	vadd.s32 v1, v4;
	_ =	sdelay $0x1  }
0x39d: {  	v3 =	vadd.s32 v1, v3;
	_ =	sdelay $0x2  }
0x39e: {  	[tilespmem:s16], [sflag:$0x5] =	stream.indirect_vreg.gather [hbm4b:s1+s3], $0x80, v4, vm0, $0xb8;
	[tilespmem:$0x1C800] =	vst v63  }
0x39f: {  	s10 =	simm.s32 $0x11000  }
0x3a0: {  	[tilespmem:s10], [sflag:$0x5] =	stream.indirect_vreg.gather [hbm4b:s1+s3], $0x80, v3, vm0, $0xb8;
	[tilespmem:$0x1C800] =	vst v63  }
0x3a1: {  	v3 =	vld [tilespmem:$0x490];
	_ =	sdelay $0x4  }
0x3a2: {  	v9 =	vshll.u32 v3, $0x1  }
0x3a3: {  	v3 =	vand.u32 $0x7, v3;
	v4 =	vand.u32 $0xFFFFFFF0, v9  }
0x3a4: {  	v3 =	vor.u32 v3, v4  }
0x3a5: {  	v4 =	vperm.xlane v3, v0;
	_ =	sdelay $0x1  }
0x3a6: {  	v3 =	vperm.xlane v3, v2;
	v4 =	vadd.s32 v1, v4;
	_ =	sdelay $0x1  }
0x3a7: {  	v3 =	vadd.s32 v1, v3;
	_ =	sdelay $0x1  }
0x3a8: {  	s11 =	simm.s32 $0x11800  }
0x3a9: {  	[tilespmem:s11], [sflag:$0x5] =	stream.indirect_vreg.gather [hbm4b:s1+s3], $0x80, v4, vm0, $0xb8;
	[tilespmem:$0x1C800] =	vst v63  }
0x3aa: {  	s13 =	simm.s32 $0x12000  }
0x3ab: {  	[tilespmem:s13], [sflag:$0x5] =	stream.indirect_vreg.gather [hbm4b:s1+s3], $0x80, v3, vm0, $0xb8;
	[tilespmem:$0x1C800] =	vst v63  }
0x3ac: {  	v3 =	vld [tilespmem:$0x4A0];
	_ =	sdelay $0x4  }
0x3ad: {  	v10 =	vshll.u32 v3, $0x1  }
0x3ae: {  	v3 =	vand.u32 $0x7, v3;
	v4 =	vand.u32 $0xFFFFFFF0, v10  }
0x3af: {  	v3 =	vor.u32 v3, v4  }
0x3b0: {  	v4 =	vperm.xlane v3, v0;
	_ =	sdelay $0x1  }
0x3b1: {  	v3 =	vperm.xlane v3, v2;
	v4 =	vadd.s32 v1, v4;
	_ =	sdelay $0x1  }
0x3b2: {  	v3 =	vadd.s32 v1, v3;
	_ =	sdelay $0x1  }
0x3b3: {  	s6 =	simm.s32 $0x12800  }
0x3b4: {  	[tilespmem:s6], [sflag:$0x5] =	stream.indirect_vreg.gather [hbm4b:s1+s3], $0x80, v4, vm0, $0xb8;
	[tilespmem:$0x1C800] =	vst v63  }
0x3b5: {  	s8 =	simm.s32 $0x13000  }
0x3b6: {  	[tilespmem:s8], [sflag:$0x5] =	stream.indirect_vreg.gather [hbm4b:s1+s3], $0x80, v3, vm0, $0xb8;
	[tilespmem:$0x1C800] =	vst v63  }
0x3b7: {  	v3 =	vld [tilespmem:$0x4B0];
	_ =	sdelay $0x4  }
0x3b8: {  	v11 =	vshll.u32 v3, $0x1  }
0x3b9: {  	v3 =	vand.u32 $0x7, v3;
	v4 =	vand.u32 $0xFFFFFFF0, v11  }
0x3ba: {  	v3 =	vor.u32 v3, v4  }
0x3bb: {  	v4 =	vperm.xlane v3, v0;
	_ =	sdelay $0x1  }
0x3bc: {  	v3 =	vperm.xlane v3, v2;
	v4 =	vadd.s32 v1, v4;
	_ =	sdelay $0x1  }
0x3bd: {  	v3 =	vadd.s32 v1, v3;
	_ =	sdelay $0x1  }
0x3be: {  	s9 =	simm.s32 $0x13800  }
0x3bf: {  	[tilespmem:s9], [sflag:$0x5] =	stream.indirect_vreg.gather [hbm4b:s1+s3], $0x80, v4, vm0, $0xb8;
	[tilespmem:$0x1C800] =	vst v63  }
0x3c0: {  	s10 =	simm.s32 $0x14000  }
0x3c1: {  	[tilespmem:s10], [sflag:$0x5] =	stream.indirect_vreg.gather [hbm4b:s1+s3], $0x80, v3, vm0, $0xb8;
	[tilespmem:$0x1C800] =	vst v63  }
0x3c2: {  	_ =	swait.ge [sflag:s14], $0x4000  }
0x3c3: {  	[sflag:s14] =	ssyncset.done $0x0  }
0x3c4: {  	s11 =	rddreg [dreg:$0x13];
	[sflag:s14] =	ssyncadd.s32 $0xFFFFC000  }
0x3c5: {  	[hbm4b:s11+s3] =	stream.linear.scatter [tilespmem:s15], [sflag:$0x9], $0x4000, $0x38;
	[tilespmem:$0x1C800] =	vst v63  }
0x3c6: {  	_ =	swait.ge [sflag:s30], $0x4000  }
0x3c7: {  	[sflag:s30] =	ssyncset.done $0x0  }
0x3c8: {  	[sflag:s30] =	ssyncadd.s32 $0xFFFFC000  }
0x3c9: {  	v3 =	vld [tilespmem:$0x4C0];
	_ =	sdelay $0x4  }
0x3ca: {  	v12 =	vshll.u32 v3, $0x1  }
0x3cb: {  	v3 =	vand.u32 $0x7, v3;
	v4 =	vand.u32 $0xFFFFFFF0, v12  }
0x3cc: {  	v3 =	vor.u32 v3, v4  }
0x3cd: {  	v4 =	vperm.xlane v3, v0;
	_ =	sdelay $0x1  }
0x3ce: {  	v3 =	vperm.xlane v3, v2;
	v4 =	vadd.s32 v1, v4;
	_ =	sdelay $0x1  }
0x3cf: {  	v3 =	vadd.s32 v1, v3;
	_ =	sdelay $0x2  }
0x3d0: {  	[tilespmem:s18], [sflag:$0x6] =	stream.indirect_vreg.gather [hbm4b:s1+s3], $0x80, v4, vm0, $0xb8;
	[tilespmem:$0x1C800] =	vst v63  }
0x3d1: {  	s13 =	simm.s32 $0x15000  }
0x3d2: {  	[tilespmem:s13], [sflag:$0x6] =	stream.indirect_vreg.gather [hbm4b:s1+s3], $0x80, v3, vm0, $0xb8;
	[tilespmem:$0x1C800] =	vst v63  }
0x3d3: {  	v3 =	vld [tilespmem:$0x4D0];
	_ =	sdelay $0x4  }
0x3d4: {  	v13 =	vshll.u32 v3, $0x1  }
0x3d5: {  	v3 =	vand.u32 $0x7, v3;
	v4 =	vand.u32 $0xFFFFFFF0, v13  }
0x3d6: {  	v3 =	vor.u32 v3, v4  }
0x3d7: {  	v4 =	vperm.xlane v3, v0;
	_ =	sdelay $0x1  }
0x3d8: {  	v3 =	vperm.xlane v3, v2;
	v4 =	vadd.s32 v1, v4;
	_ =	sdelay $0x1  }
0x3d9: {  	v3 =	vadd.s32 v1, v3;
	_ =	sdelay $0x1  }
0x3da: {  	s6 =	simm.s32 $0x15800  }
0x3db: {  	[tilespmem:s6], [sflag:$0x6] =	stream.indirect_vreg.gather [hbm4b:s1+s3], $0x80, v4, vm0, $0xb8;
	[tilespmem:$0x1C800] =	vst v63  }
0x3dc: {  	s8 =	simm.s32 $0x16000  }
0x3dd: {  	[tilespmem:s8], [sflag:$0x6] =	stream.indirect_vreg.gather [hbm4b:s1+s3], $0x80, v3, vm0, $0xb8;
	[tilespmem:$0x1C800] =	vst v63  }
0x3de: {  	v3 =	vld [tilespmem:$0x4E0];
	_ =	sdelay $0x4  }
0x3df: {  	v14 =	vshll.u32 v3, $0x1  }
0x3e0: {  	v3 =	vand.u32 $0x7, v3;
	v4 =	vand.u32 $0xFFFFFFF0, v14  }
0x3e1: {  	v3 =	vor.u32 v3, v4  }
0x3e2: {  	v4 =	vperm.xlane v3, v0;
	_ =	sdelay $0x1  }
0x3e3: {  	v3 =	vperm.xlane v3, v2;
	v4 =	vadd.s32 v1, v4;
	_ =	sdelay $0x1  }
0x3e4: {  	v3 =	vadd.s32 v1, v3;
	_ =	sdelay $0x1  }
0x3e5: {  	s9 =	simm.s32 $0x16800  }
0x3e6: {  	[tilespmem:s9], [sflag:$0x6] =	stream.indirect_vreg.gather [hbm4b:s1+s3], $0x80, v4, vm0, $0xb8;
	[tilespmem:$0x1C800] =	vst v63  }
0x3e7: {  	s10 =	simm.s32 $0x17000  }
0x3e8: {  	[tilespmem:s10], [sflag:$0x6] =	stream.indirect_vreg.gather [hbm4b:s1+s3], $0x80, v3, vm0, $0xb8;
	[tilespmem:$0x1C800] =	vst v63  }
0x3e9: {  	v3 =	vld [tilespmem:$0x4F0];
	_ =	sdelay $0x4  }
0x3ea: {  	v15 =	vshll.u32 v3, $0x1  }
0x3eb: {  	v3 =	vand.u32 $0x7, v3;
	v4 =	vand.u32 $0xFFFFFFF0, v15  }
0x3ec: {  	v3 =	vor.u32 v3, v4  }
0x3ed: {  	v4 =	vperm.xlane v3, v0;
	_ =	sdelay $0x1  }
0x3ee: {  	v3 =	vperm.xlane v3, v2;
	v4 =	vadd.s32 v1, v4;
	_ =	sdelay $0x1  }
0x3ef: {  	v3 =	vadd.s32 v1, v3;
	_ =	sdelay $0x1  }
0x3f0: {  	s11 =	simm.s32 $0x17800  }
0x3f1: {  	[tilespmem:s11], [sflag:$0x6] =	stream.indirect_vreg.gather [hbm4b:s1+s3], $0x80, v4, vm0, $0xb8;
	[tilespmem:$0x1C800] =	vst v63  }
0x3f2: {  	s13 =	simm.s32 $0x18000  }
0x3f3: {  	[tilespmem:s13], [sflag:$0x6] =	stream.indirect_vreg.gather [hbm4b:s1+s3], $0x80, v3, vm0, $0xb8;
	[tilespmem:$0x1C800] =	vst v63  }
0x3f4: {  	_ =	swait.ge [sflag:s17], $0x4000  }
0x3f5: {  	[sflag:s17] =	ssyncset.done $0x0  }
0x3f6: {  	s6 =	rddreg [dreg:$0x14];
	[sflag:s17] =	ssyncadd.s32 $0xFFFFC000  }
0x3f7: {  	[hbm4b:s6+s3] =	stream.linear.scatter [tilespmem:s23], [sflag:$0xA], $0x4000, $0x38;
	[tilespmem:$0x1C800] =	vst v63  }
0x3f8: {  	_ =	swait.ge [sflag:s31], $0x4000  }
0x3f9: {  	[sflag:s31] =	ssyncset.done $0x0  }
0x3fa: {  	[sflag:s31] =	ssyncadd.s32 $0xFFFFC000  }
0x3fb: {  	v3 =	vld [tilespmem:$0x500];
	_ =	sdelay $0x4  }
0x3fc: {  	v16 =	vshll.u32 v3, $0x1  }
0x3fd: {  	v3 =	vand.u32 $0x7, v3;
	v4 =	vand.u32 $0xFFFFFFF0, v16  }
0x3fe: {  	v3 =	vor.u32 v3, v4  }
0x3ff: {  	v4 =	vperm.xlane v3, v0;
	_ =	sdelay $0x1  }
0x400: {  	v3 =	vperm.xlane v3, v2;
	v4 =	vadd.s32 v1, v4;
	_ =	sdelay $0x1  }
0x401: {  	v3 =	vadd.s32 v1, v3;
	_ =	sdelay $0x2  }
0x402: {  	[tilespmem:s7], [sflag:$0x7] =	stream.indirect_vreg.gather [hbm4b:s1+s3], $0x80, v4, vm0, $0xb8;
	[tilespmem:$0x1C800] =	vst v63  }
0x403: {  	s8 =	simm.s32 $0x19000  }
0x404: {  	[tilespmem:s8], [sflag:$0x7] =	stream.indirect_vreg.gather [hbm4b:s1+s3], $0x80, v3, vm0, $0xb8;
	[tilespmem:$0x1C800] =	vst v63  }
0x405: {  	v3 =	vld [tilespmem:$0x510];
	_ =	sdelay $0x4  }
0x406: {  	v17 =	vshll.u32 v3, $0x1  }
0x407: {  	v3 =	vand.u32 $0x7, v3;
	v4 =	vand.u32 $0xFFFFFFF0, v17  }
0x408: {  	v3 =	vor.u32 v3, v4  }
0x409: {  	v4 =	vperm.xlane v3, v0;
	_ =	sdelay $0x1  }
0x40a: {  	v3 =	vperm.xlane v3, v2;
	v4 =	vadd.s32 v1, v4;
	_ =	sdelay $0x1  }
0x40b: {  	v3 =	vadd.s32 v1, v3;
	_ =	sdelay $0x1  }
0x40c: {  	s9 =	simm.s32 $0x19800  }
0x40d: {  	[tilespmem:s9], [sflag:$0x7] =	stream.indirect_vreg.gather [hbm4b:s1+s3], $0x80, v4, vm0, $0xb8;
	[tilespmem:$0x1C800] =	vst v63  }
0x40e: {  	s10 =	simm.s32 $0x1A000  }
0x40f: {  	[tilespmem:s10], [sflag:$0x7] =	stream.indirect_vreg.gather [hbm4b:s1+s3], $0x80, v3, vm0, $0xb8;
	[tilespmem:$0x1C800] =	vst v63  }
0x410: {  	v3 =	vld [tilespmem:$0x520];
	_ =	sdelay $0x4  }
0x411: {  	v18 =	vshll.u32 v3, $0x1  }
0x412: {  	v3 =	vand.u32 $0x7, v3;
	v4 =	vand.u32 $0xFFFFFFF0, v18  }
0x413: {  	v3 =	vor.u32 v3, v4  }
0x414: {  	v4 =	vperm.xlane v3, v0;
	_ =	sdelay $0x1  }
0x415: {  	v3 =	vperm.xlane v3, v2;
	v4 =	vadd.s32 v1, v4;
	_ =	sdelay $0x1  }
0x416: {  	v3 =	vadd.s32 v1, v3;
	_ =	sdelay $0x1  }
0x417: {  	s11 =	simm.s32 $0x1A800  }
0x418: {  	[tilespmem:s11], [sflag:$0x7] =	stream.indirect_vreg.gather [hbm4b:s1+s3], $0x80, v4, vm0, $0xb8;
	[tilespmem:$0x1C800] =	vst v63  }
0x419: {  	s13 =	simm.s32 $0x1B000  }
0x41a: {  	[tilespmem:s13], [sflag:$0x7] =	stream.indirect_vreg.gather [hbm4b:s1+s3], $0x80, v3, vm0, $0xb8;
	[tilespmem:$0x1C800] =	vst v63  }
0x41b: {  	v3 =	vld [tilespmem:$0x530];
	_ =	sdelay $0x4  }
0x41c: {  	v19 =	vshll.u32 v3, $0x1  }
0x41d: {  	v3 =	vand.u32 $0x7, v3;
	v4 =	vand.u32 $0xFFFFFFF0, v19  }
0x41e: {  	v3 =	vor.u32 v3, v4  }
0x41f: {  	v4 =	vperm.xlane v3, v0;
	_ =	sdelay $0x1  }
0x420: {  	v3 =	vperm.xlane v3, v2;
	v4 =	vadd.s32 v1, v4;
	_ =	sdelay $0x1  }
0x421: {  	v3 =	vadd.s32 v1, v3;
	_ =	sdelay $0x1  }
0x422: {  	s9 =	simm.s32 $0x1B800  }
0x423: {  	[tilespmem:s9], [sflag:$0x7] =	stream.indirect_vreg.gather [hbm4b:s1+s3], $0x80, v4, vm0, $0xb8;
	[tilespmem:$0x1C800] =	vst v63  }
0x424: {  	s10 =	simm.s32 $0x1C000  }
0x425: {  	[tilespmem:s10], [sflag:$0x7] =	stream.indirect_vreg.gather [hbm4b:s1+s3], $0x80, v3, vm0, $0xb8;
	[tilespmem:$0x1C800] =	vst v63  }
0x426: {  	_ =	swait.ge [sflag:s19], $0x4000  }
0x427: {  	[sflag:s19] =	ssyncset.done $0x0  }
0x428: {  	s11 =	rddreg [dreg:$0x15];
	[sflag:s19] =	ssyncadd.s32 $0xFFFFC000  }
0x429: {  	[hbm4b:s11+s3] =	stream.linear.scatter [tilespmem:s2], [sflag:$0xB], $0x4000, $0x38;
	[tilespmem:$0x1C800] =	vst v63  }
0x42a: {  	_ =	swait.ge [sflag:s20], $0x4000  }
0x42b: {  	[sflag:s20] =	ssyncset.done $0x0  }
0x42c: {  	[sflag:s20] =	ssyncadd.s32 $0xFFFFC000  }
0x42d: {  	v3 =	vld [tilespmem:$0x540];
	_ =	sdelay $0x4  }
0x42e: {  	v20 =	vshll.u32 v3, $0x1  }
0x42f: {  	v3 =	vand.u32 $0x7, v3;
	v4 =	vand.u32 $0xFFFFFFF0, v20  }
0x430: {  	v3 =	vor.u32 v3, v4  }
0x431: {  	v4 =	vperm.xlane v3, v0;
	_ =	sdelay $0x1  }
0x432: {  	v3 =	vperm.xlane v3, v2;
	v4 =	vadd.s32 v1, v4;
	_ =	sdelay $0x1  }
0x433: {  	v3 =	vadd.s32 v1, v3;
	_ =	sdelay $0x2  }
0x434: {  	[tilespmem:s4], [sflag:$0x1] =	stream.indirect_vreg.gather [hbm4b:s1+s3], $0x80, v4, vm0, $0xb8;
	[tilespmem:$0x1C800] =	vst v63  }
0x435: {  	s13 =	simm.s32 $0x1000  }
0x436: {  	[tilespmem:s13], [sflag:$0x1] =	stream.indirect_vreg.gather [hbm4b:s1+s3], $0x80, v3, vm0, $0xb8;
	[tilespmem:$0x1C800] =	vst v63  }
0x437: {  	v3 =	vld [tilespmem:$0x550];
	_ =	sdelay $0x4  }
0x438: {  	v21 =	vshll.u32 v3, $0x1  }
0x439: {  	v3 =	vand.u32 $0x7, v3;
	v4 =	vand.u32 $0xFFFFFFF0, v21  }
0x43a: {  	v3 =	vor.u32 v3, v4  }
0x43b: {  	v4 =	vperm.xlane v3, v0;
	_ =	sdelay $0x1  }
0x43c: {  	v3 =	vperm.xlane v3, v2;
	v4 =	vadd.s32 v1, v4;
	_ =	sdelay $0x1  }
0x43d: {  	v3 =	vadd.s32 v1, v3;
	_ =	sdelay $0x1  }
0x43e: {  	s10 =	simm.s32 $0x1800  }
0x43f: {  	[tilespmem:s10], [sflag:$0x1] =	stream.indirect_vreg.gather [hbm4b:s1+s3], $0x80, v4, vm0, $0xb8;
	[tilespmem:$0x1C800] =	vst v63  }
0x440: {  	s11 =	simm.s32 $0x2000  }
0x441: {  	[tilespmem:s11], [sflag:$0x1] =	stream.indirect_vreg.gather [hbm4b:s1+s3], $0x80, v3, vm0, $0xb8;
	[tilespmem:$0x1C800] =	vst v63  }
0x442: {  	v3 =	vld [tilespmem:$0x560];
	_ =	sdelay $0x4  }
0x443: {  	v22 =	vshll.u32 v3, $0x1  }
0x444: {  	v3 =	vand.u32 $0x7, v3;
	v4 =	vand.u32 $0xFFFFFFF0, v22  }
0x445: {  	v3 =	vor.u32 v3, v4  }
0x446: {  	v4 =	vperm.xlane v3, v0;
	_ =	sdelay $0x1  }
0x447: {  	v3 =	vperm.xlane v3, v2;
	v4 =	vadd.s32 v1, v4;
	_ =	sdelay $0x1  }
0x448: {  	v3 =	vadd.s32 v1, v3;
	_ =	sdelay $0x1  }
0x449: {  	s13 =	simm.s32 $0x2800  }
0x44a: {  	[tilespmem:s13], [sflag:$0x1] =	stream.indirect_vreg.gather [hbm4b:s1+s3], $0x80, v4, vm0, $0xb8;
	[tilespmem:$0x1C800] =	vst v63  }
0x44b: {  	s10 =	simm.s32 $0x3000  }
0x44c: {  	[tilespmem:s10], [sflag:$0x1] =	stream.indirect_vreg.gather [hbm4b:s1+s3], $0x80, v3, vm0, $0xb8;
	[tilespmem:$0x1C800] =	vst v63  }
0x44d: {  	v3 =	vld [tilespmem:$0x570];
	_ =	sdelay $0x4  }
0x44e: {  	v23 =	vshll.u32 v3, $0x1  }
0x44f: {  	v3 =	vand.u32 $0x7, v3;
	v4 =	vand.u32 $0xFFFFFFF0, v23  }
0x450: {  	v3 =	vor.u32 v3, v4  }
0x451: {  	v4 =	vperm.xlane v3, v0;
	_ =	sdelay $0x1  }
0x452: {  	v3 =	vperm.xlane v3, v2;
	v4 =	vadd.s32 v1, v4;
	_ =	sdelay $0x1  }
0x453: {  	v3 =	vadd.s32 v1, v3;
	_ =	sdelay $0x1  }
0x454: {  	s11 =	simm.s32 $0x3800  }
0x455: {  	[tilespmem:s11], [sflag:$0x1] =	stream.indirect_vreg.gather [hbm4b:s1+s3], $0x80, v4, vm0, $0xb8;
	[tilespmem:$0x1C800] =	vst v63  }
0x456: {  	s13 =	simm.s32 $0x4000  }
0x457: {  	[tilespmem:s13], [sflag:$0x1] =	stream.indirect_vreg.gather [hbm4b:s1+s3], $0x80, v3, vm0, $0xb8;
	[tilespmem:$0x1C800] =	vst v63  }
0x458: {  	_ =	swait.ge [sflag:s21], $0x4000  }
0x459: {  	[sflag:s21] =	ssyncset.done $0x0  }
0x45a: {  	s10 =	rddreg [dreg:$0x16];
	[sflag:s21] =	ssyncadd.s32 $0xFFFFC000  }
0x45b: {  	[hbm4b:s10+s3] =	stream.linear.scatter [tilespmem:s16], [sflag:$0xC], $0x4000, $0x38;
	[tilespmem:$0x1C800] =	vst v63  }
0x45c: {  	_ =	swait.ge [sflag:s22], $0x4000  }
0x45d: {  	[sflag:s22] =	ssyncset.done $0x0  }
0x45e: {  	[sflag:s22] =	ssyncadd.s32 $0xFFFFC000  }
0x45f: {  	v3 =	vld [tilespmem:$0x580];
	_ =	sdelay $0x4  }
0x460: {  	v24 =	vshll.u32 v3, $0x1  }
0x461: {  	v3 =	vand.u32 $0x7, v3;
	v4 =	vand.u32 $0xFFFFFFF0, v24  }
0x462: {  	v3 =	vor.u32 v3, v4  }
0x463: {  	v4 =	vperm.xlane v3, v0;
	_ =	sdelay $0x1  }
0x464: {  	v3 =	vperm.xlane v3, v2;
	v4 =	vadd.s32 v1, v4;
	_ =	sdelay $0x1  }
0x465: {  	v3 =	vadd.s32 v1, v3;
	_ =	sdelay $0x2  }
0x466: {  	[tilespmem:s15], [sflag:$0x2] =	stream.indirect_vreg.gather [hbm4b:s1+s3], $0x80, v4, vm0, $0xb8;
	[tilespmem:$0x1C800] =	vst v63  }
0x467: {  	s11 =	simm.s32 $0x5000  }
0x468: {  	[tilespmem:s11], [sflag:$0x2] =	stream.indirect_vreg.gather [hbm4b:s1+s3], $0x80, v3, vm0, $0xb8;
	[tilespmem:$0x1C800] =	vst v63  }
0x469: {  	v3 =	vld [tilespmem:$0x590];
	_ =	sdelay $0x4  }
0x46a: {  	v25 =	vshll.u32 v3, $0x1  }
0x46b: {  	v3 =	vand.u32 $0x7, v3;
	v4 =	vand.u32 $0xFFFFFFF0, v25  }
0x46c: {  	v3 =	vor.u32 v3, v4  }
0x46d: {  	v4 =	vperm.xlane v3, v0;
	_ =	sdelay $0x1  }
0x46e: {  	v3 =	vperm.xlane v3, v2;
	v4 =	vadd.s32 v1, v4;
	_ =	sdelay $0x1  }
0x46f: {  	v3 =	vadd.s32 v1, v3;
	_ =	sdelay $0x1  }
0x470: {  	s13 =	simm.s32 $0x5800  }
0x471: {  	[tilespmem:s13], [sflag:$0x2] =	stream.indirect_vreg.gather [hbm4b:s1+s3], $0x80, v4, vm0, $0xb8;
	[tilespmem:$0x1C800] =	vst v63  }
0x472: {  	s10 =	simm.s32 $0x6000  }
0x473: {  	[tilespmem:s10], [sflag:$0x2] =	stream.indirect_vreg.gather [hbm4b:s1+s3], $0x80, v3, vm0, $0xb8;
	[tilespmem:$0x1C800] =	vst v63  }
0x474: {  	v3 =	vld [tilespmem:$0x5A0];
	_ =	sdelay $0x4  }
0x475: {  	v26 =	vshll.u32 v3, $0x1  }
0x476: {  	v3 =	vand.u32 $0x7, v3;
	v4 =	vand.u32 $0xFFFFFFF0, v26  }
0x477: {  	v3 =	vor.u32 v3, v4  }
0x478: {  	v4 =	vperm.xlane v3, v0;
	_ =	sdelay $0x1  }
0x479: {  	v3 =	vperm.xlane v3, v2;
	v4 =	vadd.s32 v1, v4;
	_ =	sdelay $0x1  }
0x47a: {  	v3 =	vadd.s32 v1, v3;
	_ =	sdelay $0x1  }
0x47b: {  	s11 =	simm.s32 $0x6800  }
0x47c: {  	[tilespmem:s11], [sflag:$0x2] =	stream.indirect_vreg.gather [hbm4b:s1+s3], $0x80, v4, vm0, $0xb8;
	[tilespmem:$0x1C800] =	vst v63  }
0x47d: {  	s13 =	simm.s32 $0x7000  }
0x47e: {  	[tilespmem:s13], [sflag:$0x2] =	stream.indirect_vreg.gather [hbm4b:s1+s3], $0x80, v3, vm0, $0xb8;
	[tilespmem:$0x1C800] =	vst v63  }
0x47f: {  	v3 =	vld [tilespmem:$0x5B0];
	_ =	sdelay $0x4  }
0x480: {  	v27 =	vshll.u32 v3, $0x1  }
0x481: {  	v3 =	vand.u32 $0x7, v3;
	v4 =	vand.u32 $0xFFFFFFF0, v27  }
0x482: {  	v3 =	vor.u32 v3, v4  }
0x483: {  	v4 =	vperm.xlane v3, v0;
	_ =	sdelay $0x1  }
0x484: {  	v3 =	vperm.xlane v3, v2;
	v4 =	vadd.s32 v1, v4;
	_ =	sdelay $0x1  }
0x485: {  	v3 =	vadd.s32 v1, v3;
	_ =	sdelay $0x1  }
0x486: {  	s10 =	simm.s32 $0x7800  }
0x487: {  	[tilespmem:s10], [sflag:$0x2] =	stream.indirect_vreg.gather [hbm4b:s1+s3], $0x80, v4, vm0, $0xb8;
	[tilespmem:$0x1C800] =	vst v63  }
0x488: {  	s11 =	simm.s32 $0x8000  }
0x489: {  	[tilespmem:s11], [sflag:$0x2] =	stream.indirect_vreg.gather [hbm4b:s1+s3], $0x80, v3, vm0, $0xb8;
	[tilespmem:$0x1C800] =	vst v63  }
0x48a: {  	_ =	swait.ge [sflag:s24], $0x4000  }
0x48b: {  	[sflag:s24] =	ssyncset.done $0x0  }
0x48c: {  	s13 =	rddreg [dreg:$0x17];
	[sflag:s24] =	ssyncadd.s32 $0xFFFFC000  }
0x48d: {  	[hbm4b:s13+s3] =	stream.linear.scatter [tilespmem:s18], [sflag:$0xD], $0x4000, $0x38;
	[tilespmem:$0x1C800] =	vst v63  }
0x48e: {  	_ =	swait.ge [sflag:s25], $0x4000  }
0x48f: {  	[sflag:s25] =	ssyncset.done $0x0  }
0x490: {  	[sflag:s25] =	ssyncadd.s32 $0xFFFFC000  }
0x491: {  	v3 =	vld [tilespmem:$0x5C0];
	_ =	sdelay $0x4  }
0x492: {  	v28 =	vshll.u32 v3, $0x1  }
0x493: {  	v3 =	vand.u32 $0x7, v3;
	v4 =	vand.u32 $0xFFFFFFF0, v28  }
0x494: {  	v3 =	vor.u32 v3, v4  }
0x495: {  	v4 =	vperm.xlane v3, v0;
	_ =	sdelay $0x1  }
0x496: {  	v3 =	vperm.xlane v3, v2;
	v4 =	vadd.s32 v1, v4;
	_ =	sdelay $0x1  }
0x497: {  	v3 =	vadd.s32 v1, v3;
	_ =	sdelay $0x2  }
0x498: {  	[tilespmem:s23], [sflag:$0x3] =	stream.indirect_vreg.gather [hbm4b:s1+s3], $0x80, v4, vm0, $0xb8;
	[tilespmem:$0x1C800] =	vst v63  }
0x499: {  	s10 =	simm.s32 $0x9000  }
0x49a: {  	[tilespmem:s10], [sflag:$0x3] =	stream.indirect_vreg.gather [hbm4b:s1+s3], $0x80, v3, vm0, $0xb8;
	[tilespmem:$0x1C800] =	vst v63  }
0x49b: {  	v3 =	vld [tilespmem:$0x5D0];
	_ =	sdelay $0x4  }
0x49c: {  	v29 =	vshll.u32 v3, $0x1  }
0x49d: {  	v3 =	vand.u32 $0x7, v3;
	v4 =	vand.u32 $0xFFFFFFF0, v29  }
0x49e: {  	v3 =	vor.u32 v3, v4  }
0x49f: {  	v4 =	vperm.xlane v3, v0;
	_ =	sdelay $0x1  }
0x4a0: {  	v3 =	vperm.xlane v3, v2;
	v4 =	vadd.s32 v1, v4;
	_ =	sdelay $0x1  }
0x4a1: {  	v3 =	vadd.s32 v1, v3;
	_ =	sdelay $0x1  }
0x4a2: {  	s11 =	simm.s32 $0x9800  }
0x4a3: {  	[tilespmem:s11], [sflag:$0x3] =	stream.indirect_vreg.gather [hbm4b:s1+s3], $0x80, v4, vm0, $0xb8;
	[tilespmem:$0x1C800] =	vst v63  }
0x4a4: {  	s13 =	simm.s32 $0xA000  }
0x4a5: {  	[tilespmem:s13], [sflag:$0x3] =	stream.indirect_vreg.gather [hbm4b:s1+s3], $0x80, v3, vm0, $0xb8;
	[tilespmem:$0x1C800] =	vst v63  }
0x4a6: {  	v3 =	vld [tilespmem:$0x5E0];
	_ =	sdelay $0x4  }
0x4a7: {  	v30 =	vshll.u32 v3, $0x1  }
0x4a8: {  	v3 =	vand.u32 $0x7, v3;
	v4 =	vand.u32 $0xFFFFFFF0, v30  }
0x4a9: {  	v3 =	vor.u32 v3, v4  }
0x4aa: {  	v4 =	vperm.xlane v3, v0;
	_ =	sdelay $0x1  }
0x4ab: {  	v3 =	vperm.xlane v3, v2;
	v4 =	vadd.s32 v1, v4;
	_ =	sdelay $0x1  }
0x4ac: {  	v3 =	vadd.s32 v1, v3;
	_ =	sdelay $0x1  }
0x4ad: {  	s10 =	simm.s32 $0xA800  }
0x4ae: {  	[tilespmem:s10], [sflag:$0x3] =	stream.indirect_vreg.gather [hbm4b:s1+s3], $0x80, v4, vm0, $0xb8;
	[tilespmem:$0x1C800] =	vst v63  }
0x4af: {  	s11 =	simm.s32 $0xB000  }
0x4b0: {  	[tilespmem:s11], [sflag:$0x3] =	stream.indirect_vreg.gather [hbm4b:s1+s3], $0x80, v3, vm0, $0xb8;
	[tilespmem:$0x1C800] =	vst v63  }
0x4b1: {  	v3 =	vld [tilespmem:$0x5F0];
	_ =	sdelay $0x4  }
0x4b2: {  	v31 =	vshll.u32 v3, $0x1  }
0x4b3: {  	v3 =	vand.u32 $0x7, v3;
	v4 =	vand.u32 $0xFFFFFFF0, v31  }
0x4b4: {  	v3 =	vor.u32 v3, v4  }
0x4b5: {  	v4 =	vperm.xlane v3, v0;
	_ =	sdelay $0x1  }
0x4b6: {  	v3 =	vperm.xlane v3, v2;
	v4 =	vadd.s32 v1, v4;
	_ =	sdelay $0x1  }
0x4b7: {  	v3 =	vadd.s32 v1, v3;
	_ =	sdelay $0x1  }
0x4b8: {  	s13 =	simm.s32 $0xB800  }
0x4b9: {  	[tilespmem:s13], [sflag:$0x3] =	stream.indirect_vreg.gather [hbm4b:s1+s3], $0x80, v4, vm0, $0xb8;
	[tilespmem:$0x1C800] =	vst v63  }
0x4ba: {  	s10 =	simm.s32 $0xC000  }
0x4bb: {  	[tilespmem:s10], [sflag:$0x3] =	stream.indirect_vreg.gather [hbm4b:s1+s3], $0x80, v3, vm0, $0xb8;
	[tilespmem:$0x1C800] =	vst v63  }
0x4bc: {  	_ =	swait.ge [sflag:s26], $0x4000  }
0x4bd: {  	[sflag:s26] =	ssyncset.done $0x0  }
0x4be: {  	s11 =	rddreg [dreg:$0x18];
	[sflag:s26] =	ssyncadd.s32 $0xFFFFC000  }
0x4bf: {  	[hbm4b:s11+s3] =	stream.linear.scatter [tilespmem:s7], [sflag:$0xE], $0x4000, $0x38;
	[tilespmem:$0x1C800] =	vst v63  }
0x4c0: {  	_ =	swait.ge [sflag:s28], $0x4000  }
0x4c1: {  	[sflag:s28] =	ssyncset.done $0x0  }
0x4c2: {  	[sflag:s28] =	ssyncadd.s32 $0xFFFFC000  }
0x4c3: {  	v3 =	vld [tilespmem:$0x600];
	_ =	sdelay $0x4  }
0x4c4: {  	v32 =	vshll.u32 v3, $0x1  }
0x4c5: {  	v3 =	vand.u32 $0x7, v3;
	v4 =	vand.u32 $0xFFFFFFF0, v32  }
0x4c6: {  	v3 =	vor.u32 v3, v4  }
0x4c7: {  	v4 =	vperm.xlane v3, v0;
	_ =	sdelay $0x1  }
0x4c8: {  	v3 =	vperm.xlane v3, v2;
	v4 =	vadd.s32 v1, v4;
	_ =	sdelay $0x1  }
0x4c9: {  	v3 =	vadd.s32 v1, v3;
	_ =	sdelay $0x2  }
0x4ca: {  	[tilespmem:s2], [sflag:$0x4] =	stream.indirect_vreg.gather [hbm4b:s1+s3], $0x80, v4, vm0, $0xb8;
	[tilespmem:$0x1C800] =	vst v63  }
0x4cb: {  	s13 =	simm.s32 $0xD000  }
0x4cc: {  	[tilespmem:s13], [sflag:$0x4] =	stream.indirect_vreg.gather [hbm4b:s1+s3], $0x80, v3, vm0, $0xb8;
	[tilespmem:$0x1C800] =	vst v63  }
0x4cd: {  	v3 =	vld [tilespmem:$0x610];
	_ =	sdelay $0x4  }
0x4ce: {  	v33 =	vshll.u32 v3, $0x1  }
0x4cf: {  	v3 =	vand.u32 $0x7, v3;
	v4 =	vand.u32 $0xFFFFFFF0, v33  }
0x4d0: {  	v3 =	vor.u32 v3, v4  }
0x4d1: {  	v4 =	vperm.xlane v3, v0;
	_ =	sdelay $0x1  }
0x4d2: {  	v3 =	vperm.xlane v3, v2;
	v4 =	vadd.s32 v1, v4;
	_ =	sdelay $0x1  }
0x4d3: {  	v3 =	vadd.s32 v1, v3;
	_ =	sdelay $0x1  }
0x4d4: {  	s10 =	simm.s32 $0xD800  }
0x4d5: {  	[tilespmem:s10], [sflag:$0x4] =	stream.indirect_vreg.gather [hbm4b:s1+s3], $0x80, v4, vm0, $0xb8;
	[tilespmem:$0x1C800] =	vst v63  }
0x4d6: {  	s13 =	simm.s32 $0xE000  }
0x4d7: {  	[tilespmem:s13], [sflag:$0x4] =	stream.indirect_vreg.gather [hbm4b:s1+s3], $0x80, v3, vm0, $0xb8;
	[tilespmem:$0x1C800] =	vst v63  }
0x4d8: {  	v3 =	vld [tilespmem:$0x620];
	_ =	sdelay $0x4  }
0x4d9: {  	v34 =	vshll.u32 v3, $0x1  }
0x4da: {  	v3 =	vand.u32 $0x7, v3;
	v4 =	vand.u32 $0xFFFFFFF0, v34  }
0x4db: {  	v3 =	vor.u32 v3, v4  }
0x4dc: {  	v4 =	vperm.xlane v3, v0;
	_ =	sdelay $0x1  }
0x4dd: {  	v3 =	vperm.xlane v3, v2;
	v4 =	vadd.s32 v1, v4;
	_ =	sdelay $0x1  }
0x4de: {  	v3 =	vadd.s32 v1, v3;
	_ =	sdelay $0x1  }
0x4df: {  	s13 =	simm.s32 $0xE800  }
0x4e0: {  	[tilespmem:s13], [sflag:$0x4] =	stream.indirect_vreg.gather [hbm4b:s1+s3], $0x80, v4, vm0, $0xb8;
	[tilespmem:$0x1C800] =	vst v63  }
0x4e1: {  	s0 =	simm.s32 $0xF000  }
0x4e2: {  	[tilespmem:s0], [sflag:$0x4] =	stream.indirect_vreg.gather [hbm4b:s1+s3], $0x80, v3, vm0, $0xb8;
	[tilespmem:$0x1C800] =	vst v63  }
0x4e3: {  	v3 =	vld [tilespmem:$0x630];
	_ =	sdelay $0x4  }
0x4e4: {  	v35 =	vshll.u32 v3, $0x1  }
0x4e5: {  	v3 =	vand.u32 $0x7, v3;
	v4 =	vand.u32 $0xFFFFFFF0, v35  }
0x4e6: {  	v3 =	vor.u32 v3, v4  }
0x4e7: {  	v4 =	vperm.xlane v3, v0;
	_ =	sdelay $0x1  }
0x4e8: {  	v3 =	vperm.xlane v3, v2;
	v4 =	vadd.s32 v1, v4;
	_ =	sdelay $0x1  }
0x4e9: {  	v3 =	vadd.s32 v1, v3;
	_ =	sdelay $0x1  }
0x4ea: {  	s0 =	simm.s32 $0xF800  }
0x4eb: {  	[tilespmem:s0], [sflag:$0x4] =	stream.indirect_vreg.gather [hbm4b:s1+s3], $0x80, v4, vm0, $0xb8;
	[tilespmem:$0x1C800] =	vst v63  }
0x4ec: {  	s0 =	simm.s32 $0x10000  }
0x4ed: {  	[tilespmem:s0], [sflag:$0x4] =	stream.indirect_vreg.gather [hbm4b:s1+s3], $0x80, v3, vm0, $0xb8;
	[tilespmem:$0x1C800] =	vst v63  }
0x4ee: {  	_ =	swait.ge [sflag:s12], $0x4000  }
0x4ef: {  	[sflag:s12] =	ssyncset.done $0x0  }
0x4f0: {  	s0 =	rddreg [dreg:$0x19];
	[sflag:s12] =	ssyncadd.s32 $0xFFFFC000  }
0x4f1: {  	[hbm4b:s0+s3] =	stream.linear.scatter [tilespmem:s4], [sflag:$0x8], $0x4000, $0x38;
	[tilespmem:$0x1C800] =	vst v63  }
0x4f2: {  	_ =	swait.ge [sflag:s29], $0x4000  }
0x4f3: {  	[sflag:s29] =	ssyncset.done $0x0  }
0x4f4: {  	[sflag:s29] =	ssyncadd.s32 $0xFFFFC000  }
0x4f5: {  	v3 =	vld [tilespmem:$0x640];
	_ =	sdelay $0x4  }
0x4f6: {  	v36 =	vshll.u32 v3, $0x1  }
0x4f7: {  	v3 =	vand.u32 $0x7, v3;
	v4 =	vand.u32 $0xFFFFFFF0, v36  }
0x4f8: {  	v3 =	vor.u32 v3, v4  }
0x4f9: {  	v4 =	vperm.xlane v3, v0;
	_ =	sdelay $0x1  }
0x4fa: {  	v3 =	vperm.xlane v3, v2;
	v4 =	vadd.s32 v1, v4;
	_ =	sdelay $0x1  }
0x4fb: {  	v3 =	vadd.s32 v1, v3;
	_ =	sdelay $0x2  }
0x4fc: {  	[tilespmem:s16], [sflag:$0x5] =	stream.indirect_vreg.gather [hbm4b:s1+s3], $0x80, v4, vm0, $0xb8;
	[tilespmem:$0x1C800] =	vst v63  }
0x4fd: {  	s0 =	simm.s32 $0x11000  }
0x4fe: {  	[tilespmem:s0], [sflag:$0x5] =	stream.indirect_vreg.gather [hbm4b:s1+s3], $0x80, v3, vm0, $0xb8;
	[tilespmem:$0x1C800] =	vst v63  }
0x4ff: {  	v3 =	vld [tilespmem:$0x650];
	_ =	sdelay $0x4  }
0x500: {  	v37 =	vshll.u32 v3, $0x1  }
0x501: {  	v3 =	vand.u32 $0x7, v3;
	v4 =	vand.u32 $0xFFFFFFF0, v37  }
0x502: {  	v3 =	vor.u32 v3, v4  }
0x503: {  	v4 =	vperm.xlane v3, v0;
	_ =	sdelay $0x1  }
0x504: {  	v3 =	vperm.xlane v3, v2;
	v4 =	vadd.s32 v1, v4;
	_ =	sdelay $0x1  }
0x505: {  	v3 =	vadd.s32 v1, v3;
	_ =	sdelay $0x1  }
0x506: {  	s0 =	simm.s32 $0x11800  }
0x507: {  	[tilespmem:s0], [sflag:$0x5] =	stream.indirect_vreg.gather [hbm4b:s1+s3], $0x80, v4, vm0, $0xb8;
	[tilespmem:$0x1C800] =	vst v63  }
0x508: {  	s0 =	simm.s32 $0x12000  }
0x509: {  	[tilespmem:s0], [sflag:$0x5] =	stream.indirect_vreg.gather [hbm4b:s1+s3], $0x80, v3, vm0, $0xb8;
	[tilespmem:$0x1C800] =	vst v63  }
0x50a: {  	v3 =	vld [tilespmem:$0x660];
	_ =	sdelay $0x4  }
0x50b: {  	v38 =	vshll.u32 v3, $0x1  }
0x50c: {  	v3 =	vand.u32 $0x7, v3;
	v4 =	vand.u32 $0xFFFFFFF0, v38  }
0x50d: {  	v3 =	vor.u32 v3, v4  }
0x50e: {  	v4 =	vperm.xlane v3, v0;
	_ =	sdelay $0x1  }
0x50f: {  	v3 =	vperm.xlane v3, v2;
	v4 =	vadd.s32 v1, v4;
	_ =	sdelay $0x1  }
0x510: {  	v3 =	vadd.s32 v1, v3;
	_ =	sdelay $0x1  }
0x511: {  	s0 =	simm.s32 $0x12800  }
0x512: {  	[tilespmem:s0], [sflag:$0x5] =	stream.indirect_vreg.gather [hbm4b:s1+s3], $0x80, v4, vm0, $0xb8;
	[tilespmem:$0x1C800] =	vst v63  }
0x513: {  	s0 =	simm.s32 $0x13000  }
0x514: {  	[tilespmem:s0], [sflag:$0x5] =	stream.indirect_vreg.gather [hbm4b:s1+s3], $0x80, v3, vm0, $0xb8;
	[tilespmem:$0x1C800] =	vst v63  }
0x515: {  	v3 =	vld [tilespmem:$0x670];
	_ =	sdelay $0x4  }
0x516: {  	v39 =	vshll.u32 v3, $0x1  }
0x517: {  	v3 =	vand.u32 $0x7, v3;
	v4 =	vand.u32 $0xFFFFFFF0, v39  }
0x518: {  	v3 =	vor.u32 v3, v4  }
0x519: {  	v4 =	vperm.xlane v3, v0;
	_ =	sdelay $0x1  }
0x51a: {  	v3 =	vperm.xlane v3, v2;
	v4 =	vadd.s32 v1, v4;
	_ =	sdelay $0x1  }
0x51b: {  	v3 =	vadd.s32 v1, v3;
	_ =	sdelay $0x1  }
0x51c: {  	s0 =	simm.s32 $0x13800  }
0x51d: {  	[tilespmem:s0], [sflag:$0x5] =	stream.indirect_vreg.gather [hbm4b:s1+s3], $0x80, v4, vm0, $0xb8;
	[tilespmem:$0x1C800] =	vst v63  }
0x51e: {  	s0 =	simm.s32 $0x14000  }
0x51f: {  	[tilespmem:s0], [sflag:$0x5] =	stream.indirect_vreg.gather [hbm4b:s1+s3], $0x80, v3, vm0, $0xb8;
	[tilespmem:$0x1C800] =	vst v63  }
0x520: {  	_ =	swait.ge [sflag:s14], $0x4000  }
0x521: {  	[sflag:s14] =	ssyncset.done $0x0  }
0x522: {  	s0 =	rddreg [dreg:$0x1a];
	[sflag:s14] =	ssyncadd.s32 $0xFFFFC000  }
0x523: {  	[hbm4b:s0+s3] =	stream.linear.scatter [tilespmem:s15], [sflag:$0x9], $0x4000, $0x38;
	[tilespmem:$0x1C800] =	vst v63  }
0x524: {  	_ =	swait.ge [sflag:s30], $0x4000  }
0x525: {  	[sflag:s30] =	ssyncset.done $0x0  }
0x526: {  	[sflag:s30] =	ssyncadd.s32 $0xFFFFC000  }
0x527: {  	v3 =	vld [tilespmem:$0x680];
	_ =	sdelay $0x4  }
0x528: {  	v40 =	vshll.u32 v3, $0x1  }
0x529: {  	v3 =	vand.u32 $0x7, v3;
	v4 =	vand.u32 $0xFFFFFFF0, v40  }
0x52a: {  	v3 =	vor.u32 v3, v4  }
0x52b: {  	v4 =	vperm.xlane v3, v0;
	_ =	sdelay $0x1  }
0x52c: {  	v3 =	vperm.xlane v3, v2;
	v4 =	vadd.s32 v1, v4;
	_ =	sdelay $0x1  }
0x52d: {  	v3 =	vadd.s32 v1, v3;
	_ =	sdelay $0x2  }
0x52e: {  	[tilespmem:s18], [sflag:$0x6] =	stream.indirect_vreg.gather [hbm4b:s1+s3], $0x80, v4, vm0, $0xb8;
	[tilespmem:$0x1C800] =	vst v63  }
0x52f: {  	s0 =	simm.s32 $0x15000  }
0x530: {  	[tilespmem:s0], [sflag:$0x6] =	stream.indirect_vreg.gather [hbm4b:s1+s3], $0x80, v3, vm0, $0xb8;
	[tilespmem:$0x1C800] =	vst v63  }
0x531: {  	v3 =	vld [tilespmem:$0x690];
	_ =	sdelay $0x4  }
0x532: {  	v41 =	vshll.u32 v3, $0x1  }
0x533: {  	v3 =	vand.u32 $0x7, v3;
	v4 =	vand.u32 $0xFFFFFFF0, v41  }
0x534: {  	v3 =	vor.u32 v3, v4  }
0x535: {  	v4 =	vperm.xlane v3, v0;
	_ =	sdelay $0x1  }
0x536: {  	v3 =	vperm.xlane v3, v2;
	v4 =	vadd.s32 v1, v4;
	_ =	sdelay $0x1  }
0x537: {  	v3 =	vadd.s32 v1, v3;
	_ =	sdelay $0x1  }
0x538: {  	s0 =	simm.s32 $0x15800  }
0x539: {  	[tilespmem:s0], [sflag:$0x6] =	stream.indirect_vreg.gather [hbm4b:s1+s3], $0x80, v4, vm0, $0xb8;
	[tilespmem:$0x1C800] =	vst v63  }
0x53a: {  	s0 =	simm.s32 $0x16000  }
0x53b: {  	[tilespmem:s0], [sflag:$0x6] =	stream.indirect_vreg.gather [hbm4b:s1+s3], $0x80, v3, vm0, $0xb8;
	[tilespmem:$0x1C800] =	vst v63  }
0x53c: {  	v3 =	vld [tilespmem:$0x6A0];
	_ =	sdelay $0x4  }
0x53d: {  	v42 =	vshll.u32 v3, $0x1  }
0x53e: {  	v3 =	vand.u32 $0x7, v3;
	v4 =	vand.u32 $0xFFFFFFF0, v42  }
0x53f: {  	v3 =	vor.u32 v3, v4  }
0x540: {  	v4 =	vperm.xlane v3, v0;
	_ =	sdelay $0x1  }
0x541: {  	v3 =	vperm.xlane v3, v2;
	v4 =	vadd.s32 v1, v4;
	_ =	sdelay $0x1  }
0x542: {  	v3 =	vadd.s32 v1, v3;
	_ =	sdelay $0x1  }
0x543: {  	s0 =	simm.s32 $0x16800  }
0x544: {  	[tilespmem:s0], [sflag:$0x6] =	stream.indirect_vreg.gather [hbm4b:s1+s3], $0x80, v4, vm0, $0xb8;
	[tilespmem:$0x1C800] =	vst v63  }
0x545: {  	s0 =	simm.s32 $0x17000  }
0x546: {  	[tilespmem:s0], [sflag:$0x6] =	stream.indirect_vreg.gather [hbm4b:s1+s3], $0x80, v3, vm0, $0xb8;
	[tilespmem:$0x1C800] =	vst v63  }
0x547: {  	v3 =	vld [tilespmem:$0x6B0];
	_ =	sdelay $0x4  }
0x548: {  	v43 =	vshll.u32 v3, $0x1  }
0x549: {  	v3 =	vand.u32 $0x7, v3;
	v4 =	vand.u32 $0xFFFFFFF0, v43  }
0x54a: {  	v3 =	vor.u32 v3, v4  }
0x54b: {  	v4 =	vperm.xlane v3, v0;
	_ =	sdelay $0x1  }
0x54c: {  	v3 =	vperm.xlane v3, v2;
	v4 =	vadd.s32 v1, v4;
	_ =	sdelay $0x1  }
0x54d: {  	v3 =	vadd.s32 v1, v3;
	_ =	sdelay $0x1  }
0x54e: {  	s0 =	simm.s32 $0x17800  }
0x54f: {  	[tilespmem:s0], [sflag:$0x6] =	stream.indirect_vreg.gather [hbm4b:s1+s3], $0x80, v4, vm0, $0xb8;
	[tilespmem:$0x1C800] =	vst v63  }
0x550: {  	s0 =	simm.s32 $0x18000  }
0x551: {  	[tilespmem:s0], [sflag:$0x6] =	stream.indirect_vreg.gather [hbm4b:s1+s3], $0x80, v3, vm0, $0xb8;
	[tilespmem:$0x1C800] =	vst v63  }
0x552: {  	_ =	swait.ge [sflag:s17], $0x4000  }
0x553: {  	[sflag:s17] =	ssyncset.done $0x0  }
0x554: {  	s0 =	rddreg [dreg:$0x1b];
	[sflag:s17] =	ssyncadd.s32 $0xFFFFC000  }
0x555: {  	[hbm4b:s0+s3] =	stream.linear.scatter [tilespmem:s23], [sflag:$0xA], $0x4000, $0x38;
	[tilespmem:$0x1C800] =	vst v63  }
0x556: {  	_ =	swait.ge [sflag:s31], $0x4000  }
0x557: {  	[sflag:s31] =	ssyncset.done $0x0  }
0x558: {  	[sflag:s31] =	ssyncadd.s32 $0xFFFFC000  }
0x559: {  	v3 =	vld [tilespmem:$0x6C0];
	_ =	sdelay $0x4  }
0x55a: {  	v44 =	vshll.u32 v3, $0x1  }
0x55b: {  	v3 =	vand.u32 $0x7, v3;
	v4 =	vand.u32 $0xFFFFFFF0, v44  }
0x55c: {  	v3 =	vor.u32 v3, v4  }
0x55d: {  	v4 =	vperm.xlane v3, v0;
	_ =	sdelay $0x1  }
0x55e: {  	v3 =	vperm.xlane v3, v2;
	v4 =	vadd.s32 v1, v4;
	_ =	sdelay $0x1  }
0x55f: {  	v3 =	vadd.s32 v1, v3;
	_ =	sdelay $0x2  }
0x560: {  	[tilespmem:s7], [sflag:$0x7] =	stream.indirect_vreg.gather [hbm4b:s1+s3], $0x80, v4, vm0, $0xb8;
	[tilespmem:$0x1C800] =	vst v63  }
0x561: {  	s0 =	simm.s32 $0x19000  }
0x562: {  	[tilespmem:s0], [sflag:$0x7] =	stream.indirect_vreg.gather [hbm4b:s1+s3], $0x80, v3, vm0, $0xb8;
	[tilespmem:$0x1C800] =	vst v63  }
0x563: {  	v3 =	vld [tilespmem:$0x6D0];
	_ =	sdelay $0x4  }
0x564: {  	v45 =	vshll.u32 v3, $0x1  }
0x565: {  	v3 =	vand.u32 $0x7, v3;
	v4 =	vand.u32 $0xFFFFFFF0, v45  }
0x566: {  	v3 =	vor.u32 v3, v4  }
0x567: {  	v4 =	vperm.xlane v3, v0;
	_ =	sdelay $0x1  }
0x568: {  	v3 =	vperm.xlane v3, v2;
	v4 =	vadd.s32 v1, v4;
	_ =	sdelay $0x1  }
0x569: {  	v3 =	vadd.s32 v1, v3;
	_ =	sdelay $0x1  }
0x56a: {  	s6 =	simm.s32 $0x19800  }
0x56b: {  	[tilespmem:s6], [sflag:$0x7] =	stream.indirect_vreg.gather [hbm4b:s1+s3], $0x80, v4, vm0, $0xb8;
	[tilespmem:$0x1C800] =	vst v63  }
0x56c: {  	s6 =	simm.s32 $0x1A000  }
0x56d: {  	[tilespmem:s6], [sflag:$0x7] =	stream.indirect_vreg.gather [hbm4b:s1+s3], $0x80, v3, vm0, $0xb8;
	[tilespmem:$0x1C800] =	vst v63  }
0x56e: {  	v3 =	vld [tilespmem:$0x6E0];
	_ =	sdelay $0x4  }
0x56f: {  	v46 =	vshll.u32 v3, $0x1  }
0x570: {  	v3 =	vand.u32 $0x7, v3;
	v4 =	vand.u32 $0xFFFFFFF0, v46  }
0x571: {  	v3 =	vor.u32 v3, v4  }
0x572: {  	v4 =	vperm.xlane v3, v0;
	_ =	sdelay $0x1  }
0x573: {  	v3 =	vperm.xlane v3, v2;
	v4 =	vadd.s32 v1, v4;
	_ =	sdelay $0x1  }
0x574: {  	v3 =	vadd.s32 v1, v3;
	_ =	sdelay $0x1  }
0x575: {  	s8 =	simm.s32 $0x1A800  }
0x576: {  	[tilespmem:s8], [sflag:$0x7] =	stream.indirect_vreg.gather [hbm4b:s1+s3], $0x80, v4, vm0, $0xb8;
	[tilespmem:$0x1C800] =	vst v63  }
0x577: {  	s6 =	simm.s32 $0x1B000  }
0x578: {  	[tilespmem:s6], [sflag:$0x7] =	stream.indirect_vreg.gather [hbm4b:s1+s3], $0x80, v3, vm0, $0xb8;
	[tilespmem:$0x1C800] =	vst v63  }
0x579: {  	v3 =	vld [tilespmem:$0x6F0];
	_ =	sdelay $0x4  }
0x57a: {  	v47 =	vshll.u32 v3, $0x1  }
0x57b: {  	v3 =	vand.u32 $0x7, v3;
	v4 =	vand.u32 $0xFFFFFFF0, v47  }
0x57c: {  	v3 =	vor.u32 v3, v4  }
0x57d: {  	v4 =	vperm.xlane v3, v0;
	_ =	sdelay $0x1  }
0x57e: {  	v3 =	vperm.xlane v3, v2;
	v4 =	vadd.s32 v1, v4;
	_ =	sdelay $0x1  }
0x57f: {  	v3 =	vadd.s32 v1, v3;
	_ =	sdelay $0x1  }
0x580: {  	s9 =	simm.s32 $0x1B800  }
0x581: {  	[tilespmem:s9], [sflag:$0x7] =	stream.indirect_vreg.gather [hbm4b:s1+s3], $0x80, v4, vm0, $0xb8;
	[tilespmem:$0x1C800] =	vst v63  }
0x582: {  	s8 =	simm.s32 $0x1C000  }
0x583: {  	[tilespmem:s8], [sflag:$0x7] =	stream.indirect_vreg.gather [hbm4b:s1+s3], $0x80, v3, vm0, $0xb8;
	[tilespmem:$0x1C800] =	vst v63  }
0x584: {  	_ =	swait.ge [sflag:s19], $0x4000  }
0x585: {  	[sflag:s19] =	ssyncset.done $0x0  }
0x586: {  	s9 =	rddreg [dreg:$0x1c];
	[sflag:s19] =	ssyncadd.s32 $0xFFFFC000  }
0x587: {  	[hbm4b:s9+s3] =	stream.linear.scatter [tilespmem:s2], [sflag:$0xB], $0x4000, $0x38;
	[tilespmem:$0x1C800] =	vst v63  }
0x588: {  	_ =	swait.ge [sflag:s20], $0x4000  }
0x589: {  	[sflag:s20] =	ssyncset.done $0x0  }
0x58a: {  	[sflag:s20] =	ssyncadd.s32 $0xFFFFC000  }
0x58b: {  	v3 =	vld [tilespmem:$0x700];
	_ =	sdelay $0x4  }
0x58c: {  	v48 =	vshll.u32 v3, $0x1  }
0x58d: {  	v3 =	vand.u32 $0x7, v3;
	v4 =	vand.u32 $0xFFFFFFF0, v48  }
0x58e: {  	v3 =	vor.u32 v3, v4  }
0x58f: {  	v4 =	vperm.xlane v3, v0;
	_ =	sdelay $0x1  }
0x590: {  	v3 =	vperm.xlane v3, v2;
	v4 =	vadd.s32 v1, v4;
	_ =	sdelay $0x1  }
0x591: {  	v3 =	vadd.s32 v1, v3;
	_ =	sdelay $0x2  }
0x592: {  	[tilespmem:s4], [sflag:$0x1] =	stream.indirect_vreg.gather [hbm4b:s1+s3], $0x80, v4, vm0, $0xb8;
	[tilespmem:$0x1C800] =	vst v63  }
0x593: {  	s6 =	simm.s32 $0x1000  }
0x594: {  	[tilespmem:s6], [sflag:$0x1] =	stream.indirect_vreg.gather [hbm4b:s1+s3], $0x80, v3, vm0, $0xb8;
	[tilespmem:$0x1C800] =	vst v63  }
0x595: {  	v3 =	vld [tilespmem:$0x710];
	_ =	sdelay $0x4  }
0x596: {  	v49 =	vshll.u32 v3, $0x1  }
0x597: {  	v3 =	vand.u32 $0x7, v3;
	v4 =	vand.u32 $0xFFFFFFF0, v49  }
0x598: {  	v3 =	vor.u32 v3, v4  }
0x599: {  	v4 =	vperm.xlane v3, v0;
	_ =	sdelay $0x1  }
0x59a: {  	v3 =	vperm.xlane v3, v2;
	v4 =	vadd.s32 v1, v4;
	_ =	sdelay $0x1  }
0x59b: {  	v3 =	vadd.s32 v1, v3;
	_ =	sdelay $0x1  }
0x59c: {  	s8 =	simm.s32 $0x1800  }
0x59d: {  	[tilespmem:s8], [sflag:$0x1] =	stream.indirect_vreg.gather [hbm4b:s1+s3], $0x80, v4, vm0, $0xb8;
	[tilespmem:$0x1C800] =	vst v63  }
0x59e: {  	s9 =	simm.s32 $0x2000  }
0x59f: {  	[tilespmem:s9], [sflag:$0x1] =	stream.indirect_vreg.gather [hbm4b:s1+s3], $0x80, v3, vm0, $0xb8;
	[tilespmem:$0x1C800] =	vst v63  }
0x5a0: {  	v3 =	vld [tilespmem:$0x720];
	_ =	sdelay $0x4  }
0x5a1: {  	v50 =	vshll.u32 v3, $0x1  }
0x5a2: {  	v3 =	vand.u32 $0x7, v3;
	v4 =	vand.u32 $0xFFFFFFF0, v50  }
0x5a3: {  	v3 =	vor.u32 v3, v4  }
0x5a4: {  	v4 =	vperm.xlane v3, v0;
	_ =	sdelay $0x1  }
0x5a5: {  	v3 =	vperm.xlane v3, v2;
	v4 =	vadd.s32 v1, v4;
	_ =	sdelay $0x1  }
0x5a6: {  	v3 =	vadd.s32 v1, v3;
	_ =	sdelay $0x1  }
0x5a7: {  	s6 =	simm.s32 $0x2800  }
0x5a8: {  	[tilespmem:s6], [sflag:$0x1] =	stream.indirect_vreg.gather [hbm4b:s1+s3], $0x80, v4, vm0, $0xb8;
	[tilespmem:$0x1C800] =	vst v63  }
0x5a9: {  	s8 =	simm.s32 $0x3000  }
0x5aa: {  	[tilespmem:s8], [sflag:$0x1] =	stream.indirect_vreg.gather [hbm4b:s1+s3], $0x80, v3, vm0, $0xb8;
	[tilespmem:$0x1C800] =	vst v63  }
0x5ab: {  	v3 =	vld [tilespmem:$0x730];
	_ =	sdelay $0x4  }
0x5ac: {  	v51 =	vshll.u32 v3, $0x1  }
0x5ad: {  	v3 =	vand.u32 $0x7, v3;
	v4 =	vand.u32 $0xFFFFFFF0, v51  }
0x5ae: {  	v3 =	vor.u32 v3, v4  }
0x5af: {  	v4 =	vperm.xlane v3, v0;
	_ =	sdelay $0x1  }
0x5b0: {  	v3 =	vperm.xlane v3, v2;
	v4 =	vadd.s32 v1, v4;
	_ =	sdelay $0x1  }
0x5b1: {  	v3 =	vadd.s32 v1, v3;
	_ =	sdelay $0x1  }
0x5b2: {  	s9 =	simm.s32 $0x3800  }
0x5b3: {  	[tilespmem:s9], [sflag:$0x1] =	stream.indirect_vreg.gather [hbm4b:s1+s3], $0x80, v4, vm0, $0xb8;
	[tilespmem:$0x1C800] =	vst v63  }
0x5b4: {  	s6 =	simm.s32 $0x4000  }
0x5b5: {  	[tilespmem:s6], [sflag:$0x1] =	stream.indirect_vreg.gather [hbm4b:s1+s3], $0x80, v3, vm0, $0xb8;
	[tilespmem:$0x1C800] =	vst v63  }
0x5b6: {  	_ =	swait.ge [sflag:s21], $0x4000  }
0x5b7: {  	[sflag:s21] =	ssyncset.done $0x0  }
0x5b8: {  	s8 =	rddreg [dreg:$0x1d];
	[sflag:s21] =	ssyncadd.s32 $0xFFFFC000  }
0x5b9: {  	[hbm4b:s8+s3] =	stream.linear.scatter [tilespmem:s16], [sflag:$0xC], $0x4000, $0x38;
	[tilespmem:$0x1C800] =	vst v63  }
0x5ba: {  	_ =	swait.ge [sflag:s22], $0x4000  }
0x5bb: {  	[sflag:s22] =	ssyncset.done $0x0  }
0x5bc: {  	[sflag:s22] =	ssyncadd.s32 $0xFFFFC000  }
0x5bd: {  	v3 =	vld [tilespmem:$0x740];
	_ =	sdelay $0x4  }
0x5be: {  	v52 =	vshll.u32 v3, $0x1  }
0x5bf: {  	v3 =	vand.u32 $0x7, v3;
	v4 =	vand.u32 $0xFFFFFFF0, v52  }
0x5c0: {  	v3 =	vor.u32 v3, v4  }
0x5c1: {  	v4 =	vperm.xlane v3, v0;
	_ =	sdelay $0x1  }
0x5c2: {  	v3 =	vperm.xlane v3, v2;
	v4 =	vadd.s32 v1, v4;
	_ =	sdelay $0x1  }
0x5c3: {  	v3 =	vadd.s32 v1, v3;
	_ =	sdelay $0x2  }
0x5c4: {  	[tilespmem:s15], [sflag:$0x2] =	stream.indirect_vreg.gather [hbm4b:s1+s3], $0x80, v4, vm0, $0xb8;
	[tilespmem:$0x1C800] =	vst v63  }
0x5c5: {  	s9 =	simm.s32 $0x5000  }
0x5c6: {  	[tilespmem:s9], [sflag:$0x2] =	stream.indirect_vreg.gather [hbm4b:s1+s3], $0x80, v3, vm0, $0xb8;
	[tilespmem:$0x1C800] =	vst v63  }
0x5c7: {  	v3 =	vld [tilespmem:$0x750];
	_ =	sdelay $0x4  }
0x5c8: {  	v53 =	vshll.u32 v3, $0x1  }
0x5c9: {  	v3 =	vand.u32 $0x7, v3;
	v4 =	vand.u32 $0xFFFFFFF0, v53  }
0x5ca: {  	v3 =	vor.u32 v3, v4  }
0x5cb: {  	v4 =	vperm.xlane v3, v0;
	_ =	sdelay $0x1  }
0x5cc: {  	v3 =	vperm.xlane v3, v2;
	v4 =	vadd.s32 v1, v4;
	_ =	sdelay $0x1  }
0x5cd: {  	v3 =	vadd.s32 v1, v3;
	_ =	sdelay $0x1  }
0x5ce: {  	s6 =	simm.s32 $0x5800  }
0x5cf: {  	[tilespmem:s6], [sflag:$0x2] =	stream.indirect_vreg.gather [hbm4b:s1+s3], $0x80, v4, vm0, $0xb8;
	[tilespmem:$0x1C800] =	vst v63  }
0x5d0: {  	s8 =	simm.s32 $0x6000  }
0x5d1: {  	[tilespmem:s8], [sflag:$0x2] =	stream.indirect_vreg.gather [hbm4b:s1+s3], $0x80, v3, vm0, $0xb8;
	[tilespmem:$0x1C800] =	vst v63  }
0x5d2: {  	v3 =	vld [tilespmem:$0x760];
	_ =	sdelay $0x4  }
0x5d3: {  	v54 =	vshll.u32 v3, $0x1  }
0x5d4: {  	v3 =	vand.u32 $0x7, v3;
	v4 =	vand.u32 $0xFFFFFFF0, v54  }
0x5d5: {  	v3 =	vor.u32 v3, v4  }
0x5d6: {  	v4 =	vperm.xlane v3, v0;
	_ =	sdelay $0x1  }
0x5d7: {  	v3 =	vperm.xlane v3, v2;
	v4 =	vadd.s32 v1, v4;
	_ =	sdelay $0x1  }
0x5d8: {  	v3 =	vadd.s32 v1, v3;
	_ =	sdelay $0x1  }
0x5d9: {  	s9 =	simm.s32 $0x6800  }
0x5da: {  	[tilespmem:s9], [sflag:$0x2] =	stream.indirect_vreg.gather [hbm4b:s1+s3], $0x80, v4, vm0, $0xb8;
	[tilespmem:$0x1C800] =	vst v63  }
0x5db: {  	s6 =	simm.s32 $0x7000  }
0x5dc: {  	[tilespmem:s6], [sflag:$0x2] =	stream.indirect_vreg.gather [hbm4b:s1+s3], $0x80, v3, vm0, $0xb8;
	[tilespmem:$0x1C800] =	vst v63  }
0x5dd: {  	v3 =	vld [tilespmem:$0x770];
	_ =	sdelay $0x4  }
0x5de: {  	v55 =	vshll.u32 v3, $0x1  }
0x5df: {  	v3 =	vand.u32 $0x7, v3;
	v4 =	vand.u32 $0xFFFFFFF0, v55  }
0x5e0: {  	v3 =	vor.u32 v3, v4  }
0x5e1: {  	v4 =	vperm.xlane v3, v0;
	_ =	sdelay $0x1  }
0x5e2: {  	v3 =	vperm.xlane v3, v2;
	v4 =	vadd.s32 v1, v4;
	_ =	sdelay $0x1  }
0x5e3: {  	v3 =	vadd.s32 v1, v3;
	_ =	sdelay $0x1  }
0x5e4: {  	s8 =	simm.s32 $0x7800  }
0x5e5: {  	[tilespmem:s8], [sflag:$0x2] =	stream.indirect_vreg.gather [hbm4b:s1+s3], $0x80, v4, vm0, $0xb8;
	[tilespmem:$0x1C800] =	vst v63  }
0x5e6: {  	s9 =	simm.s32 $0x8000  }
0x5e7: {  	[tilespmem:s9], [sflag:$0x2] =	stream.indirect_vreg.gather [hbm4b:s1+s3], $0x80, v3, vm0, $0xb8;
	[tilespmem:$0x1C800] =	vst v63  }
0x5e8: {  	_ =	swait.ge [sflag:s24], $0x4000  }
0x5e9: {  	[sflag:s24] =	ssyncset.done $0x0  }
0x5ea: {  	s6 =	rddreg [dreg:$0x1e];
	[sflag:s24] =	ssyncadd.s32 $0xFFFFC000  }
0x5eb: {  	[hbm4b:s6+s3] =	stream.linear.scatter [tilespmem:s18], [sflag:$0xD], $0x4000, $0x38;
	[tilespmem:$0x1C800] =	vst v63  }
0x5ec: {  	_ =	swait.ge [sflag:s25], $0x4000  }
0x5ed: {  	[sflag:s25] =	ssyncset.done $0x0  }
0x5ee: {  	[sflag:s25] =	ssyncadd.s32 $0xFFFFC000  }
0x5ef: {  	v3 =	vld [tilespmem:$0x780];
	_ =	sdelay $0x4  }
0x5f0: {  	v56 =	vshll.u32 v3, $0x1  }
0x5f1: {  	v3 =	vand.u32 $0x7, v3;
	v4 =	vand.u32 $0xFFFFFFF0, v56  }
0x5f2: {  	v3 =	vor.u32 v3, v4  }
0x5f3: {  	v4 =	vperm.xlane v3, v0;
	_ =	sdelay $0x1  }
0x5f4: {  	v3 =	vperm.xlane v3, v2;
	v4 =	vadd.s32 v1, v4;
	_ =	sdelay $0x1  }
0x5f5: {  	v3 =	vadd.s32 v1, v3;
	_ =	sdelay $0x2  }
0x5f6: {  	[tilespmem:s23], [sflag:$0x3] =	stream.indirect_vreg.gather [hbm4b:s1+s3], $0x80, v4, vm0, $0xb8;
	[tilespmem:$0x1C800] =	vst v63  }
0x5f7: {  	s8 =	simm.s32 $0x9000  }
0x5f8: {  	[tilespmem:s8], [sflag:$0x3] =	stream.indirect_vreg.gather [hbm4b:s1+s3], $0x80, v3, vm0, $0xb8;
	[tilespmem:$0x1C800] =	vst v63  }
0x5f9: {  	v3 =	vld [tilespmem:$0x790];
	_ =	sdelay $0x4  }
0x5fa: {  	v57 =	vshll.u32 v3, $0x1  }
0x5fb: {  	v3 =	vand.u32 $0x7, v3;
	v4 =	vand.u32 $0xFFFFFFF0, v57  }
0x5fc: {  	v3 =	vor.u32 v3, v4  }
0x5fd: {  	v4 =	vperm.xlane v3, v0;
	_ =	sdelay $0x1  }
0x5fe: {  	v3 =	vperm.xlane v3, v2;
	v4 =	vadd.s32 v1, v4;
	_ =	sdelay $0x1  }
0x5ff: {  	v3 =	vadd.s32 v1, v3;
	_ =	sdelay $0x1  }
0x600: {  	s9 =	simm.s32 $0x9800  }
0x601: {  	[tilespmem:s9], [sflag:$0x3] =	stream.indirect_vreg.gather [hbm4b:s1+s3], $0x80, v4, vm0, $0xb8;
	[tilespmem:$0x1C800] =	vst v63  }
0x602: {  	s6 =	simm.s32 $0xA000  }
0x603: {  	[tilespmem:s6], [sflag:$0x3] =	stream.indirect_vreg.gather [hbm4b:s1+s3], $0x80, v3, vm0, $0xb8;
	[tilespmem:$0x1C800] =	vst v63  }
0x604: {  	v3 =	vld [tilespmem:$0x7A0];
	_ =	sdelay $0x4  }
0x605: {  	v58 =	vshll.u32 v3, $0x1  }
0x606: {  	v3 =	vand.u32 $0x7, v3;
	v4 =	vand.u32 $0xFFFFFFF0, v58  }
0x607: {  	v3 =	vor.u32 v3, v4  }
0x608: {  	v4 =	vperm.xlane v3, v0;
	_ =	sdelay $0x1  }
0x609: {  	v3 =	vperm.xlane v3, v2;
	v4 =	vadd.s32 v1, v4;
	_ =	sdelay $0x1  }
0x60a: {  	v3 =	vadd.s32 v1, v3;
	_ =	sdelay $0x1  }
0x60b: {  	s8 =	simm.s32 $0xA800  }
0x60c: {  	[tilespmem:s8], [sflag:$0x3] =	stream.indirect_vreg.gather [hbm4b:s1+s3], $0x80, v4, vm0, $0xb8;
	[tilespmem:$0x1C800] =	vst v63  }
0x60d: {  	s9 =	simm.s32 $0xB000  }
0x60e: {  	[tilespmem:s9], [sflag:$0x3] =	stream.indirect_vreg.gather [hbm4b:s1+s3], $0x80, v3, vm0, $0xb8;
	[tilespmem:$0x1C800] =	vst v63  }
0x60f: {  	v3 =	vld [tilespmem:$0x7B0];
	_ =	sdelay $0x4  }
0x610: {  	v59 =	vshll.u32 v3, $0x1  }
0x611: {  	v3 =	vand.u32 $0x7, v3;
	v4 =	vand.u32 $0xFFFFFFF0, v59  }
0x612: {  	v3 =	vor.u32 v3, v4  }
0x613: {  	v4 =	vperm.xlane v3, v0;
	_ =	sdelay $0x1  }
0x614: {  	v3 =	vperm.xlane v3, v2;
	v4 =	vadd.s32 v1, v4;
	_ =	sdelay $0x1  }
0x615: {  	v3 =	vadd.s32 v1, v3;
	_ =	sdelay $0x1  }
0x616: {  	s6 =	simm.s32 $0xB800  }
0x617: {  	[tilespmem:s6], [sflag:$0x3] =	stream.indirect_vreg.gather [hbm4b:s1+s3], $0x80, v4, vm0, $0xb8;
	[tilespmem:$0x1C800] =	vst v63  }
0x618: {  	s8 =	simm.s32 $0xC000  }
0x619: {  	[tilespmem:s8], [sflag:$0x3] =	stream.indirect_vreg.gather [hbm4b:s1+s3], $0x80, v3, vm0, $0xb8;
	[tilespmem:$0x1C800] =	vst v63  }
0x61a: {  	_ =	swait.ge [sflag:s26], $0x4000  }
0x61b: {  	[sflag:s26] =	ssyncset.done $0x0  }
0x61c: {  	s9 =	rddreg [dreg:$0x1f];
	[sflag:s26] =	ssyncadd.s32 $0xFFFFC000  }
0x61d: {  	[hbm4b:s9+s3] =	stream.linear.scatter [tilespmem:s7], [sflag:$0xE], $0x4000, $0x38;
	[tilespmem:$0x1C800] =	vst v63  }
0x61e: {  	_ =	swait.ge [sflag:s28], $0x4000  }
0x61f: {  	[sflag:s28] =	ssyncset.done $0x0  }
0x620: {  	[sflag:s28] =	ssyncadd.s32 $0xFFFFC000  }
0x621: {  	v3 =	vld [tilespmem:$0x7C0];
	_ =	sdelay $0x4  }
0x622: {  	v60 =	vshll.u32 v3, $0x1  }
0x623: {  	v3 =	vand.u32 $0x7, v3;
	v4 =	vand.u32 $0xFFFFFFF0, v60  }
0x624: {  	v3 =	vor.u32 v3, v4  }
0x625: {  	v4 =	vperm.xlane v3, v0;
	_ =	sdelay $0x1  }
0x626: {  	v3 =	vperm.xlane v3, v2;
	v4 =	vadd.s32 v1, v4;
	_ =	sdelay $0x1  }
0x627: {  	v3 =	vadd.s32 v1, v3;
	_ =	sdelay $0x2  }
0x628: {  	[tilespmem:s2], [sflag:$0x4] =	stream.indirect_vreg.gather [hbm4b:s1+s3], $0x80, v4, vm0, $0xb8;
	[tilespmem:$0x1C800] =	vst v63  }
0x629: {  	s11 =	simm.s32 $0xD000  }
0x62a: {  	[tilespmem:s11], [sflag:$0x4] =	stream.indirect_vreg.gather [hbm4b:s1+s3], $0x80, v3, vm0, $0xb8;
	[tilespmem:$0x1C800] =	vst v63  }
0x62b: {  	v3 =	vld [tilespmem:$0x7D0];
	_ =	sdelay $0x4  }
0x62c: {  	v61 =	vshll.u32 v3, $0x1  }
0x62d: {  	v3 =	vand.u32 $0x7, v3;
	v4 =	vand.u32 $0xFFFFFFF0, v61  }
0x62e: {  	v3 =	vor.u32 v3, v4  }
0x62f: {  	v4 =	vperm.xlane v3, v0;
	_ =	sdelay $0x1  }
0x630: {  	v3 =	vperm.xlane v3, v2;
	v4 =	vadd.s32 v1, v4;
	_ =	sdelay $0x1  }
0x631: {  	v3 =	vadd.s32 v1, v3;
	_ =	sdelay $0x1  }
0x632: {  	s10 =	simm.s32 $0xD800  }
0x633: {  	[tilespmem:s10], [sflag:$0x4] =	stream.indirect_vreg.gather [hbm4b:s1+s3], $0x80, v4, vm0, $0xb8;
	[tilespmem:$0x1C800] =	vst v63  }
0x634: {  	s11 =	simm.s32 $0xE000  }
0x635: {  	[tilespmem:s11], [sflag:$0x4] =	stream.indirect_vreg.gather [hbm4b:s1+s3], $0x80, v3, vm0, $0xb8;
	[tilespmem:$0x1C800] =	vst v63  }
0x636: {  	v3 =	vld [tilespmem:$0x7E0];
	_ =	sdelay $0x4  }
0x637: {  	v62 =	vshll.u32 v3, $0x1  }
0x638: {  	v3 =	vand.u32 $0x7, v3;
	v4 =	vand.u32 $0xFFFFFFF0, v62  }
0x639: {  	v3 =	vor.u32 v3, v4  }
0x63a: {  	v4 =	vperm.xlane v3, v0;
	_ =	sdelay $0x1  }
0x63b: {  	v3 =	vperm.xlane v3, v2;
	v4 =	vadd.s32 v1, v4;
	_ =	sdelay $0x1  }
0x63c: {  	v3 =	vadd.s32 v1, v3;
	_ =	sdelay $0x1  }
0x63d: {  	s13 =	simm.s32 $0xE800  }
0x63e: {  	[tilespmem:s13], [sflag:$0x4] =	stream.indirect_vreg.gather [hbm4b:s1+s3], $0x80, v4, vm0, $0xb8;
	[tilespmem:$0x1C800] =	vst v63  }
0x63f: {  	s13 =	simm.s32 $0xF000  }
0x640: {  	[tilespmem:s13], [sflag:$0x4] =	stream.indirect_vreg.gather [hbm4b:s1+s3], $0x80, v3, vm0, $0xb8;
	[tilespmem:$0x1C800] =	vst v63  }
0x641: {  	v3 =	vld [tilespmem:$0x7F0];
	_ =	sdelay $0x4  }
0x642: {  	v63 =	vshll.u32 v3, $0x1  }
0x643: {  	v3 =	vand.u32 $0x7, v3;
	v4 =	vand.u32 $0xFFFFFFF0, v63  }
0x644: {  	v3 =	vor.u32 v3, v4  }
0x645: {  	v4 =	vperm.xlane v3, v0;
	_ =	sdelay $0x1  }
0x646: {  	v3 =	vperm.xlane v3, v2;
	v4 =	vadd.s32 v1, v4;
	_ =	sdelay $0x1  }
0x647: {  	v3 =	vadd.s32 v1, v3;
	_ =	sdelay $0x1  }
0x648: {  	s6 =	simm.s32 $0xF800  }
0x649: {  	[tilespmem:s6], [sflag:$0x4] =	stream.indirect_vreg.gather [hbm4b:s1+s3], $0x80, v4, vm0, $0xb8;
	[tilespmem:$0x1C800] =	vst v63  }
0x64a: {  	s8 =	simm.s32 $0x10000  }
0x64b: {  	[tilespmem:s8], [sflag:$0x4] =	stream.indirect_vreg.gather [hbm4b:s1+s3], $0x80, v3, vm0, $0xb8;
	[tilespmem:$0x1C800] =	vst v63  }
0x64c: {  	_ =	swait.ge [sflag:s12], $0x4000  }
0x64d: {  	s9 =	sld [smem:$0x7F9]  }
0x64e: {  	[sflag:s12] =	ssyncset.done $0x0  }
0x64f: {  	[sflag:s12] =	ssyncadd.s32 $0xFFFFC000  }
0x650: {  	[hbm4b:s9+s3] =	stream.linear.scatter [tilespmem:s4], [sflag:$0x8], $0x4000, $0x38;
	[tilespmem:$0x1C800] =	vst v63  }
0x651: {  	_ =	swait.ge [sflag:s14], $0x4000  }
0x652: {  	s10 =	sld [smem:$0x7FA]  }
0x653: {  	[sflag:s14] =	ssyncset.done $0x0  }
0x654: {  	[sflag:s14] =	ssyncadd.s32 $0xFFFFC000  }
0x655: {  	[hbm4b:s10+s3] =	stream.linear.scatter [tilespmem:s15], [sflag:$0x9], $0x4000, $0x38;
	[tilespmem:$0x1C800] =	vst v63  }
0x656: {  	_ =	swait.ge [sflag:s17], $0x4000  }
0x657: {  	s11 =	sld [smem:$0x7FB]  }
0x658: {  	[sflag:s17] =	ssyncset.done $0x0  }
0x659: {  	[sflag:s17] =	ssyncadd.s32 $0xFFFFC000  }
0x65a: {  	[hbm4b:s11+s3] =	stream.linear.scatter [tilespmem:s23], [sflag:$0xA], $0x4000, $0x38;
	[tilespmem:$0x1C800] =	vst v63  }
0x65b: {  	_ =	swait.ge [sflag:s19], $0x4000  }
0x65c: {  	s13 =	sld [smem:$0x7FD]  }
0x65d: {  	[sflag:s19] =	ssyncset.done $0x0  }
0x65e: {  	[sflag:s19] =	ssyncadd.s32 $0xFFFFC000  }
0x65f: {  	[hbm4b:s13+s3] =	stream.linear.scatter [tilespmem:s2], [sflag:$0xB], $0x4000, $0x38;
	[tilespmem:$0x1C800] =	vst v63  }
0x660: {  	_ =	swait.ge [sflag:s29], $0x4000  }
0x661: {  	[sflag:s29] =	ssyncset.done $0x0  }
0x662: {  	[sflag:s29] =	ssyncadd.s32 $0xFFFFC000  }
0x663: {  	_ =	swait.ge [sflag:s30], $0x4000  }
0x664: {  	[sflag:s30] =	ssyncset.done $0x0  }
0x665: {  	[sflag:s30] =	ssyncadd.s32 $0xFFFFC000  }
0x666: {  	_ =	swait.ge [sflag:s31], $0x4000  }
0x667: {  	[sflag:s31] =	ssyncset.done $0x0  }
0x668: {  	[sflag:s31] =	ssyncadd.s32 $0xFFFFC000  }
0x669: {  	_ =	swait.ge [sflag:s20], $0x4000  }
0x66a: {  	[sflag:s20] =	ssyncset.done $0x0  }
0x66b: {  	[sflag:s20] =	ssyncadd.s32 $0xFFFFC000  }
0x66c: {  	_ =	swait.ge [sflag:s22], $0x4000  }
0x66d: {  	[sflag:s22] =	ssyncset.done $0x0  }
0x66e: {  	[sflag:s22] =	ssyncadd.s32 $0xFFFFC000  }
0x66f: {  	p0 =	sne.s32 s5, $0x1;
	_ =	swait.ge [sflag:s25], $0x4000  }
.Ltmp0:
0x670: {  	[sflag:s25] =	ssyncset.done $0x0;
	(pc) =	sbr.rel @p0 .LBB2_1-.Ltmp0, $4  }
0x671: {  	[sflag:s25] =	ssyncadd.s32 $0xFFFFC000  }
0x672: {  	_ =	swait.ge [sflag:s28], $0x4000  }
0x673: {  	[sflag:s28] =	ssyncset.done $0x0  }
0x674: {  	s5 =	sadd.s32 $0xFFFFFFFF, s5;
	[sflag:s28] =	ssyncadd.s32 $0xFFFFC000  }
0x675: {  	_ =	sfence.sel $0x180000  }
0x676: {  	[bflag:$0x0] =	sbarrier.arrive $0xFFFF  }
0x677: {  	_ =	strace $0x90000047  }
0x678: {  	s0 =	stileid.u32;
	[bflag:$0x2] =	sbarrier.arrive $0xFFFF  }
0x679: {  	p0 =	sne.s32 s0, $0x0;
	s0 =	rddreg [dreg:$0x3]  }
0x67a: {  	s0 =	sadd.s32 @!p0 $0x100000, s0  }
0x67b: {  	[sflag:s0] =	ssyncadd.tile.s32 @!p0 $0x1;
	_ =	shalt  }
.Lfunc_end2:
_tile_overlayer_lowered:
.L_overlay_start_2:
0x67c: {  	(tag) =	ssettag $0x2  }
0x67d: {  	s0 =	rddreg [dreg:$0x0];
	s2 =	stileid.u32  }
0x67e: {  	s1 =	rddreg [dreg:$0x1];
	p0 =	sne.s32 s2, $0x0  }
0x67f: {  	s3 =	rddreg [dreg:$0x2];
	[bflag:$0x3] =	sbarrier.arrive $0xFFFF;
	s2 =	simm.s32 @!p0 $0x1C0F  }
0x680: {  	[timem:s3], [sflag:s2] =	dma.local @!p0 [hbm:s0], s1  }
0x681: {  	s0 =	simm.s32 @!p0 $0xF  }
0x682: {  	_ =	swait.ge @!p0 [sflag:s0], s1  }
0x683: {  	s1 =	ssub.s32 @!p0 $0x0, s1;
	[sflag:s0] =	ssyncset.done @!p0 $0x0  }
0x684: {  	[sflag:s0] =	ssyncadd.s32 @!p0 s1  }
0x685: {  	[bflag:$0x3] =	sbarrier.arrive $0xFFFF  }
0x686: {  	_ =	shalt  }

</sc_bundles>
